<compile_context>
chip_gen: v7x
topology: tpu7x:2x2x1
jax: 0.10.2.dev20260603
libtpu: 0.0.44.dev20260713+nightly
codegen_flags: <defaults>
</compile_context>

<pallas_src>
import functools

import jax
import jax.numpy as jnp
from jax import lax
from jax.experimental import pallas as pl
from jax.experimental.pallas import tpu as pltpu
from jax.experimental.pallas import tpu_sc as plsc

N = 10000
E = 320000
NF = 128
NH = 40
NC = 7
D2 = 8
LW = 128

NWORK = 32
CHUNK = 128
NCHUNK = 80
E_PAD = NWORK * NCHUNK * CHUNK
N_PAD = 10240
TRASH = 10100
RPS = N_PAD // 16
NBUF = 4


def _mesh():
    return plsc.VectorSubcoreMesh(core_axis_name="c", subcore_axis_name="s")


_SC_PARAMS = pltpu.CompilerParams(use_tc_tiling_on_sc=False)



@functools.partial(
    pl.kernel,
    out_type=jax.ShapeDtypeStruct((2, N_PAD), jnp.float32),
    mesh=_mesh(),
    compiler_params=_SC_PARAMS,
    scratch_types=[
        pltpu.VMEM((NCHUNK, CHUNK), jnp.int32),
        pltpu.VMEM((CHUNK,), jnp.float32),
        pltpu.VMEM_SHARED((N_PAD,), jnp.float32),
        pltpu.SemaphoreType.DMA,
    ],
)
def _deg_kernel(adj_hbm, zeros_hbm, ones_hbm, out_hbm, dst_v, ones_v,
                acc_sh, sem):
    c = lax.axis_index("c")
    s = lax.axis_index("s")
    wid = c * 16 + s
    pltpu.sync_copy(adj_hbm.at[1, wid], dst_v)
    pltpu.sync_copy(ones_hbm, ones_v)
    sl = pl.ds(s * RPS, RPS)
    pltpu.sync_copy(zeros_hbm.at[sl], acc_sh.at[sl])
    plsc.subcore_barrier()

    def fire(j, carry):
        pltpu.async_copy(ones_v, acc_sh.at[dst_v.at[j]], sem, add=True)
        return carry

    lax.fori_loop(0, NCHUNK, fire, 0)

    def drain(j, carry):
        pltpu.make_async_copy(ones_v, acc_sh.at[dst_v.at[j]], sem).wait()
        return carry

    lax.fori_loop(0, NCHUNK, drain, 0)
    plsc.subcore_barrier()
    pltpu.sync_copy(acc_sh.at[sl], out_hbm.at[c, sl])



def _make_spmm(d, nbuf=NBUF):
    @functools.partial(
        pl.kernel,
        out_type=jax.ShapeDtypeStruct((N_PAD, LW), jnp.float32),
        mesh=_mesh(),
        compiler_params=_SC_PARAMS,
        scratch_types=[
            pltpu.VMEM((NCHUNK, CHUNK), jnp.int32),
            pltpu.VMEM((NCHUNK, CHUNK), jnp.int32),
            pltpu.VMEM((nbuf, CHUNK, d), jnp.float32),
            pltpu.VMEM_SHARED((N_PAD, d), jnp.float32),
            pltpu.VMEM_SHARED((N_PAD, d), jnp.float32),
            pltpu.SemaphoreType.DMA((nbuf,)),
        ],
    )
    def spmm(adj_hbm, y_hbm, zeros_hbm, out_hbm,
             src_v, dst_v, rows_v, acc_sh, y_sh, gsem):
        c = lax.axis_index("c")
        s = lax.axis_index("s")
        wid = c * 16 + s
        pltpu.sync_copy(adj_hbm.at[0, wid], src_v)
        pltpu.sync_copy(adj_hbm.at[1, wid], dst_v)
        sl = pl.ds(s * RPS, RPS)
        pltpu.sync_copy(zeros_hbm.at[sl], acc_sh.at[sl])
        pltpu.sync_copy(y_hbm.at[sl, pl.ds(0, d)], y_sh.at[sl])
        plsc.subcore_barrier()

        for b in range(nbuf):
            pltpu.make_async_copy(
                y_sh.at[src_v.at[b]], rows_v.at[b], gsem.at[b]).start()

        def group(i, carry):
            base = i * nbuf
            for b in range(nbuf):
                j = base + b
                pltpu.make_async_copy(
                    y_sh.at[src_v.at[j]], rows_v.at[b], gsem.at[b]).wait()
                pltpu.sync_copy(rows_v.at[b], acc_sh.at[dst_v.at[j]],
                                add=True)
                nxt = j + nbuf

                @pl.when(nxt < NCHUNK)
                def _():
                    pltpu.make_async_copy(
                        y_sh.at[src_v.at[nxt]], rows_v.at[b],
                        gsem.at[b]).start()
            return carry

        lax.fori_loop(0, NCHUNK // nbuf, group, 0)
        plsc.subcore_barrier()
        pltpu.sync_copy(acc_sh.at[sl], out_hbm.at[sl, pl.ds(c * d, d)])

    return spmm


_spmm40 = _make_spmm(NH)
_spmm8 = _make_spmm(D2, nbuf=8)



BR = 1280
GRID = N_PAD // BR


def _dinv_of(dego_ref):
    deg = dego_ref[0] + dego_ref[1] + 1.0
    return lax.rsqrt(deg)[:, None]


def _mm1_body(x_ref, dego_ref, w_ref, y_ref):
    y = jnp.dot(x_ref[...] * _dinv_of(dego_ref), w_ref[...],
                preferred_element_type=jnp.float32)
    y_ref[...] = jnp.pad(y, ((0, 0), (0, LW - NH)))


def _dense2_body(z1_ref, y1_ref, dego_ref, b1_ref, w2_ref, y2_ref):
    dinv = _dinv_of(dego_ref)
    z1 = z1_ref[:, :NH] + z1_ref[:, NH:2 * NH]
    h = dinv * (z1 + y1_ref[:, :NH]) + b1_ref[...][None, :]
    h = jnp.maximum(h, 0.0)
    y2 = jnp.dot(h, w2_ref[...], preferred_element_type=jnp.float32) * dinv
    y2_ref[...] = jnp.pad(y2, ((0, 0), (0, LW - NC)))


def _final_body(z2_ref, y2_ref, dego_ref, b2_ref, o_ref):
    z2 = z2_ref[:, :D2] + z2_ref[:, D2:2 * D2]
    t = _dinv_of(dego_ref) * (z2 + y2_ref[:, :D2])
    logits = t[:, :NC] + b2_ref[...][None, :]
    m = jnp.max(logits, axis=1, keepdims=True)
    lse = jnp.log(jnp.sum(jnp.exp(logits - m), axis=1, keepdims=True)) + m
    o_ref[...] = logits - lse


def _rows(d):
    return pl.BlockSpec((BR, d), lambda i: (i, 0))


_DEGO_SPEC = pl.BlockSpec((2, BR), lambda i: (0, i))


def _full(shape):
    return pl.BlockSpec(shape, lambda i: tuple(0 for _ in shape))



def kernel(x, adj, W1, b1, W2, b2):
    adj3 = jnp.pad(adj.astype(jnp.int32), ((0, 0), (0, E_PAD - E)),
                   constant_values=TRASH)
    adj3 = adj3.reshape(2, NWORK, NCHUNK, CHUNK)

    zeros1 = jnp.zeros((N_PAD,), jnp.float32)
    zeros40 = jnp.zeros((N_PAD, NH), jnp.float32)
    zeros8 = jnp.zeros((N_PAD, D2), jnp.float32)
    ones = jnp.ones((CHUNK,), jnp.float32)

    dego = _deg_kernel(adj3, zeros1, ones)
    y1 = pl.pallas_call(
        _mm1_body,
        grid=(GRID,),
        in_specs=[_rows(NF), _DEGO_SPEC, _full((NF, NH))],
        out_specs=_rows(LW),
        out_shape=jax.ShapeDtypeStruct((N_PAD, LW), jnp.float32),
    )(x, dego, W1)

    z1 = _spmm40(adj3, y1, zeros40)
    y2 = pl.pallas_call(
        _dense2_body,
        grid=(GRID,),
        in_specs=[_rows(LW), _rows(LW), _DEGO_SPEC, _full((NH,)),
                  _full((NH, NC))],
        out_specs=_rows(LW),
        out_shape=jax.ShapeDtypeStruct((N_PAD, LW), jnp.float32),
    )(z1, y1, dego, b1, W2)

    z2 = _spmm8(adj3, y2, zeros8)
    out = pl.pallas_call(
        _final_body,
        grid=(GRID,),
        in_specs=[_rows(LW), _rows(LW), _DEGO_SPEC, _full((NC,))],
        out_specs=_rows(NC),
        out_shape=jax.ShapeDtypeStruct((N, NC), jnp.float32),
    )(z2, y2, dego, b2)
    return out

# --- scband reference (transcript-rebuilt; emitter-appended) ---
"""Pipeline reference for scband-method-gnn-cora-2680059592878 (READ-ONLY COPY).

The authoritative reference and input builder live on the scoring server;
editing this copy changes nothing except your own understanding.
"""

import jax, jax.numpy as jnp
import numpy as np

N_NODES = 10000
NFEAT = 128
NHID = 40
NCLASS = 7
N_EDGES = 320000


def _gcn_conv(x, src, dst, W, b, num_nodes):
    # symmetric-normalized GCN layer with self-loops (PyG GCNConv semantics)
    loop = jnp.arange(num_nodes, dtype=src.dtype)
    s = jnp.concatenate([src, loop])
    d = jnp.concatenate([dst, loop])
    deg = jnp.zeros((num_nodes,), dtype=x.dtype).at[d].add(1.0)
    dinv = jnp.where(deg > 0, 1.0 / jnp.sqrt(deg), 0.0)
    norm = dinv[s] * dinv[d]
    xw = x @ W
    msg = xw[s] * norm[:, None]
    out = jax.ops.segment_sum(msg, d, num_segments=num_nodes)
    return out + b


def setup_inputs(seed: int = 0) -> dict:
    key = jax.random.key(seed)
    k1, k2, k3, k4, k5 = jax.random.split(key, 5)
    x = jax.random.normal(k1, (N_NODES, NFEAT), dtype=jnp.float32)
    adj = jax.random.randint(k2, (2, N_EDGES), 0, N_NODES, dtype=jnp.int64)
    W1 = jax.random.normal(k3, (NFEAT, NHID), dtype=jnp.float32) * (1.0 / np.sqrt(NFEAT))
    b1 = jnp.zeros((NHID,), dtype=jnp.float32)
    W2 = jax.random.normal(k4, (NHID, NCLASS), dtype=jnp.float32) * (1.0 / np.sqrt(NHID))
    b2 = jnp.zeros((NCLASS,), dtype=jnp.float32)
    return {"x": x, "adj": adj, "W1": W1, "b1": b1, "W2": W2, "b2": b2}


def reference(x, adj, W1, b1, W2, b2):
    src, dst = adj[0], adj[1]
    h = _gcn_conv(x, src, dst, W1, b1, N_NODES)
    h = jax.nn.relu(h)
    # dropout is identity in eval mode
    h = _gcn_conv(h, src, dst, W2, b2, N_NODES)
    return jax.nn.log_softmax(h, axis=1)

if __name__ == "__main__":
    import jax
    _d = setup_inputs()
    print(jax.jit(kernel)(*tuple(_d.values())))

</pallas_src>

<mosaic_0001>
#map = affine_map<(d0, d1) -> (0, 0, 0, 0)>
#map1 = affine_map<(d0, d1) -> (0, 0)>
module attributes {stable_mosaic.version = 14 : i64} {
  func.func @spmm(%arg0: i32, %arg1: i32, %arg2: memref<2x32x80x128xi32, #tpu.memory_space<hbm>>, %arg3: memref<10240x128xf32, #tpu.memory_space<hbm>>, %arg4: memref<10240x8xf32, #tpu.memory_space<hbm>>, %arg5: memref<10240x128xf32, #tpu.memory_space<hbm>>, %arg6: memref<80x128xi32, #tpu.memory_space<vmem>>, %arg7: memref<80x128xi32, #tpu.memory_space<vmem>>, %arg8: memref<8x128x8xf32, #tpu.memory_space<vmem>>, %arg9: memref<10240x8xf32, #tpu.memory_space<vmem_shared>>, %arg10: memref<10240x8xf32, #tpu.memory_space<vmem_shared>>, %arg11: memref<8x!tpu.dma_semaphore, #tpu.memory_space<semaphore_mem>>) attributes {dimension_semantics = [#tpu.dimension_semantics<core_parallel>, #tpu.dimension_semantics<subcore_parallel>], iteration_bounds = array<i64: 2, 16>, scalar_prefetch = 0 : i64, scratch_operands = 6 : i64, tpu.core_type = #tpu.core_type<sc_vector_subcore>, window_params = [{transform_indices = #map}, {transform_indices = #map1}, {transform_indices = #map1}, {transform_indices = #map1}]} {
    %mul3A = arith.constant 16 : i32
    %mul3A_0 = arith.muli %arg0, %mul3A : i32
    %add3A = arith.addi %mul3A_0, %arg1 : i32
    %run_scoped3A = arith.constant 0 : i32
    "tpu.region"() ({
      %run_scoped3A_131 = tpu.sem_alloc : memref<!tpu.dma_semaphore, #tpu.memory_space<semaphore_mem>>
      %dma_start3A_132 = arith.constant 0 : i32
      %dma_start3A_133 = arith.constant 0 : i32
      %dma_start3A_134 = tpu.memref_slice %arg2[%run_scoped3A, %add3A, %dma_start3A_132, %dma_start3A_133] : memref<2x32x80x128xi32, #tpu.memory_space<hbm>> -> memref<1x1x80x128xi32, #tpu.memory_space<hbm>>
      %dma_start3A_135 = tpu.memref_squeeze %dma_start3A_134 : memref<1x1x80x128xi32, #tpu.memory_space<hbm>> -> memref<80x128xi32, #tpu.memory_space<hbm>>
      %dma_start3A_136 = arith.constant 0 : i32
      %dma_start3A_137 = arith.constant 0 : i32
      %dma_start3A_138 = tpu.memref_slice %arg2[%run_scoped3A, %add3A, %dma_start3A_136, %dma_start3A_137] : memref<2x32x80x128xi32, #tpu.memory_space<hbm>> -> memref<1x1x80x128xi32, #tpu.memory_space<hbm>>
      %dma_start3A_139 = tpu.memref_squeeze %dma_start3A_138 : memref<1x1x80x128xi32, #tpu.memory_space<hbm>> -> memref<80x128xi32, #tpu.memory_space<hbm>>
      tpu.enqueue_dma source(%dma_start3A_139 : memref<80x128xi32, #tpu.memory_space<hbm>>) target(%arg6 : memref<80x128xi32, #tpu.memory_space<vmem>>) target_semaphore(%run_scoped3A_131 : memref<!tpu.dma_semaphore, #tpu.memory_space<semaphore_mem>>)
      %dma_wait3A = arith.constant 0 : i32
      %dma_wait3A_140 = arith.constant 0 : i32
      %dma_wait3A_141 = tpu.memref_slice %arg2[%run_scoped3A, %add3A, %dma_wait3A, %dma_wait3A_140] : memref<2x32x80x128xi32, #tpu.memory_space<hbm>> -> memref<1x1x80x128xi32, #tpu.memory_space<hbm>>
      %dma_wait3A_142 = tpu.memref_squeeze %dma_wait3A_141 : memref<1x1x80x128xi32, #tpu.memory_space<hbm>> -> memref<80x128xi32, #tpu.memory_space<hbm>>
      %dma_wait3A_143 = arith.constant 0 : i32
      %dma_wait3A_144 = arith.constant 0 : i32
      %dma_wait3A_145 = tpu.memref_slice %arg2[%run_scoped3A, %add3A, %dma_wait3A_143, %dma_wait3A_144] : memref<2x32x80x128xi32, #tpu.memory_space<hbm>> -> memref<1x1x80x128xi32, #tpu.memory_space<hbm>>
      %dma_wait3A_146 = tpu.memref_squeeze %dma_wait3A_145 : memref<1x1x80x128xi32, #tpu.memory_space<hbm>> -> memref<80x128xi32, #tpu.memory_space<hbm>>
      tpu.wait_dma2 semaphore(%run_scoped3A_131 : memref<!tpu.dma_semaphore, #tpu.memory_space<semaphore_mem>>) src(%dma_wait3A_146 : memref<80x128xi32, #tpu.memory_space<hbm>>) dst(%arg6 : memref<80x128xi32, #tpu.memory_space<vmem>>)
      tpu.yield
    }) : () -> ()
    %run_scoped3A_1 = arith.constant 1 : i32
    "tpu.region"() ({
      %run_scoped3A_131 = tpu.sem_alloc : memref<!tpu.dma_semaphore, #tpu.memory_space<semaphore_mem>>
      %dma_start3A_132 = arith.constant 0 : i32
      %dma_start3A_133 = arith.constant 0 : i32
      %dma_start3A_134 = tpu.memref_slice %arg2[%run_scoped3A_1, %add3A, %dma_start3A_132, %dma_start3A_133] : memref<2x32x80x128xi32, #tpu.memory_space<hbm>> -> memref<1x1x80x128xi32, #tpu.memory_space<hbm>>
      %dma_start3A_135 = tpu.memref_squeeze %dma_start3A_134 : memref<1x1x80x128xi32, #tpu.memory_space<hbm>> -> memref<80x128xi32, #tpu.memory_space<hbm>>
      %dma_start3A_136 = arith.constant 0 : i32
      %dma_start3A_137 = arith.constant 0 : i32
      %dma_start3A_138 = tpu.memref_slice %arg2[%run_scoped3A_1, %add3A, %dma_start3A_136, %dma_start3A_137] : memref<2x32x80x128xi32, #tpu.memory_space<hbm>> -> memref<1x1x80x128xi32, #tpu.memory_space<hbm>>
      %dma_start3A_139 = tpu.memref_squeeze %dma_start3A_138 : memref<1x1x80x128xi32, #tpu.memory_space<hbm>> -> memref<80x128xi32, #tpu.memory_space<hbm>>
      tpu.enqueue_dma source(%dma_start3A_139 : memref<80x128xi32, #tpu.memory_space<hbm>>) target(%arg7 : memref<80x128xi32, #tpu.memory_space<vmem>>) target_semaphore(%run_scoped3A_131 : memref<!tpu.dma_semaphore, #tpu.memory_space<semaphore_mem>>)
      %dma_wait3A = arith.constant 0 : i32
      %dma_wait3A_140 = arith.constant 0 : i32
      %dma_wait3A_141 = tpu.memref_slice %arg2[%run_scoped3A_1, %add3A, %dma_wait3A, %dma_wait3A_140] : memref<2x32x80x128xi32, #tpu.memory_space<hbm>> -> memref<1x1x80x128xi32, #tpu.memory_space<hbm>>
      %dma_wait3A_142 = tpu.memref_squeeze %dma_wait3A_141 : memref<1x1x80x128xi32, #tpu.memory_space<hbm>> -> memref<80x128xi32, #tpu.memory_space<hbm>>
      %dma_wait3A_143 = arith.constant 0 : i32
      %dma_wait3A_144 = arith.constant 0 : i32
      %dma_wait3A_145 = tpu.memref_slice %arg2[%run_scoped3A_1, %add3A, %dma_wait3A_143, %dma_wait3A_144] : memref<2x32x80x128xi32, #tpu.memory_space<hbm>> -> memref<1x1x80x128xi32, #tpu.memory_space<hbm>>
      %dma_wait3A_146 = tpu.memref_squeeze %dma_wait3A_145 : memref<1x1x80x128xi32, #tpu.memory_space<hbm>> -> memref<80x128xi32, #tpu.memory_space<hbm>>
      tpu.wait_dma2 semaphore(%run_scoped3A_131 : memref<!tpu.dma_semaphore, #tpu.memory_space<semaphore_mem>>) src(%dma_wait3A_146 : memref<80x128xi32, #tpu.memory_space<hbm>>) dst(%arg7 : memref<80x128xi32, #tpu.memory_space<vmem>>)
      tpu.yield
    }) : () -> ()
    %mul3A_2 = arith.constant 640 : i32
    %mul3A_3 = arith.muli %arg1, %mul3A_2 : i32
    "tpu.region"() ({
      %run_scoped3A_131 = tpu.sem_alloc : memref<!tpu.dma_semaphore, #tpu.memory_space<semaphore_mem>>
      %dma_start3A_132 = arith.constant 0 : i32
      %dma_start3A_133 = tpu.memref_slice %arg9[%mul3A_3, %dma_start3A_132] : memref<10240x8xf32, #tpu.memory_space<vmem_shared>> -> memref<640x8xf32, #tpu.memory_space<vmem_shared>>
      %dma_start3A_134 = arith.constant 0 : i32
      %dma_start3A_135 = tpu.memref_slice %arg4[%mul3A_3, %dma_start3A_134] : memref<10240x8xf32, #tpu.memory_space<hbm>> -> memref<640x8xf32, #tpu.memory_space<hbm>>
      tpu.enqueue_dma source(%dma_start3A_135 : memref<640x8xf32, #tpu.memory_space<hbm>>) target(%dma_start3A_133 : memref<640x8xf32, #tpu.memory_space<vmem_shared>>) target_semaphore(%run_scoped3A_131 : memref<!tpu.dma_semaphore, #tpu.memory_space<semaphore_mem>>)
      %dma_wait3A = arith.constant 0 : i32
      %dma_wait3A_136 = tpu.memref_slice %arg9[%mul3A_3, %dma_wait3A] : memref<10240x8xf32, #tpu.memory_space<vmem_shared>> -> memref<640x8xf32, #tpu.memory_space<vmem_shared>>
      %dma_wait3A_137 = arith.constant 0 : i32
      %dma_wait3A_138 = tpu.memref_slice %arg4[%mul3A_3, %dma_wait3A_137] : memref<10240x8xf32, #tpu.memory_space<hbm>> -> memref<640x8xf32, #tpu.memory_space<hbm>>
      tpu.wait_dma2 semaphore(%run_scoped3A_131 : memref<!tpu.dma_semaphore, #tpu.memory_space<semaphore_mem>>) src(%dma_wait3A_138 : memref<640x8xf32, #tpu.memory_space<hbm>>) dst(%dma_wait3A_136 : memref<640x8xf32, #tpu.memory_space<vmem_shared>>)
      tpu.yield
    }) : () -> ()
    "tpu.region"() ({
      %run_scoped3A_131 = tpu.sem_alloc : memref<!tpu.dma_semaphore, #tpu.memory_space<semaphore_mem>>
      %dma_start3A_132 = arith.constant 0 : i32
      %dma_start3A_133 = tpu.memref_slice %arg10[%mul3A_3, %dma_start3A_132] : memref<10240x8xf32, #tpu.memory_space<vmem_shared>> -> memref<640x8xf32, #tpu.memory_space<vmem_shared>>
      %dma_start3A_134 = arith.constant 0 : i32
      %dma_start3A_135 = tpu.memref_slice %arg3[%mul3A_3, %dma_start3A_134] : memref<10240x128xf32, #tpu.memory_space<hbm>> -> memref<640x8xf32, #tpu.memory_space<hbm>>
      tpu.enqueue_dma source(%dma_start3A_135 : memref<640x8xf32, #tpu.memory_space<hbm>>) target(%dma_start3A_133 : memref<640x8xf32, #tpu.memory_space<vmem_shared>>) target_semaphore(%run_scoped3A_131 : memref<!tpu.dma_semaphore, #tpu.memory_space<semaphore_mem>>)
      %dma_wait3A = arith.constant 0 : i32
      %dma_wait3A_136 = tpu.memref_slice %arg10[%mul3A_3, %dma_wait3A] : memref<10240x8xf32, #tpu.memory_space<vmem_shared>> -> memref<640x8xf32, #tpu.memory_space<vmem_shared>>
      %dma_wait3A_137 = arith.constant 0 : i32
      %dma_wait3A_138 = tpu.memref_slice %arg3[%mul3A_3, %dma_wait3A_137] : memref<10240x128xf32, #tpu.memory_space<hbm>> -> memref<640x8xf32, #tpu.memory_space<hbm>>
      tpu.wait_dma2 semaphore(%run_scoped3A_131 : memref<!tpu.dma_semaphore, #tpu.memory_space<semaphore_mem>>) src(%dma_wait3A_138 : memref<640x8xf32, #tpu.memory_space<hbm>>) dst(%dma_wait3A_136 : memref<640x8xf32, #tpu.memory_space<vmem_shared>>)
      tpu.yield
    }) : () -> ()
    %barrier3A = arith.constant 0 : index
    tpu.barrier barrier_id(%barrier3A)
    %dma_start3A = arith.constant 0 : i32
    %dma_start3A_4 = arith.constant 0 : i32
    %dma_start3A_5 = arith.constant 0 : i32
    %dma_start3A_6 = arith.constant 0 : i32
    %dma_start3A_7 = arith.constant 0 : i32
    %dma_start3A_8 = tpu.memref_slice %arg8[%dma_start3A_4, %dma_start3A_6, %dma_start3A_7] : memref<8x128x8xf32, #tpu.memory_space<vmem>> -> memref<1x128x8xf32, #tpu.memory_space<vmem>>
    %dma_start3A_9 = tpu.memref_squeeze %dma_start3A_8 : memref<1x128x8xf32, #tpu.memory_space<vmem>> -> memref<128x8xf32, #tpu.memory_space<vmem>>
    %dma_start3A_10 = arith.constant 0 : i32
    %dma_start3A_11 = tpu.memref_slice %arg6[%dma_start3A, %dma_start3A_10] : memref<80x128xi32, #tpu.memory_space<vmem>> -> memref<1x128xi32, #tpu.memory_space<vmem>>
    %dma_start3A_12 = tpu.memref_squeeze %dma_start3A_11 : memref<1x128xi32, #tpu.memory_space<vmem>> -> memref<128xi32, #tpu.memory_space<vmem>>
    %dma_start3A_13 = arith.constant 0 : i32
    %dma_start3A_14 = arith.constant 0 : i32
    %dma_start3A_15 = tpu.memref_slice %arg10[%dma_start3A_13, %dma_start3A_14] : memref<10240x8xf32, #tpu.memory_space<vmem_shared>> -> memref<10240x8xf32, #tpu.memory_space<vmem_shared>>
    %dma_start3A_16 = tpu.memref_slice %arg11[%dma_start3A_5] : memref<8x!tpu.dma_semaphore, #tpu.memory_space<semaphore_mem>> -> memref<1x!tpu.dma_semaphore, #tpu.memory_space<semaphore_mem>>
    %dma_start3A_17 = tpu.memref_squeeze %dma_start3A_16 : memref<1x!tpu.dma_semaphore, #tpu.memory_space<semaphore_mem>> -> memref<!tpu.dma_semaphore, #tpu.memory_space<semaphore_mem>>
    tpu.enqueue_indirect_dma source(%dma_start3A_15 : memref<10240x8xf32, #tpu.memory_space<vmem_shared>>) target(%dma_start3A_9 : memref<128x8xf32, #tpu.memory_space<vmem>>) offsets(%dma_start3A_12 : memref<128xi32, #tpu.memory_space<vmem>>) semaphore(%dma_start3A_17 : memref<!tpu.dma_semaphore, #tpu.memory_space<semaphore_mem>>)
    %dma_start3A_18 = arith.constant 1 : i32
    %dma_start3A_19 = arith.constant 1 : i32
    %dma_start3A_20 = arith.constant 1 : i32
    %dma_start3A_21 = arith.constant 0 : i32
    %dma_start3A_22 = arith.constant 0 : i32
    %dma_start3A_23 = tpu.memref_slice %arg8[%dma_start3A_19, %dma_start3A_21, %dma_start3A_22] : memref<8x128x8xf32, #tpu.memory_space<vmem>> -> memref<1x128x8xf32, #tpu.memory_space<vmem>>
    %dma_start3A_24 = tpu.memref_squeeze %dma_start3A_23 : memref<1x128x8xf32, #tpu.memory_space<vmem>> -> memref<128x8xf32, #tpu.memory_space<vmem>>
    %dma_start3A_25 = arith.constant 0 : i32
    %dma_start3A_26 = tpu.memref_slice %arg6[%dma_start3A_18, %dma_start3A_25] : memref<80x128xi32, #tpu.memory_space<vmem>> -> memref<1x128xi32, #tpu.memory_space<vmem>>
    %dma_start3A_27 = tpu.memref_squeeze %dma_start3A_26 : memref<1x128xi32, #tpu.memory_space<vmem>> -> memref<128xi32, #tpu.memory_space<vmem>>
    %dma_start3A_28 = arith.constant 0 : i32
    %dma_start3A_29 = arith.constant 0 : i32
    %dma_start3A_30 = tpu.memref_slice %arg10[%dma_start3A_28, %dma_start3A_29] : memref<10240x8xf32, #tpu.memory_space<vmem_shared>> -> memref<10240x8xf32, #tpu.memory_space<vmem_shared>>
    %dma_start3A_31 = tpu.memref_slice %arg11[%dma_start3A_20] : memref<8x!tpu.dma_semaphore, #tpu.memory_space<semaphore_mem>> -> memref<1x!tpu.dma_semaphore, #tpu.memory_space<semaphore_mem>>
    %dma_start3A_32 = tpu.memref_squeeze %dma_start3A_31 : memref<1x!tpu.dma_semaphore, #tpu.memory_space<semaphore_mem>> -> memref<!tpu.dma_semaphore, #tpu.memory_space<semaphore_mem>>
    tpu.enqueue_indirect_dma source(%dma_start3A_30 : memref<10240x8xf32, #tpu.memory_space<vmem_shared>>) target(%dma_start3A_24 : memref<128x8xf32, #tpu.memory_space<vmem>>) offsets(%dma_start3A_27 : memref<128xi32, #tpu.memory_space<vmem>>) semaphore(%dma_start3A_32 : memref<!tpu.dma_semaphore, #tpu.memory_space<semaphore_mem>>)
    %dma_start3A_33 = arith.constant 2 : i32
    %dma_start3A_34 = arith.constant 2 : i32
    %dma_start3A_35 = arith.constant 2 : i32
    %dma_start3A_36 = arith.constant 0 : i32
    %dma_start3A_37 = arith.constant 0 : i32
    %dma_start3A_38 = tpu.memref_slice %arg8[%dma_start3A_34, %dma_start3A_36, %dma_start3A_37] : memref<8x128x8xf32, #tpu.memory_space<vmem>> -> memref<1x128x8xf32, #tpu.memory_space<vmem>>
    %dma_start3A_39 = tpu.memref_squeeze %dma_start3A_38 : memref<1x128x8xf32, #tpu.memory_space<vmem>> -> memref<128x8xf32, #tpu.memory_space<vmem>>
    %dma_start3A_40 = arith.constant 0 : i32
    %dma_start3A_41 = tpu.memref_slice %arg6[%dma_start3A_33, %dma_start3A_40] : memref<80x128xi32, #tpu.memory_space<vmem>> -> memref<1x128xi32, #tpu.memory_space<vmem>>
    %dma_start3A_42 = tpu.memref_squeeze %dma_start3A_41 : memref<1x128xi32, #tpu.memory_space<vmem>> -> memref<128xi32, #tpu.memory_space<vmem>>
    %dma_start3A_43 = arith.constant 0 : i32
    %dma_start3A_44 = arith.constant 0 : i32
    %dma_start3A_45 = tpu.memref_slice %arg10[%dma_start3A_43, %dma_start3A_44] : memref<10240x8xf32, #tpu.memory_space<vmem_shared>> -> memref<10240x8xf32, #tpu.memory_space<vmem_shared>>
    %dma_start3A_46 = tpu.memref_slice %arg11[%dma_start3A_35] : memref<8x!tpu.dma_semaphore, #tpu.memory_space<semaphore_mem>> -> memref<1x!tpu.dma_semaphore, #tpu.memory_space<semaphore_mem>>
    %dma_start3A_47 = tpu.memref_squeeze %dma_start3A_46 : memref<1x!tpu.dma_semaphore, #tpu.memory_space<semaphore_mem>> -> memref<!tpu.dma_semaphore, #tpu.memory_space<semaphore_mem>>
    tpu.enqueue_indirect_dma source(%dma_start3A_45 : memref<10240x8xf32, #tpu.memory_space<vmem_shared>>) target(%dma_start3A_39 : memref<128x8xf32, #tpu.memory_space<vmem>>) offsets(%dma_start3A_42 : memref<128xi32, #tpu.memory_space<vmem>>) semaphore(%dma_start3A_47 : memref<!tpu.dma_semaphore, #tpu.memory_space<semaphore_mem>>)
    %dma_start3A_48 = arith.constant 3 : i32
    %dma_start3A_49 = arith.constant 3 : i32
    %dma_start3A_50 = arith.constant 3 : i32
    %dma_start3A_51 = arith.constant 0 : i32
    %dma_start3A_52 = arith.constant 0 : i32
    %dma_start3A_53 = tpu.memref_slice %arg8[%dma_start3A_49, %dma_start3A_51, %dma_start3A_52] : memref<8x128x8xf32, #tpu.memory_space<vmem>> -> memref<1x128x8xf32, #tpu.memory_space<vmem>>
    %dma_start3A_54 = tpu.memref_squeeze %dma_start3A_53 : memref<1x128x8xf32, #tpu.memory_space<vmem>> -> memref<128x8xf32, #tpu.memory_space<vmem>>
    %dma_start3A_55 = arith.constant 0 : i32
    %dma_start3A_56 = tpu.memref_slice %arg6[%dma_start3A_48, %dma_start3A_55] : memref<80x128xi32, #tpu.memory_space<vmem>> -> memref<1x128xi32, #tpu.memory_space<vmem>>
    %dma_start3A_57 = tpu.memref_squeeze %dma_start3A_56 : memref<1x128xi32, #tpu.memory_space<vmem>> -> memref<128xi32, #tpu.memory_space<vmem>>
    %dma_start3A_58 = arith.constant 0 : i32
    %dma_start3A_59 = arith.constant 0 : i32
    %dma_start3A_60 = tpu.memref_slice %arg10[%dma_start3A_58, %dma_start3A_59] : memref<10240x8xf32, #tpu.memory_space<vmem_shared>> -> memref<10240x8xf32, #tpu.memory_space<vmem_shared>>
    %dma_start3A_61 = tpu.memref_slice %arg11[%dma_start3A_50] : memref<8x!tpu.dma_semaphore, #tpu.memory_space<semaphore_mem>> -> memref<1x!tpu.dma_semaphore, #tpu.memory_space<semaphore_mem>>
    %dma_start3A_62 = tpu.memref_squeeze %dma_start3A_61 : memref<1x!tpu.dma_semaphore, #tpu.memory_space<semaphore_mem>> -> memref<!tpu.dma_semaphore, #tpu.memory_space<semaphore_mem>>
    tpu.enqueue_indirect_dma source(%dma_start3A_60 : memref<10240x8xf32, #tpu.memory_space<vmem_shared>>) target(%dma_start3A_54 : memref<128x8xf32, #tpu.memory_space<vmem>>) offsets(%dma_start3A_57 : memref<128xi32, #tpu.memory_space<vmem>>) semaphore(%dma_start3A_62 : memref<!tpu.dma_semaphore, #tpu.memory_space<semaphore_mem>>)
    %dma_start3A_63 = arith.constant 4 : i32
    %dma_start3A_64 = arith.constant 4 : i32
    %dma_start3A_65 = arith.constant 4 : i32
    %dma_start3A_66 = arith.constant 0 : i32
    %dma_start3A_67 = arith.constant 0 : i32
    %dma_start3A_68 = tpu.memref_slice %arg8[%dma_start3A_64, %dma_start3A_66, %dma_start3A_67] : memref<8x128x8xf32, #tpu.memory_space<vmem>> -> memref<1x128x8xf32, #tpu.memory_space<vmem>>
    %dma_start3A_69 = tpu.memref_squeeze %dma_start3A_68 : memref<1x128x8xf32, #tpu.memory_space<vmem>> -> memref<128x8xf32, #tpu.memory_space<vmem>>
    %dma_start3A_70 = arith.constant 0 : i32
    %dma_start3A_71 = tpu.memref_slice %arg6[%dma_start3A_63, %dma_start3A_70] : memref<80x128xi32, #tpu.memory_space<vmem>> -> memref<1x128xi32, #tpu.memory_space<vmem>>
    %dma_start3A_72 = tpu.memref_squeeze %dma_start3A_71 : memref<1x128xi32, #tpu.memory_space<vmem>> -> memref<128xi32, #tpu.memory_space<vmem>>
    %dma_start3A_73 = arith.constant 0 : i32
    %dma_start3A_74 = arith.constant 0 : i32
    %dma_start3A_75 = tpu.memref_slice %arg10[%dma_start3A_73, %dma_start3A_74] : memref<10240x8xf32, #tpu.memory_space<vmem_shared>> -> memref<10240x8xf32, #tpu.memory_space<vmem_shared>>
    %dma_start3A_76 = tpu.memref_slice %arg11[%dma_start3A_65] : memref<8x!tpu.dma_semaphore, #tpu.memory_space<semaphore_mem>> -> memref<1x!tpu.dma_semaphore, #tpu.memory_space<semaphore_mem>>
    %dma_start3A_77 = tpu.memref_squeeze %dma_start3A_76 : memref<1x!tpu.dma_semaphore, #tpu.memory_space<semaphore_mem>> -> memref<!tpu.dma_semaphore, #tpu.memory_space<semaphore_mem>>
    tpu.enqueue_indirect_dma source(%dma_start3A_75 : memref<10240x8xf32, #tpu.memory_space<vmem_shared>>) target(%dma_start3A_69 : memref<128x8xf32, #tpu.memory_space<vmem>>) offsets(%dma_start3A_72 : memref<128xi32, #tpu.memory_space<vmem>>) semaphore(%dma_start3A_77 : memref<!tpu.dma_semaphore, #tpu.memory_space<semaphore_mem>>)
    %dma_start3A_78 = arith.constant 5 : i32
    %dma_start3A_79 = arith.constant 5 : i32
    %dma_start3A_80 = arith.constant 5 : i32
    %dma_start3A_81 = arith.constant 0 : i32
    %dma_start3A_82 = arith.constant 0 : i32
    %dma_start3A_83 = tpu.memref_slice %arg8[%dma_start3A_79, %dma_start3A_81, %dma_start3A_82] : memref<8x128x8xf32, #tpu.memory_space<vmem>> -> memref<1x128x8xf32, #tpu.memory_space<vmem>>
    %dma_start3A_84 = tpu.memref_squeeze %dma_start3A_83 : memref<1x128x8xf32, #tpu.memory_space<vmem>> -> memref<128x8xf32, #tpu.memory_space<vmem>>
    %dma_start3A_85 = arith.constant 0 : i32
    %dma_start3A_86 = tpu.memref_slice %arg6[%dma_start3A_78, %dma_start3A_85] : memref<80x128xi32, #tpu.memory_space<vmem>> -> memref<1x128xi32, #tpu.memory_space<vmem>>
    %dma_start3A_87 = tpu.memref_squeeze %dma_start3A_86 : memref<1x128xi32, #tpu.memory_space<vmem>> -> memref<128xi32, #tpu.memory_space<vmem>>
    %dma_start3A_88 = arith.constant 0 : i32
    %dma_start3A_89 = arith.constant 0 : i32
    %dma_start3A_90 = tpu.memref_slice %arg10[%dma_start3A_88, %dma_start3A_89] : memref<10240x8xf32, #tpu.memory_space<vmem_shared>> -> memref<10240x8xf32, #tpu.memory_space<vmem_shared>>
    %dma_start3A_91 = tpu.memref_slice %arg11[%dma_start3A_80] : memref<8x!tpu.dma_semaphore, #tpu.memory_space<semaphore_mem>> -> memref<1x!tpu.dma_semaphore, #tpu.memory_space<semaphore_mem>>
    %dma_start3A_92 = tpu.memref_squeeze %dma_start3A_91 : memref<1x!tpu.dma_semaphore, #tpu.memory_space<semaphore_mem>> -> memref<!tpu.dma_semaphore, #tpu.memory_space<semaphore_mem>>
    tpu.enqueue_indirect_dma source(%dma_start3A_90 : memref<10240x8xf32, #tpu.memory_space<vmem_shared>>) target(%dma_start3A_84 : memref<128x8xf32, #tpu.memory_space<vmem>>) offsets(%dma_start3A_87 : memref<128xi32, #tpu.memory_space<vmem>>) semaphore(%dma_start3A_92 : memref<!tpu.dma_semaphore, #tpu.memory_space<semaphore_mem>>)
    %dma_start3A_93 = arith.constant 6 : i32
    %dma_start3A_94 = arith.constant 6 : i32
    %dma_start3A_95 = arith.constant 6 : i32
    %dma_start3A_96 = arith.constant 0 : i32
    %dma_start3A_97 = arith.constant 0 : i32
    %dma_start3A_98 = tpu.memref_slice %arg8[%dma_start3A_94, %dma_start3A_96, %dma_start3A_97] : memref<8x128x8xf32, #tpu.memory_space<vmem>> -> memref<1x128x8xf32, #tpu.memory_space<vmem>>
    %dma_start3A_99 = tpu.memref_squeeze %dma_start3A_98 : memref<1x128x8xf32, #tpu.memory_space<vmem>> -> memref<128x8xf32, #tpu.memory_space<vmem>>
    %dma_start3A_100 = arith.constant 0 : i32
    %dma_start3A_101 = tpu.memref_slice %arg6[%dma_start3A_93, %dma_start3A_100] : memref<80x128xi32, #tpu.memory_space<vmem>> -> memref<1x128xi32, #tpu.memory_space<vmem>>
    %dma_start3A_102 = tpu.memref_squeeze %dma_start3A_101 : memref<1x128xi32, #tpu.memory_space<vmem>> -> memref<128xi32, #tpu.memory_space<vmem>>
    %dma_start3A_103 = arith.constant 0 : i32
    %dma_start3A_104 = arith.constant 0 : i32
    %dma_start3A_105 = tpu.memref_slice %arg10[%dma_start3A_103, %dma_start3A_104] : memref<10240x8xf32, #tpu.memory_space<vmem_shared>> -> memref<10240x8xf32, #tpu.memory_space<vmem_shared>>
    %dma_start3A_106 = tpu.memref_slice %arg11[%dma_start3A_95] : memref<8x!tpu.dma_semaphore, #tpu.memory_space<semaphore_mem>> -> memref<1x!tpu.dma_semaphore, #tpu.memory_space<semaphore_mem>>
    %dma_start3A_107 = tpu.memref_squeeze %dma_start3A_106 : memref<1x!tpu.dma_semaphore, #tpu.memory_space<semaphore_mem>> -> memref<!tpu.dma_semaphore, #tpu.memory_space<semaphore_mem>>
    tpu.enqueue_indirect_dma source(%dma_start3A_105 : memref<10240x8xf32, #tpu.memory_space<vmem_shared>>) target(%dma_start3A_99 : memref<128x8xf32, #tpu.memory_space<vmem>>) offsets(%dma_start3A_102 : memref<128xi32, #tpu.memory_space<vmem>>) semaphore(%dma_start3A_107 : memref<!tpu.dma_semaphore, #tpu.memory_space<semaphore_mem>>)
    %dma_start3A_108 = arith.constant 7 : i32
    %dma_start3A_109 = arith.constant 7 : i32
    %dma_start3A_110 = arith.constant 7 : i32
    %dma_start3A_111 = arith.constant 0 : i32
    %dma_start3A_112 = arith.constant 0 : i32
    %dma_start3A_113 = tpu.memref_slice %arg8[%dma_start3A_109, %dma_start3A_111, %dma_start3A_112] : memref<8x128x8xf32, #tpu.memory_space<vmem>> -> memref<1x128x8xf32, #tpu.memory_space<vmem>>
    %dma_start3A_114 = tpu.memref_squeeze %dma_start3A_113 : memref<1x128x8xf32, #tpu.memory_space<vmem>> -> memref<128x8xf32, #tpu.memory_space<vmem>>
    %dma_start3A_115 = arith.constant 0 : i32
    %dma_start3A_116 = tpu.memref_slice %arg6[%dma_start3A_108, %dma_start3A_115] : memref<80x128xi32, #tpu.memory_space<vmem>> -> memref<1x128xi32, #tpu.memory_space<vmem>>
    %dma_start3A_117 = tpu.memref_squeeze %dma_start3A_116 : memref<1x128xi32, #tpu.memory_space<vmem>> -> memref<128xi32, #tpu.memory_space<vmem>>
    %dma_start3A_118 = arith.constant 0 : i32
    %dma_start3A_119 = arith.constant 0 : i32
    %dma_start3A_120 = tpu.memref_slice %arg10[%dma_start3A_118, %dma_start3A_119] : memref<10240x8xf32, #tpu.memory_space<vmem_shared>> -> memref<10240x8xf32, #tpu.memory_space<vmem_shared>>
    %dma_start3A_121 = tpu.memref_slice %arg11[%dma_start3A_110] : memref<8x!tpu.dma_semaphore, #tpu.memory_space<semaphore_mem>> -> memref<1x!tpu.dma_semaphore, #tpu.memory_space<semaphore_mem>>
    %dma_start3A_122 = tpu.memref_squeeze %dma_start3A_121 : memref<1x!tpu.dma_semaphore, #tpu.memory_space<semaphore_mem>> -> memref<!tpu.dma_semaphore, #tpu.memory_space<semaphore_mem>>
    tpu.enqueue_indirect_dma source(%dma_start3A_120 : memref<10240x8xf32, #tpu.memory_space<vmem_shared>>) target(%dma_start3A_114 : memref<128x8xf32, #tpu.memory_space<vmem>>) offsets(%dma_start3A_117 : memref<128xi32, #tpu.memory_space<vmem>>) semaphore(%dma_start3A_122 : memref<!tpu.dma_semaphore, #tpu.memory_space<semaphore_mem>>)
    %scan3A = arith.constant 0 : i32
    %scan3A_123 = arith.constant 0 : i32
    %scan3A_124 = arith.constant 10 : i32
    %scan3A_125 = arith.addi %scan3A_123, %scan3A_124 : i32
    %scan3A_126 = arith.constant 1 : i32
    scf.for %scan3A_131 = %scan3A_123 to %scan3A_125 step %scan3A_126  : i32 {
      %mul3A_132 = arith.constant 8 : i32
      %mul3A_133 = arith.muli %scan3A_131, %mul3A_132 : i32
      %add3A_134 = arith.constant 0 : i32
      %add3A_135 = arith.addi %mul3A_133, %add3A_134 : i32
      %dma_wait3A = arith.constant 0 : i32
      %dma_wait3A_136 = arith.constant 0 : i32
      %dma_wait3A_137 = arith.constant 0 : i32
      %dma_wait3A_138 = arith.constant 0 : i32
      %dma_wait3A_139 = tpu.memref_slice %arg8[%dma_wait3A, %dma_wait3A_137, %dma_wait3A_138] : memref<8x128x8xf32, #tpu.memory_space<vmem>> -> memref<1x128x8xf32, #tpu.memory_space<vmem>>
      %dma_wait3A_140 = tpu.memref_squeeze %dma_wait3A_139 : memref<1x128x8xf32, #tpu.memory_space<vmem>> -> memref<128x8xf32, #tpu.memory_space<vmem>>
      %dma_wait3A_141 = arith.constant 0 : i32
      %dma_wait3A_142 = tpu.memref_slice %arg6[%add3A_135, %dma_wait3A_141] : memref<80x128xi32, #tpu.memory_space<vmem>> -> memref<1x128xi32, #tpu.memory_space<vmem>>
      %dma_wait3A_143 = tpu.memref_squeeze %dma_wait3A_142 : memref<1x128xi32, #tpu.memory_space<vmem>> -> memref<128xi32, #tpu.memory_space<vmem>>
      %dma_wait3A_144 = arith.constant 0 : i32
      %dma_wait3A_145 = arith.constant 0 : i32
      %dma_wait3A_146 = tpu.memref_slice %arg10[%dma_wait3A_144, %dma_wait3A_145] : memref<10240x8xf32, #tpu.memory_space<vmem_shared>> -> memref<10240x8xf32, #tpu.memory_space<vmem_shared>>
      %dma_wait3A_147 = tpu.memref_slice %arg11[%dma_wait3A_136] : memref<8x!tpu.dma_semaphore, #tpu.memory_space<semaphore_mem>> -> memref<1x!tpu.dma_semaphore, #tpu.memory_space<semaphore_mem>>
      %dma_wait3A_148 = tpu.memref_squeeze %dma_wait3A_147 : memref<1x!tpu.dma_semaphore, #tpu.memory_space<semaphore_mem>> -> memref<!tpu.dma_semaphore, #tpu.memory_space<semaphore_mem>>
      tpu.wait_indirect_dma semaphore(%dma_wait3A_148 : memref<!tpu.dma_semaphore, #tpu.memory_space<semaphore_mem>>) src(%dma_wait3A_146 : memref<10240x8xf32, #tpu.memory_space<vmem_shared>>) dst(%dma_wait3A_140 : memref<128x8xf32, #tpu.memory_space<vmem>>)
      %run_scoped3A_149 = arith.constant 0 : i32
      "tpu.region"() ({
        %run_scoped3A_322 = tpu.sem_alloc : memref<!tpu.dma_semaphore, #tpu.memory_space<semaphore_mem>>
        %dma_start3A_323 = arith.constant 0 : i32
        %dma_start3A_324 = arith.constant 0 : i32
        %dma_start3A_325 = tpu.memref_slice %arg8[%run_scoped3A_149, %dma_start3A_323, %dma_start3A_324] : memref<8x128x8xf32, #tpu.memory_space<vmem>> -> memref<1x128x8xf32, #tpu.memory_space<vmem>>
        %dma_start3A_326 = tpu.memref_squeeze %dma_start3A_325 : memref<1x128x8xf32, #tpu.memory_space<vmem>> -> memref<128x8xf32, #tpu.memory_space<vmem>>
        %dma_start3A_327 = arith.constant 0 : i32
        %dma_start3A_328 = tpu.memref_slice %arg7[%add3A_135, %dma_start3A_327] : memref<80x128xi32, #tpu.memory_space<vmem>> -> memref<1x128xi32, #tpu.memory_space<vmem>>
        %dma_start3A_329 = tpu.memref_squeeze %dma_start3A_328 : memref<1x128xi32, #tpu.memory_space<vmem>> -> memref<128xi32, #tpu.memory_space<vmem>>
        %dma_start3A_330 = arith.constant 0 : i32
        %dma_start3A_331 = arith.constant 0 : i32
        %dma_start3A_332 = tpu.memref_slice %arg9[%dma_start3A_330, %dma_start3A_331] : memref<10240x8xf32, #tpu.memory_space<vmem_shared>> -> memref<10240x8xf32, #tpu.memory_space<vmem_shared>>
        tpu.enqueue_indirect_dma source(%dma_start3A_326 : memref<128x8xf32, #tpu.memory_space<vmem>>) target(%dma_start3A_332 : memref<10240x8xf32, #tpu.memory_space<vmem_shared>>) offsets(%dma_start3A_329 : memref<128xi32, #tpu.memory_space<vmem>>) semaphore(%run_scoped3A_322 : memref<!tpu.dma_semaphore, #tpu.memory_space<semaphore_mem>>) {add = true}
        %dma_wait3A_333 = arith.constant 0 : i32
        %dma_wait3A_334 = arith.constant 0 : i32
        %dma_wait3A_335 = tpu.memref_slice %arg8[%run_scoped3A_149, %dma_wait3A_333, %dma_wait3A_334] : memref<8x128x8xf32, #tpu.memory_space<vmem>> -> memref<1x128x8xf32, #tpu.memory_space<vmem>>
        %dma_wait3A_336 = tpu.memref_squeeze %dma_wait3A_335 : memref<1x128x8xf32, #tpu.memory_space<vmem>> -> memref<128x8xf32, #tpu.memory_space<vmem>>
        %dma_wait3A_337 = arith.constant 0 : i32
        %dma_wait3A_338 = tpu.memref_slice %arg7[%add3A_135, %dma_wait3A_337] : memref<80x128xi32, #tpu.memory_space<vmem>> -> memref<1x128xi32, #tpu.memory_space<vmem>>
        %dma_wait3A_339 = tpu.memref_squeeze %dma_wait3A_338 : memref<1x128xi32, #tpu.memory_space<vmem>> -> memref<128xi32, #tpu.memory_space<vmem>>
        %dma_wait3A_340 = arith.constant 0 : i32
        %dma_wait3A_341 = arith.constant 0 : i32
        %dma_wait3A_342 = tpu.memref_slice %arg9[%dma_wait3A_340, %dma_wait3A_341] : memref<10240x8xf32, #tpu.memory_space<vmem_shared>> -> memref<10240x8xf32, #tpu.memory_space<vmem_shared>>
        tpu.wait_indirect_dma semaphore(%run_scoped3A_322 : memref<!tpu.dma_semaphore, #tpu.memory_space<semaphore_mem>>) src(%dma_wait3A_336 : memref<128x8xf32, #tpu.memory_space<vmem>>) dst(%dma_wait3A_342 : memref<10240x8xf32, #tpu.memory_space<vmem_shared>>)
        tpu.yield
      }) : () -> ()
      %add3A_150 = arith.constant 8 : i32
      %add3A_151 = arith.addi %add3A_135, %add3A_150 : i32
      %lt3A = arith.constant 80 : i32
      %lt3A_152 = arith.cmpi slt, %add3A_151, %lt3A : i32
      %convert_element_type3A = arith.extui %lt3A_152 : i1 to i32
      %cond3A = arith.constant 0 : i32
      %cond3A_153 = arith.cmpi ne, %convert_element_type3A, %cond3A : i32
      scf.if %cond3A_153 {
        %dma_start3A_322 = arith.constant 0 : i32
        %dma_start3A_323 = arith.constant 0 : i32
        %dma_start3A_324 = arith.constant 0 : i32
        %dma_start3A_325 = arith.constant 0 : i32
        %dma_start3A_326 = tpu.memref_slice %arg8[%dma_start3A_322, %dma_start3A_324, %dma_start3A_325] : memref<8x128x8xf32, #tpu.memory_space<vmem>> -> memref<1x128x8xf32, #tpu.memory_space<vmem>>
        %dma_start3A_327 = tpu.memref_squeeze %dma_start3A_326 : memref<1x128x8xf32, #tpu.memory_space<vmem>> -> memref<128x8xf32, #tpu.memory_space<vmem>>
        %dma_start3A_328 = arith.constant 0 : i32
        %dma_start3A_329 = tpu.memref_slice %arg6[%add3A_151, %dma_start3A_328] : memref<80x128xi32, #tpu.memory_space<vmem>> -> memref<1x128xi32, #tpu.memory_space<vmem>>
        %dma_start3A_330 = tpu.memref_squeeze %dma_start3A_329 : memref<1x128xi32, #tpu.memory_space<vmem>> -> memref<128xi32, #tpu.memory_space<vmem>>
        %dma_start3A_331 = arith.constant 0 : i32
        %dma_start3A_332 = arith.constant 0 : i32
        %dma_start3A_333 = tpu.memref_slice %arg10[%dma_start3A_331, %dma_start3A_332] : memref<10240x8xf32, #tpu.memory_space<vmem_shared>> -> memref<10240x8xf32, #tpu.memory_space<vmem_shared>>
        %dma_start3A_334 = tpu.memref_slice %arg11[%dma_start3A_323] : memref<8x!tpu.dma_semaphore, #tpu.memory_space<semaphore_mem>> -> memref<1x!tpu.dma_semaphore, #tpu.memory_space<semaphore_mem>>
        %dma_start3A_335 = tpu.memref_squeeze %dma_start3A_334 : memref<1x!tpu.dma_semaphore, #tpu.memory_space<semaphore_mem>> -> memref<!tpu.dma_semaphore, #tpu.memory_space<semaphore_mem>>
        tpu.enqueue_indirect_dma source(%dma_start3A_333 : memref<10240x8xf32, #tpu.memory_space<vmem_shared>>) target(%dma_start3A_327 : memref<128x8xf32, #tpu.memory_space<vmem>>) offsets(%dma_start3A_330 : memref<128xi32, #tpu.memory_space<vmem>>) semaphore(%dma_start3A_335 : memref<!tpu.dma_semaphore, #tpu.memory_space<semaphore_mem>>)
      } else {
      }
      %add3A_154 = arith.constant 1 : i32
      %add3A_155 = arith.addi %mul3A_133, %add3A_154 : i32
      %dma_wait3A_156 = arith.constant 1 : i32
      %dma_wait3A_157 = arith.constant 1 : i32
      %dma_wait3A_158 = arith.constant 0 : i32
      %dma_wait3A_159 = arith.constant 0 : i32
      %dma_wait3A_160 = tpu.memref_slice %arg8[%dma_wait3A_156, %dma_wait3A_158, %dma_wait3A_159] : memref<8x128x8xf32, #tpu.memory_space<vmem>> -> memref<1x128x8xf32, #tpu.memory_space<vmem>>
      %dma_wait3A_161 = tpu.memref_squeeze %dma_wait3A_160 : memref<1x128x8xf32, #tpu.memory_space<vmem>> -> memref<128x8xf32, #tpu.memory_space<vmem>>
      %dma_wait3A_162 = arith.constant 0 : i32
      %dma_wait3A_163 = tpu.memref_slice %arg6[%add3A_155, %dma_wait3A_162] : memref<80x128xi32, #tpu.memory_space<vmem>> -> memref<1x128xi32, #tpu.memory_space<vmem>>
      %dma_wait3A_164 = tpu.memref_squeeze %dma_wait3A_163 : memref<1x128xi32, #tpu.memory_space<vmem>> -> memref<128xi32, #tpu.memory_space<vmem>>
      %dma_wait3A_165 = arith.constant 0 : i32
      %dma_wait3A_166 = arith.constant 0 : i32
      %dma_wait3A_167 = tpu.memref_slice %arg10[%dma_wait3A_165, %dma_wait3A_166] : memref<10240x8xf32, #tpu.memory_space<vmem_shared>> -> memref<10240x8xf32, #tpu.memory_space<vmem_shared>>
      %dma_wait3A_168 = tpu.memref_slice %arg11[%dma_wait3A_157] : memref<8x!tpu.dma_semaphore, #tpu.memory_space<semaphore_mem>> -> memref<1x!tpu.dma_semaphore, #tpu.memory_space<semaphore_mem>>
      %dma_wait3A_169 = tpu.memref_squeeze %dma_wait3A_168 : memref<1x!tpu.dma_semaphore, #tpu.memory_space<semaphore_mem>> -> memref<!tpu.dma_semaphore, #tpu.memory_space<semaphore_mem>>
      tpu.wait_indirect_dma semaphore(%dma_wait3A_169 : memref<!tpu.dma_semaphore, #tpu.memory_space<semaphore_mem>>) src(%dma_wait3A_167 : memref<10240x8xf32, #tpu.memory_space<vmem_shared>>) dst(%dma_wait3A_161 : memref<128x8xf32, #tpu.memory_space<vmem>>)
      %run_scoped3A_170 = arith.constant 1 : i32
      "tpu.region"() ({
        %run_scoped3A_322 = tpu.sem_alloc : memref<!tpu.dma_semaphore, #tpu.memory_space<semaphore_mem>>
        %dma_start3A_323 = arith.constant 0 : i32
        %dma_start3A_324 = arith.constant 0 : i32
        %dma_start3A_325 = tpu.memref_slice %arg8[%run_scoped3A_170, %dma_start3A_323, %dma_start3A_324] : memref<8x128x8xf32, #tpu.memory_space<vmem>> -> memref<1x128x8xf32, #tpu.memory_space<vmem>>
        %dma_start3A_326 = tpu.memref_squeeze %dma_start3A_325 : memref<1x128x8xf32, #tpu.memory_space<vmem>> -> memref<128x8xf32, #tpu.memory_space<vmem>>
        %dma_start3A_327 = arith.constant 0 : i32
        %dma_start3A_328 = tpu.memref_slice %arg7[%add3A_155, %dma_start3A_327] : memref<80x128xi32, #tpu.memory_space<vmem>> -> memref<1x128xi32, #tpu.memory_space<vmem>>
        %dma_start3A_329 = tpu.memref_squeeze %dma_start3A_328 : memref<1x128xi32, #tpu.memory_space<vmem>> -> memref<128xi32, #tpu.memory_space<vmem>>
        %dma_start3A_330 = arith.constant 0 : i32
        %dma_start3A_331 = arith.constant 0 : i32
        %dma_start3A_332 = tpu.memref_slice %arg9[%dma_start3A_330, %dma_start3A_331] : memref<10240x8xf32, #tpu.memory_space<vmem_shared>> -> memref<10240x8xf32, #tpu.memory_space<vmem_shared>>
        tpu.enqueue_indirect_dma source(%dma_start3A_326 : memref<128x8xf32, #tpu.memory_space<vmem>>) target(%dma_start3A_332 : memref<10240x8xf32, #tpu.memory_space<vmem_shared>>) offsets(%dma_start3A_329 : memref<128xi32, #tpu.memory_space<vmem>>) semaphore(%run_scoped3A_322 : memref<!tpu.dma_semaphore, #tpu.memory_space<semaphore_mem>>) {add = true}
        %dma_wait3A_333 = arith.constant 0 : i32
        %dma_wait3A_334 = arith.constant 0 : i32
        %dma_wait3A_335 = tpu.memref_slice %arg8[%run_scoped3A_170, %dma_wait3A_333, %dma_wait3A_334] : memref<8x128x8xf32, #tpu.memory_space<vmem>> -> memref<1x128x8xf32, #tpu.memory_space<vmem>>
        %dma_wait3A_336 = tpu.memref_squeeze %dma_wait3A_335 : memref<1x128x8xf32, #tpu.memory_space<vmem>> -> memref<128x8xf32, #tpu.memory_space<vmem>>
        %dma_wait3A_337 = arith.constant 0 : i32
        %dma_wait3A_338 = tpu.memref_slice %arg7[%add3A_155, %dma_wait3A_337] : memref<80x128xi32, #tpu.memory_space<vmem>> -> memref<1x128xi32, #tpu.memory_space<vmem>>
        %dma_wait3A_339 = tpu.memref_squeeze %dma_wait3A_338 : memref<1x128xi32, #tpu.memory_space<vmem>> -> memref<128xi32, #tpu.memory_space<vmem>>
        %dma_wait3A_340 = arith.constant 0 : i32
        %dma_wait3A_341 = arith.constant 0 : i32
        %dma_wait3A_342 = tpu.memref_slice %arg9[%dma_wait3A_340, %dma_wait3A_341] : memref<10240x8xf32, #tpu.memory_space<vmem_shared>> -> memref<10240x8xf32, #tpu.memory_space<vmem_shared>>
        tpu.wait_indirect_dma semaphore(%run_scoped3A_322 : memref<!tpu.dma_semaphore, #tpu.memory_space<semaphore_mem>>) src(%dma_wait3A_336 : memref<128x8xf32, #tpu.memory_space<vmem>>) dst(%dma_wait3A_342 : memref<10240x8xf32, #tpu.memory_space<vmem_shared>>)
        tpu.yield
      }) : () -> ()
      %add3A_171 = arith.constant 8 : i32
      %add3A_172 = arith.addi %add3A_155, %add3A_171 : i32
      %lt3A_173 = arith.constant 80 : i32
      %lt3A_174 = arith.cmpi slt, %add3A_172, %lt3A_173 : i32
      %convert_element_type3A_175 = arith.extui %lt3A_174 : i1 to i32
      %cond3A_176 = arith.constant 0 : i32
      %cond3A_177 = arith.cmpi ne, %convert_element_type3A_175, %cond3A_176 : i32
      scf.if %cond3A_177 {
        %dma_start3A_322 = arith.constant 1 : i32
        %dma_start3A_323 = arith.constant 1 : i32
        %dma_start3A_324 = arith.constant 0 : i32
        %dma_start3A_325 = arith.constant 0 : i32
        %dma_start3A_326 = tpu.memref_slice %arg8[%dma_start3A_322, %dma_start3A_324, %dma_start3A_325] : memref<8x128x8xf32, #tpu.memory_space<vmem>> -> memref<1x128x8xf32, #tpu.memory_space<vmem>>
        %dma_start3A_327 = tpu.memref_squeeze %dma_start3A_326 : memref<1x128x8xf32, #tpu.memory_space<vmem>> -> memref<128x8xf32, #tpu.memory_space<vmem>>
        %dma_start3A_328 = arith.constant 0 : i32
        %dma_start3A_329 = tpu.memref_slice %arg6[%add3A_172, %dma_start3A_328] : memref<80x128xi32, #tpu.memory_space<vmem>> -> memref<1x128xi32, #tpu.memory_space<vmem>>
        %dma_start3A_330 = tpu.memref_squeeze %dma_start3A_329 : memref<1x128xi32, #tpu.memory_space<vmem>> -> memref<128xi32, #tpu.memory_space<vmem>>
        %dma_start3A_331 = arith.constant 0 : i32
        %dma_start3A_332 = arith.constant 0 : i32
        %dma_start3A_333 = tpu.memref_slice %arg10[%dma_start3A_331, %dma_start3A_332] : memref<10240x8xf32, #tpu.memory_space<vmem_shared>> -> memref<10240x8xf32, #tpu.memory_space<vmem_shared>>
        %dma_start3A_334 = tpu.memref_slice %arg11[%dma_start3A_323] : memref<8x!tpu.dma_semaphore, #tpu.memory_space<semaphore_mem>> -> memref<1x!tpu.dma_semaphore, #tpu.memory_space<semaphore_mem>>
        %dma_start3A_335 = tpu.memref_squeeze %dma_start3A_334 : memref<1x!tpu.dma_semaphore, #tpu.memory_space<semaphore_mem>> -> memref<!tpu.dma_semaphore, #tpu.memory_space<semaphore_mem>>
        tpu.enqueue_indirect_dma source(%dma_start3A_333 : memref<10240x8xf32, #tpu.memory_space<vmem_shared>>) target(%dma_start3A_327 : memref<128x8xf32, #tpu.memory_space<vmem>>) offsets(%dma_start3A_330 : memref<128xi32, #tpu.memory_space<vmem>>) semaphore(%dma_start3A_335 : memref<!tpu.dma_semaphore, #tpu.memory_space<semaphore_mem>>)
      } else {
      }
      %add3A_178 = arith.constant 2 : i32
      %add3A_179 = arith.addi %mul3A_133, %add3A_178 : i32
      %dma_wait3A_180 = arith.constant 2 : i32
      %dma_wait3A_181 = arith.constant 2 : i32
      %dma_wait3A_182 = arith.constant 0 : i32
      %dma_wait3A_183 = arith.constant 0 : i32
      %dma_wait3A_184 = tpu.memref_slice %arg8[%dma_wait3A_180, %dma_wait3A_182, %dma_wait3A_183] : memref<8x128x8xf32, #tpu.memory_space<vmem>> -> memref<1x128x8xf32, #tpu.memory_space<vmem>>
      %dma_wait3A_185 = tpu.memref_squeeze %dma_wait3A_184 : memref<1x128x8xf32, #tpu.memory_space<vmem>> -> memref<128x8xf32, #tpu.memory_space<vmem>>
      %dma_wait3A_186 = arith.constant 0 : i32
      %dma_wait3A_187 = tpu.memref_slice %arg6[%add3A_179, %dma_wait3A_186] : memref<80x128xi32, #tpu.memory_space<vmem>> -> memref<1x128xi32, #tpu.memory_space<vmem>>
      %dma_wait3A_188 = tpu.memref_squeeze %dma_wait3A_187 : memref<1x128xi32, #tpu.memory_space<vmem>> -> memref<128xi32, #tpu.memory_space<vmem>>
      %dma_wait3A_189 = arith.constant 0 : i32
      %dma_wait3A_190 = arith.constant 0 : i32
      %dma_wait3A_191 = tpu.memref_slice %arg10[%dma_wait3A_189, %dma_wait3A_190] : memref<10240x8xf32, #tpu.memory_space<vmem_shared>> -> memref<10240x8xf32, #tpu.memory_space<vmem_shared>>
      %dma_wait3A_192 = tpu.memref_slice %arg11[%dma_wait3A_181] : memref<8x!tpu.dma_semaphore, #tpu.memory_space<semaphore_mem>> -> memref<1x!tpu.dma_semaphore, #tpu.memory_space<semaphore_mem>>
      %dma_wait3A_193 = tpu.memref_squeeze %dma_wait3A_192 : memref<1x!tpu.dma_semaphore, #tpu.memory_space<semaphore_mem>> -> memref<!tpu.dma_semaphore, #tpu.memory_space<semaphore_mem>>
      tpu.wait_indirect_dma semaphore(%dma_wait3A_193 : memref<!tpu.dma_semaphore, #tpu.memory_space<semaphore_mem>>) src(%dma_wait3A_191 : memref<10240x8xf32, #tpu.memory_space<vmem_shared>>) dst(%dma_wait3A_185 : memref<128x8xf32, #tpu.memory_space<vmem>>)
      %run_scoped3A_194 = arith.constant 2 : i32
      "tpu.region"() ({
        %run_scoped3A_322 = tpu.sem_alloc : memref<!tpu.dma_semaphore, #tpu.memory_space<semaphore_mem>>
        %dma_start3A_323 = arith.constant 0 : i32
        %dma_start3A_324 = arith.constant 0 : i32
        %dma_start3A_325 = tpu.memref_slice %arg8[%run_scoped3A_194, %dma_start3A_323, %dma_start3A_324] : memref<8x128x8xf32, #tpu.memory_space<vmem>> -> memref<1x128x8xf32, #tpu.memory_space<vmem>>
        %dma_start3A_326 = tpu.memref_squeeze %dma_start3A_325 : memref<1x128x8xf32, #tpu.memory_space<vmem>> -> memref<128x8xf32, #tpu.memory_space<vmem>>
        %dma_start3A_327 = arith.constant 0 : i32
        %dma_start3A_328 = tpu.memref_slice %arg7[%add3A_179, %dma_start3A_327] : memref<80x128xi32, #tpu.memory_space<vmem>> -> memref<1x128xi32, #tpu.memory_space<vmem>>
        %dma_start3A_329 = tpu.memref_squeeze %dma_start3A_328 : memref<1x128xi32, #tpu.memory_space<vmem>> -> memref<128xi32, #tpu.memory_space<vmem>>
        %dma_start3A_330 = arith.constant 0 : i32
        %dma_start3A_331 = arith.constant 0 : i32
        %dma_start3A_332 = tpu.memref_slice %arg9[%dma_start3A_330, %dma_start3A_331] : memref<10240x8xf32, #tpu.memory_space<vmem_shared>> -> memref<10240x8xf32, #tpu.memory_space<vmem_shared>>
        tpu.enqueue_indirect_dma source(%dma_start3A_326 : memref<128x8xf32, #tpu.memory_space<vmem>>) target(%dma_start3A_332 : memref<10240x8xf32, #tpu.memory_space<vmem_shared>>) offsets(%dma_start3A_329 : memref<128xi32, #tpu.memory_space<vmem>>) semaphore(%run_scoped3A_322 : memref<!tpu.dma_semaphore, #tpu.memory_space<semaphore_mem>>) {add = true}
        %dma_wait3A_333 = arith.constant 0 : i32
        %dma_wait3A_334 = arith.constant 0 : i32
        %dma_wait3A_335 = tpu.memref_slice %arg8[%run_scoped3A_194, %dma_wait3A_333, %dma_wait3A_334] : memref<8x128x8xf32, #tpu.memory_space<vmem>> -> memref<1x128x8xf32, #tpu.memory_space<vmem>>
        %dma_wait3A_336 = tpu.memref_squeeze %dma_wait3A_335 : memref<1x128x8xf32, #tpu.memory_space<vmem>> -> memref<128x8xf32, #tpu.memory_space<vmem>>
        %dma_wait3A_337 = arith.constant 0 : i32
        %dma_wait3A_338 = tpu.memref_slice %arg7[%add3A_179, %dma_wait3A_337] : memref<80x128xi32, #tpu.memory_space<vmem>> -> memref<1x128xi32, #tpu.memory_space<vmem>>
        %dma_wait3A_339 = tpu.memref_squeeze %dma_wait3A_338 : memref<1x128xi32, #tpu.memory_space<vmem>> -> memref<128xi32, #tpu.memory_space<vmem>>
        %dma_wait3A_340 = arith.constant 0 : i32
        %dma_wait3A_341 = arith.constant 0 : i32
        %dma_wait3A_342 = tpu.memref_slice %arg9[%dma_wait3A_340, %dma_wait3A_341] : memref<10240x8xf32, #tpu.memory_space<vmem_shared>> -> memref<10240x8xf32, #tpu.memory_space<vmem_shared>>
        tpu.wait_indirect_dma semaphore(%run_scoped3A_322 : memref<!tpu.dma_semaphore, #tpu.memory_space<semaphore_mem>>) src(%dma_wait3A_336 : memref<128x8xf32, #tpu.memory_space<vmem>>) dst(%dma_wait3A_342 : memref<10240x8xf32, #tpu.memory_space<vmem_shared>>)
        tpu.yield
      }) : () -> ()
      %add3A_195 = arith.constant 8 : i32
      %add3A_196 = arith.addi %add3A_179, %add3A_195 : i32
      %lt3A_197 = arith.constant 80 : i32
      %lt3A_198 = arith.cmpi slt, %add3A_196, %lt3A_197 : i32
      %convert_element_type3A_199 = arith.extui %lt3A_198 : i1 to i32
      %cond3A_200 = arith.constant 0 : i32
      %cond3A_201 = arith.cmpi ne, %convert_element_type3A_199, %cond3A_200 : i32
      scf.if %cond3A_201 {
        %dma_start3A_322 = arith.constant 2 : i32
        %dma_start3A_323 = arith.constant 2 : i32
        %dma_start3A_324 = arith.constant 0 : i32
        %dma_start3A_325 = arith.constant 0 : i32
        %dma_start3A_326 = tpu.memref_slice %arg8[%dma_start3A_322, %dma_start3A_324, %dma_start3A_325] : memref<8x128x8xf32, #tpu.memory_space<vmem>> -> memref<1x128x8xf32, #tpu.memory_space<vmem>>
        %dma_start3A_327 = tpu.memref_squeeze %dma_start3A_326 : memref<1x128x8xf32, #tpu.memory_space<vmem>> -> memref<128x8xf32, #tpu.memory_space<vmem>>
        %dma_start3A_328 = arith.constant 0 : i32
        %dma_start3A_329 = tpu.memref_slice %arg6[%add3A_196, %dma_start3A_328] : memref<80x128xi32, #tpu.memory_space<vmem>> -> memref<1x128xi32, #tpu.memory_space<vmem>>
        %dma_start3A_330 = tpu.memref_squeeze %dma_start3A_329 : memref<1x128xi32, #tpu.memory_space<vmem>> -> memref<128xi32, #tpu.memory_space<vmem>>
        %dma_start3A_331 = arith.constant 0 : i32
        %dma_start3A_332 = arith.constant 0 : i32
        %dma_start3A_333 = tpu.memref_slice %arg10[%dma_start3A_331, %dma_start3A_332] : memref<10240x8xf32, #tpu.memory_space<vmem_shared>> -> memref<10240x8xf32, #tpu.memory_space<vmem_shared>>
        %dma_start3A_334 = tpu.memref_slice %arg11[%dma_start3A_323] : memref<8x!tpu.dma_semaphore, #tpu.memory_space<semaphore_mem>> -> memref<1x!tpu.dma_semaphore, #tpu.memory_space<semaphore_mem>>
        %dma_start3A_335 = tpu.memref_squeeze %dma_start3A_334 : memref<1x!tpu.dma_semaphore, #tpu.memory_space<semaphore_mem>> -> memref<!tpu.dma_semaphore, #tpu.memory_space<semaphore_mem>>
        tpu.enqueue_indirect_dma source(%dma_start3A_333 : memref<10240x8xf32, #tpu.memory_space<vmem_shared>>) target(%dma_start3A_327 : memref<128x8xf32, #tpu.memory_space<vmem>>) offsets(%dma_start3A_330 : memref<128xi32, #tpu.memory_space<vmem>>) semaphore(%dma_start3A_335 : memref<!tpu.dma_semaphore, #tpu.memory_space<semaphore_mem>>)
      } else {
      }
      %add3A_202 = arith.constant 3 : i32
      %add3A_203 = arith.addi %mul3A_133, %add3A_202 : i32
      %dma_wait3A_204 = arith.constant 3 : i32
      %dma_wait3A_205 = arith.constant 3 : i32
      %dma_wait3A_206 = arith.constant 0 : i32
      %dma_wait3A_207 = arith.constant 0 : i32
      %dma_wait3A_208 = tpu.memref_slice %arg8[%dma_wait3A_204, %dma_wait3A_206, %dma_wait3A_207] : memref<8x128x8xf32, #tpu.memory_space<vmem>> -> memref<1x128x8xf32, #tpu.memory_space<vmem>>
      %dma_wait3A_209 = tpu.memref_squeeze %dma_wait3A_208 : memref<1x128x8xf32, #tpu.memory_space<vmem>> -> memref<128x8xf32, #tpu.memory_space<vmem>>
      %dma_wait3A_210 = arith.constant 0 : i32
      %dma_wait3A_211 = tpu.memref_slice %arg6[%add3A_203, %dma_wait3A_210] : memref<80x128xi32, #tpu.memory_space<vmem>> -> memref<1x128xi32, #tpu.memory_space<vmem>>
      %dma_wait3A_212 = tpu.memref_squeeze %dma_wait3A_211 : memref<1x128xi32, #tpu.memory_space<vmem>> -> memref<128xi32, #tpu.memory_space<vmem>>
      %dma_wait3A_213 = arith.constant 0 : i32
      %dma_wait3A_214 = arith.constant 0 : i32
      %dma_wait3A_215 = tpu.memref_slice %arg10[%dma_wait3A_213, %dma_wait3A_214] : memref<10240x8xf32, #tpu.memory_space<vmem_shared>> -> memref<10240x8xf32, #tpu.memory_space<vmem_shared>>
      %dma_wait3A_216 = tpu.memref_slice %arg11[%dma_wait3A_205] : memref<8x!tpu.dma_semaphore, #tpu.memory_space<semaphore_mem>> -> memref<1x!tpu.dma_semaphore, #tpu.memory_space<semaphore_mem>>
      %dma_wait3A_217 = tpu.memref_squeeze %dma_wait3A_216 : memref<1x!tpu.dma_semaphore, #tpu.memory_space<semaphore_mem>> -> memref<!tpu.dma_semaphore, #tpu.memory_space<semaphore_mem>>
      tpu.wait_indirect_dma semaphore(%dma_wait3A_217 : memref<!tpu.dma_semaphore, #tpu.memory_space<semaphore_mem>>) src(%dma_wait3A_215 : memref<10240x8xf32, #tpu.memory_space<vmem_shared>>) dst(%dma_wait3A_209 : memref<128x8xf32, #tpu.memory_space<vmem>>)
      %run_scoped3A_218 = arith.constant 3 : i32
      "tpu.region"() ({
        %run_scoped3A_322 = tpu.sem_alloc : memref<!tpu.dma_semaphore, #tpu.memory_space<semaphore_mem>>
        %dma_start3A_323 = arith.constant 0 : i32
        %dma_start3A_324 = arith.constant 0 : i32
        %dma_start3A_325 = tpu.memref_slice %arg8[%run_scoped3A_218, %dma_start3A_323, %dma_start3A_324] : memref<8x128x8xf32, #tpu.memory_space<vmem>> -> memref<1x128x8xf32, #tpu.memory_space<vmem>>
        %dma_start3A_326 = tpu.memref_squeeze %dma_start3A_325 : memref<1x128x8xf32, #tpu.memory_space<vmem>> -> memref<128x8xf32, #tpu.memory_space<vmem>>
        %dma_start3A_327 = arith.constant 0 : i32
        %dma_start3A_328 = tpu.memref_slice %arg7[%add3A_203, %dma_start3A_327] : memref<80x128xi32, #tpu.memory_space<vmem>> -> memref<1x128xi32, #tpu.memory_space<vmem>>
        %dma_start3A_329 = tpu.memref_squeeze %dma_start3A_328 : memref<1x128xi32, #tpu.memory_space<vmem>> -> memref<128xi32, #tpu.memory_space<vmem>>
        %dma_start3A_330 = arith.constant 0 : i32
        %dma_start3A_331 = arith.constant 0 : i32
        %dma_start3A_332 = tpu.memref_slice %arg9[%dma_start3A_330, %dma_start3A_331] : memref<10240x8xf32, #tpu.memory_space<vmem_shared>> -> memref<10240x8xf32, #tpu.memory_space<vmem_shared>>
        tpu.enqueue_indirect_dma source(%dma_start3A_326 : memref<128x8xf32, #tpu.memory_space<vmem>>) target(%dma_start3A_332 : memref<10240x8xf32, #tpu.memory_space<vmem_shared>>) offsets(%dma_start3A_329 : memref<128xi32, #tpu.memory_space<vmem>>) semaphore(%run_scoped3A_322 : memref<!tpu.dma_semaphore, #tpu.memory_space<semaphore_mem>>) {add = true}
        %dma_wait3A_333 = arith.constant 0 : i32
        %dma_wait3A_334 = arith.constant 0 : i32
        %dma_wait3A_335 = tpu.memref_slice %arg8[%run_scoped3A_218, %dma_wait3A_333, %dma_wait3A_334] : memref<8x128x8xf32, #tpu.memory_space<vmem>> -> memref<1x128x8xf32, #tpu.memory_space<vmem>>
        %dma_wait3A_336 = tpu.memref_squeeze %dma_wait3A_335 : memref<1x128x8xf32, #tpu.memory_space<vmem>> -> memref<128x8xf32, #tpu.memory_space<vmem>>
        %dma_wait3A_337 = arith.constant 0 : i32
        %dma_wait3A_338 = tpu.memref_slice %arg7[%add3A_203, %dma_wait3A_337] : memref<80x128xi32, #tpu.memory_space<vmem>> -> memref<1x128xi32, #tpu.memory_space<vmem>>
        %dma_wait3A_339 = tpu.memref_squeeze %dma_wait3A_338 : memref<1x128xi32, #tpu.memory_space<vmem>> -> memref<128xi32, #tpu.memory_space<vmem>>
        %dma_wait3A_340 = arith.constant 0 : i32
        %dma_wait3A_341 = arith.constant 0 : i32
        %dma_wait3A_342 = tpu.memref_slice %arg9[%dma_wait3A_340, %dma_wait3A_341] : memref<10240x8xf32, #tpu.memory_space<vmem_shared>> -> memref<10240x8xf32, #tpu.memory_space<vmem_shared>>
        tpu.wait_indirect_dma semaphore(%run_scoped3A_322 : memref<!tpu.dma_semaphore, #tpu.memory_space<semaphore_mem>>) src(%dma_wait3A_336 : memref<128x8xf32, #tpu.memory_space<vmem>>) dst(%dma_wait3A_342 : memref<10240x8xf32, #tpu.memory_space<vmem_shared>>)
        tpu.yield
      }) : () -> ()
      %add3A_219 = arith.constant 8 : i32
      %add3A_220 = arith.addi %add3A_203, %add3A_219 : i32
      %lt3A_221 = arith.constant 80 : i32
      %lt3A_222 = arith.cmpi slt, %add3A_220, %lt3A_221 : i32
      %convert_element_type3A_223 = arith.extui %lt3A_222 : i1 to i32
      %cond3A_224 = arith.constant 0 : i32
      %cond3A_225 = arith.cmpi ne, %convert_element_type3A_223, %cond3A_224 : i32
      scf.if %cond3A_225 {
        %dma_start3A_322 = arith.constant 3 : i32
        %dma_start3A_323 = arith.constant 3 : i32
        %dma_start3A_324 = arith.constant 0 : i32
        %dma_start3A_325 = arith.constant 0 : i32
        %dma_start3A_326 = tpu.memref_slice %arg8[%dma_start3A_322, %dma_start3A_324, %dma_start3A_325] : memref<8x128x8xf32, #tpu.memory_space<vmem>> -> memref<1x128x8xf32, #tpu.memory_space<vmem>>
        %dma_start3A_327 = tpu.memref_squeeze %dma_start3A_326 : memref<1x128x8xf32, #tpu.memory_space<vmem>> -> memref<128x8xf32, #tpu.memory_space<vmem>>
        %dma_start3A_328 = arith.constant 0 : i32
        %dma_start3A_329 = tpu.memref_slice %arg6[%add3A_220, %dma_start3A_328] : memref<80x128xi32, #tpu.memory_space<vmem>> -> memref<1x128xi32, #tpu.memory_space<vmem>>
        %dma_start3A_330 = tpu.memref_squeeze %dma_start3A_329 : memref<1x128xi32, #tpu.memory_space<vmem>> -> memref<128xi32, #tpu.memory_space<vmem>>
        %dma_start3A_331 = arith.constant 0 : i32
        %dma_start3A_332 = arith.constant 0 : i32
        %dma_start3A_333 = tpu.memref_slice %arg10[%dma_start3A_331, %dma_start3A_332] : memref<10240x8xf32, #tpu.memory_space<vmem_shared>> -> memref<10240x8xf32, #tpu.memory_space<vmem_shared>>
        %dma_start3A_334 = tpu.memref_slice %arg11[%dma_start3A_323] : memref<8x!tpu.dma_semaphore, #tpu.memory_space<semaphore_mem>> -> memref<1x!tpu.dma_semaphore, #tpu.memory_space<semaphore_mem>>
        %dma_start3A_335 = tpu.memref_squeeze %dma_start3A_334 : memref<1x!tpu.dma_semaphore, #tpu.memory_space<semaphore_mem>> -> memref<!tpu.dma_semaphore, #tpu.memory_space<semaphore_mem>>
        tpu.enqueue_indirect_dma source(%dma_start3A_333 : memref<10240x8xf32, #tpu.memory_space<vmem_shared>>) target(%dma_start3A_327 : memref<128x8xf32, #tpu.memory_space<vmem>>) offsets(%dma_start3A_330 : memref<128xi32, #tpu.memory_space<vmem>>) semaphore(%dma_start3A_335 : memref<!tpu.dma_semaphore, #tpu.memory_space<semaphore_mem>>)
      } else {
      }
      %add3A_226 = arith.constant 4 : i32
      %add3A_227 = arith.addi %mul3A_133, %add3A_226 : i32
      %dma_wait3A_228 = arith.constant 4 : i32
      %dma_wait3A_229 = arith.constant 4 : i32
      %dma_wait3A_230 = arith.constant 0 : i32
      %dma_wait3A_231 = arith.constant 0 : i32
      %dma_wait3A_232 = tpu.memref_slice %arg8[%dma_wait3A_228, %dma_wait3A_230, %dma_wait3A_231] : memref<8x128x8xf32, #tpu.memory_space<vmem>> -> memref<1x128x8xf32, #tpu.memory_space<vmem>>
      %dma_wait3A_233 = tpu.memref_squeeze %dma_wait3A_232 : memref<1x128x8xf32, #tpu.memory_space<vmem>> -> memref<128x8xf32, #tpu.memory_space<vmem>>
      %dma_wait3A_234 = arith.constant 0 : i32
      %dma_wait3A_235 = tpu.memref_slice %arg6[%add3A_227, %dma_wait3A_234] : memref<80x128xi32, #tpu.memory_space<vmem>> -> memref<1x128xi32, #tpu.memory_space<vmem>>
      %dma_wait3A_236 = tpu.memref_squeeze %dma_wait3A_235 : memref<1x128xi32, #tpu.memory_space<vmem>> -> memref<128xi32, #tpu.memory_space<vmem>>
      %dma_wait3A_237 = arith.constant 0 : i32
      %dma_wait3A_238 = arith.constant 0 : i32
      %dma_wait3A_239 = tpu.memref_slice %arg10[%dma_wait3A_237, %dma_wait3A_238] : memref<10240x8xf32, #tpu.memory_space<vmem_shared>> -> memref<10240x8xf32, #tpu.memory_space<vmem_shared>>
      %dma_wait3A_240 = tpu.memref_slice %arg11[%dma_wait3A_229] : memref<8x!tpu.dma_semaphore, #tpu.memory_space<semaphore_mem>> -> memref<1x!tpu.dma_semaphore, #tpu.memory_space<semaphore_mem>>
      %dma_wait3A_241 = tpu.memref_squeeze %dma_wait3A_240 : memref<1x!tpu.dma_semaphore, #tpu.memory_space<semaphore_mem>> -> memref<!tpu.dma_semaphore, #tpu.memory_space<semaphore_mem>>
      tpu.wait_indirect_dma semaphore(%dma_wait3A_241 : memref<!tpu.dma_semaphore, #tpu.memory_space<semaphore_mem>>) src(%dma_wait3A_239 : memref<10240x8xf32, #tpu.memory_space<vmem_shared>>) dst(%dma_wait3A_233 : memref<128x8xf32, #tpu.memory_space<vmem>>)
      %run_scoped3A_242 = arith.constant 4 : i32
      "tpu.region"() ({
        %run_scoped3A_322 = tpu.sem_alloc : memref<!tpu.dma_semaphore, #tpu.memory_space<semaphore_mem>>
        %dma_start3A_323 = arith.constant 0 : i32
        %dma_start3A_324 = arith.constant 0 : i32
        %dma_start3A_325 = tpu.memref_slice %arg8[%run_scoped3A_242, %dma_start3A_323, %dma_start3A_324] : memref<8x128x8xf32, #tpu.memory_space<vmem>> -> memref<1x128x8xf32, #tpu.memory_space<vmem>>
        %dma_start3A_326 = tpu.memref_squeeze %dma_start3A_325 : memref<1x128x8xf32, #tpu.memory_space<vmem>> -> memref<128x8xf32, #tpu.memory_space<vmem>>
        %dma_start3A_327 = arith.constant 0 : i32
        %dma_start3A_328 = tpu.memref_slice %arg7[%add3A_227, %dma_start3A_327] : memref<80x128xi32, #tpu.memory_space<vmem>> -> memref<1x128xi32, #tpu.memory_space<vmem>>
        %dma_start3A_329 = tpu.memref_squeeze %dma_start3A_328 : memref<1x128xi32, #tpu.memory_space<vmem>> -> memref<128xi32, #tpu.memory_space<vmem>>
        %dma_start3A_330 = arith.constant 0 : i32
        %dma_start3A_331 = arith.constant 0 : i32
        %dma_start3A_332 = tpu.memref_slice %arg9[%dma_start3A_330, %dma_start3A_331] : memref<10240x8xf32, #tpu.memory_space<vmem_shared>> -> memref<10240x8xf32, #tpu.memory_space<vmem_shared>>
        tpu.enqueue_indirect_dma source(%dma_start3A_326 : memref<128x8xf32, #tpu.memory_space<vmem>>) target(%dma_start3A_332 : memref<10240x8xf32, #tpu.memory_space<vmem_shared>>) offsets(%dma_start3A_329 : memref<128xi32, #tpu.memory_space<vmem>>) semaphore(%run_scoped3A_322 : memref<!tpu.dma_semaphore, #tpu.memory_space<semaphore_mem>>) {add = true}
        %dma_wait3A_333 = arith.constant 0 : i32
        %dma_wait3A_334 = arith.constant 0 : i32
        %dma_wait3A_335 = tpu.memref_slice %arg8[%run_scoped3A_242, %dma_wait3A_333, %dma_wait3A_334] : memref<8x128x8xf32, #tpu.memory_space<vmem>> -> memref<1x128x8xf32, #tpu.memory_space<vmem>>
        %dma_wait3A_336 = tpu.memref_squeeze %dma_wait3A_335 : memref<1x128x8xf32, #tpu.memory_space<vmem>> -> memref<128x8xf32, #tpu.memory_space<vmem>>
        %dma_wait3A_337 = arith.constant 0 : i32
        %dma_wait3A_338 = tpu.memref_slice %arg7[%add3A_227, %dma_wait3A_337] : memref<80x128xi32, #tpu.memory_space<vmem>> -> memref<1x128xi32, #tpu.memory_space<vmem>>
        %dma_wait3A_339 = tpu.memref_squeeze %dma_wait3A_338 : memref<1x128xi32, #tpu.memory_space<vmem>> -> memref<128xi32, #tpu.memory_space<vmem>>
        %dma_wait3A_340 = arith.constant 0 : i32
        %dma_wait3A_341 = arith.constant 0 : i32
        %dma_wait3A_342 = tpu.memref_slice %arg9[%dma_wait3A_340, %dma_wait3A_341] : memref<10240x8xf32, #tpu.memory_space<vmem_shared>> -> memref<10240x8xf32, #tpu.memory_space<vmem_shared>>
        tpu.wait_indirect_dma semaphore(%run_scoped3A_322 : memref<!tpu.dma_semaphore, #tpu.memory_space<semaphore_mem>>) src(%dma_wait3A_336 : memref<128x8xf32, #tpu.memory_space<vmem>>) dst(%dma_wait3A_342 : memref<10240x8xf32, #tpu.memory_space<vmem_shared>>)
        tpu.yield
      }) : () -> ()
      %add3A_243 = arith.constant 8 : i32
      %add3A_244 = arith.addi %add3A_227, %add3A_243 : i32
      %lt3A_245 = arith.constant 80 : i32
      %lt3A_246 = arith.cmpi slt, %add3A_244, %lt3A_245 : i32
      %convert_element_type3A_247 = arith.extui %lt3A_246 : i1 to i32
      %cond3A_248 = arith.constant 0 : i32
      %cond3A_249 = arith.cmpi ne, %convert_element_type3A_247, %cond3A_248 : i32
      scf.if %cond3A_249 {
        %dma_start3A_322 = arith.constant 4 : i32
        %dma_start3A_323 = arith.constant 4 : i32
        %dma_start3A_324 = arith.constant 0 : i32
        %dma_start3A_325 = arith.constant 0 : i32
        %dma_start3A_326 = tpu.memref_slice %arg8[%dma_start3A_322, %dma_start3A_324, %dma_start3A_325] : memref<8x128x8xf32, #tpu.memory_space<vmem>> -> memref<1x128x8xf32, #tpu.memory_space<vmem>>
        %dma_start3A_327 = tpu.memref_squeeze %dma_start3A_326 : memref<1x128x8xf32, #tpu.memory_space<vmem>> -> memref<128x8xf32, #tpu.memory_space<vmem>>
        %dma_start3A_328 = arith.constant 0 : i32
        %dma_start3A_329 = tpu.memref_slice %arg6[%add3A_244, %dma_start3A_328] : memref<80x128xi32, #tpu.memory_space<vmem>> -> memref<1x128xi32, #tpu.memory_space<vmem>>
        %dma_start3A_330 = tpu.memref_squeeze %dma_start3A_329 : memref<1x128xi32, #tpu.memory_space<vmem>> -> memref<128xi32, #tpu.memory_space<vmem>>
        %dma_start3A_331 = arith.constant 0 : i32
        %dma_start3A_332 = arith.constant 0 : i32
        %dma_start3A_333 = tpu.memref_slice %arg10[%dma_start3A_331, %dma_start3A_332] : memref<10240x8xf32, #tpu.memory_space<vmem_shared>> -> memref<10240x8xf32, #tpu.memory_space<vmem_shared>>
        %dma_start3A_334 = tpu.memref_slice %arg11[%dma_start3A_323] : memref<8x!tpu.dma_semaphore, #tpu.memory_space<semaphore_mem>> -> memref<1x!tpu.dma_semaphore, #tpu.memory_space<semaphore_mem>>
        %dma_start3A_335 = tpu.memref_squeeze %dma_start3A_334 : memref<1x!tpu.dma_semaphore, #tpu.memory_space<semaphore_mem>> -> memref<!tpu.dma_semaphore, #tpu.memory_space<semaphore_mem>>
        tpu.enqueue_indirect_dma source(%dma_start3A_333 : memref<10240x8xf32, #tpu.memory_space<vmem_shared>>) target(%dma_start3A_327 : memref<128x8xf32, #tpu.memory_space<vmem>>) offsets(%dma_start3A_330 : memref<128xi32, #tpu.memory_space<vmem>>) semaphore(%dma_start3A_335 : memref<!tpu.dma_semaphore, #tpu.memory_space<semaphore_mem>>)
      } else {
      }
      %add3A_250 = arith.constant 5 : i32
      %add3A_251 = arith.addi %mul3A_133, %add3A_250 : i32
      %dma_wait3A_252 = arith.constant 5 : i32
      %dma_wait3A_253 = arith.constant 5 : i32
      %dma_wait3A_254 = arith.constant 0 : i32
      %dma_wait3A_255 = arith.constant 0 : i32
      %dma_wait3A_256 = tpu.memref_slice %arg8[%dma_wait3A_252, %dma_wait3A_254, %dma_wait3A_255] : memref<8x128x8xf32, #tpu.memory_space<vmem>> -> memref<1x128x8xf32, #tpu.memory_space<vmem>>
      %dma_wait3A_257 = tpu.memref_squeeze %dma_wait3A_256 : memref<1x128x8xf32, #tpu.memory_space<vmem>> -> memref<128x8xf32, #tpu.memory_space<vmem>>
      %dma_wait3A_258 = arith.constant 0 : i32
      %dma_wait3A_259 = tpu.memref_slice %arg6[%add3A_251, %dma_wait3A_258] : memref<80x128xi32, #tpu.memory_space<vmem>> -> memref<1x128xi32, #tpu.memory_space<vmem>>
      %dma_wait3A_260 = tpu.memref_squeeze %dma_wait3A_259 : memref<1x128xi32, #tpu.memory_space<vmem>> -> memref<128xi32, #tpu.memory_space<vmem>>
      %dma_wait3A_261 = arith.constant 0 : i32
      %dma_wait3A_262 = arith.constant 0 : i32
      %dma_wait3A_263 = tpu.memref_slice %arg10[%dma_wait3A_261, %dma_wait3A_262] : memref<10240x8xf32, #tpu.memory_space<vmem_shared>> -> memref<10240x8xf32, #tpu.memory_space<vmem_shared>>
      %dma_wait3A_264 = tpu.memref_slice %arg11[%dma_wait3A_253] : memref<8x!tpu.dma_semaphore, #tpu.memory_space<semaphore_mem>> -> memref<1x!tpu.dma_semaphore, #tpu.memory_space<semaphore_mem>>
      %dma_wait3A_265 = tpu.memref_squeeze %dma_wait3A_264 : memref<1x!tpu.dma_semaphore, #tpu.memory_space<semaphore_mem>> -> memref<!tpu.dma_semaphore, #tpu.memory_space<semaphore_mem>>
      tpu.wait_indirect_dma semaphore(%dma_wait3A_265 : memref<!tpu.dma_semaphore, #tpu.memory_space<semaphore_mem>>) src(%dma_wait3A_263 : memref<10240x8xf32, #tpu.memory_space<vmem_shared>>) dst(%dma_wait3A_257 : memref<128x8xf32, #tpu.memory_space<vmem>>)
      %run_scoped3A_266 = arith.constant 5 : i32
      "tpu.region"() ({
        %run_scoped3A_322 = tpu.sem_alloc : memref<!tpu.dma_semaphore, #tpu.memory_space<semaphore_mem>>
        %dma_start3A_323 = arith.constant 0 : i32
        %dma_start3A_324 = arith.constant 0 : i32
        %dma_start3A_325 = tpu.memref_slice %arg8[%run_scoped3A_266, %dma_start3A_323, %dma_start3A_324] : memref<8x128x8xf32, #tpu.memory_space<vmem>> -> memref<1x128x8xf32, #tpu.memory_space<vmem>>
        %dma_start3A_326 = tpu.memref_squeeze %dma_start3A_325 : memref<1x128x8xf32, #tpu.memory_space<vmem>> -> memref<128x8xf32, #tpu.memory_space<vmem>>
        %dma_start3A_327 = arith.constant 0 : i32
        %dma_start3A_328 = tpu.memref_slice %arg7[%add3A_251, %dma_start3A_327] : memref<80x128xi32, #tpu.memory_space<vmem>> -> memref<1x128xi32, #tpu.memory_space<vmem>>
        %dma_start3A_329 = tpu.memref_squeeze %dma_start3A_328 : memref<1x128xi32, #tpu.memory_space<vmem>> -> memref<128xi32, #tpu.memory_space<vmem>>
        %dma_start3A_330 = arith.constant 0 : i32
        %dma_start3A_331 = arith.constant 0 : i32
        %dma_start3A_332 = tpu.memref_slice %arg9[%dma_start3A_330, %dma_start3A_331] : memref<10240x8xf32, #tpu.memory_space<vmem_shared>> -> memref<10240x8xf32, #tpu.memory_space<vmem_shared>>
        tpu.enqueue_indirect_dma source(%dma_start3A_326 : memref<128x8xf32, #tpu.memory_space<vmem>>) target(%dma_start3A_332 : memref<10240x8xf32, #tpu.memory_space<vmem_shared>>) offsets(%dma_start3A_329 : memref<128xi32, #tpu.memory_space<vmem>>) semaphore(%run_scoped3A_322 : memref<!tpu.dma_semaphore, #tpu.memory_space<semaphore_mem>>) {add = true}
        %dma_wait3A_333 = arith.constant 0 : i32
        %dma_wait3A_334 = arith.constant 0 : i32
        %dma_wait3A_335 = tpu.memref_slice %arg8[%run_scoped3A_266, %dma_wait3A_333, %dma_wait3A_334] : memref<8x128x8xf32, #tpu.memory_space<vmem>> -> memref<1x128x8xf32, #tpu.memory_space<vmem>>
        %dma_wait3A_336 = tpu.memref_squeeze %dma_wait3A_335 : memref<1x128x8xf32, #tpu.memory_space<vmem>> -> memref<128x8xf32, #tpu.memory_space<vmem>>
        %dma_wait3A_337 = arith.constant 0 : i32
        %dma_wait3A_338 = tpu.memref_slice %arg7[%add3A_251, %dma_wait3A_337] : memref<80x128xi32, #tpu.memory_space<vmem>> -> memref<1x128xi32, #tpu.memory_space<vmem>>
        %dma_wait3A_339 = tpu.memref_squeeze %dma_wait3A_338 : memref<1x128xi32, #tpu.memory_space<vmem>> -> memref<128xi32, #tpu.memory_space<vmem>>
        %dma_wait3A_340 = arith.constant 0 : i32
        %dma_wait3A_341 = arith.constant 0 : i32
        %dma_wait3A_342 = tpu.memref_slice %arg9[%dma_wait3A_340, %dma_wait3A_341] : memref<10240x8xf32, #tpu.memory_space<vmem_shared>> -> memref<10240x8xf32, #tpu.memory_space<vmem_shared>>
        tpu.wait_indirect_dma semaphore(%run_scoped3A_322 : memref<!tpu.dma_semaphore, #tpu.memory_space<semaphore_mem>>) src(%dma_wait3A_336 : memref<128x8xf32, #tpu.memory_space<vmem>>) dst(%dma_wait3A_342 : memref<10240x8xf32, #tpu.memory_space<vmem_shared>>)
        tpu.yield
      }) : () -> ()
      %add3A_267 = arith.constant 8 : i32
      %add3A_268 = arith.addi %add3A_251, %add3A_267 : i32
      %lt3A_269 = arith.constant 80 : i32
      %lt3A_270 = arith.cmpi slt, %add3A_268, %lt3A_269 : i32
      %convert_element_type3A_271 = arith.extui %lt3A_270 : i1 to i32
      %cond3A_272 = arith.constant 0 : i32
      %cond3A_273 = arith.cmpi ne, %convert_element_type3A_271, %cond3A_272 : i32
      scf.if %cond3A_273 {
        %dma_start3A_322 = arith.constant 5 : i32
        %dma_start3A_323 = arith.constant 5 : i32
        %dma_start3A_324 = arith.constant 0 : i32
        %dma_start3A_325 = arith.constant 0 : i32
        %dma_start3A_326 = tpu.memref_slice %arg8[%dma_start3A_322, %dma_start3A_324, %dma_start3A_325] : memref<8x128x8xf32, #tpu.memory_space<vmem>> -> memref<1x128x8xf32, #tpu.memory_space<vmem>>
        %dma_start3A_327 = tpu.memref_squeeze %dma_start3A_326 : memref<1x128x8xf32, #tpu.memory_space<vmem>> -> memref<128x8xf32, #tpu.memory_space<vmem>>
        %dma_start3A_328 = arith.constant 0 : i32
        %dma_start3A_329 = tpu.memref_slice %arg6[%add3A_268, %dma_start3A_328] : memref<80x128xi32, #tpu.memory_space<vmem>> -> memref<1x128xi32, #tpu.memory_space<vmem>>
        %dma_start3A_330 = tpu.memref_squeeze %dma_start3A_329 : memref<1x128xi32, #tpu.memory_space<vmem>> -> memref<128xi32, #tpu.memory_space<vmem>>
        %dma_start3A_331 = arith.constant 0 : i32
        %dma_start3A_332 = arith.constant 0 : i32
        %dma_start3A_333 = tpu.memref_slice %arg10[%dma_start3A_331, %dma_start3A_332] : memref<10240x8xf32, #tpu.memory_space<vmem_shared>> -> memref<10240x8xf32, #tpu.memory_space<vmem_shared>>
        %dma_start3A_334 = tpu.memref_slice %arg11[%dma_start3A_323] : memref<8x!tpu.dma_semaphore, #tpu.memory_space<semaphore_mem>> -> memref<1x!tpu.dma_semaphore, #tpu.memory_space<semaphore_mem>>
        %dma_start3A_335 = tpu.memref_squeeze %dma_start3A_334 : memref<1x!tpu.dma_semaphore, #tpu.memory_space<semaphore_mem>> -> memref<!tpu.dma_semaphore, #tpu.memory_space<semaphore_mem>>
        tpu.enqueue_indirect_dma source(%dma_start3A_333 : memref<10240x8xf32, #tpu.memory_space<vmem_shared>>) target(%dma_start3A_327 : memref<128x8xf32, #tpu.memory_space<vmem>>) offsets(%dma_start3A_330 : memref<128xi32, #tpu.memory_space<vmem>>) semaphore(%dma_start3A_335 : memref<!tpu.dma_semaphore, #tpu.memory_space<semaphore_mem>>)
      } else {
      }
      %add3A_274 = arith.constant 6 : i32
      %add3A_275 = arith.addi %mul3A_133, %add3A_274 : i32
      %dma_wait3A_276 = arith.constant 6 : i32
      %dma_wait3A_277 = arith.constant 6 : i32
      %dma_wait3A_278 = arith.constant 0 : i32
      %dma_wait3A_279 = arith.constant 0 : i32
      %dma_wait3A_280 = tpu.memref_slice %arg8[%dma_wait3A_276, %dma_wait3A_278, %dma_wait3A_279] : memref<8x128x8xf32, #tpu.memory_space<vmem>> -> memref<1x128x8xf32, #tpu.memory_space<vmem>>
      %dma_wait3A_281 = tpu.memref_squeeze %dma_wait3A_280 : memref<1x128x8xf32, #tpu.memory_space<vmem>> -> memref<128x8xf32, #tpu.memory_space<vmem>>
      %dma_wait3A_282 = arith.constant 0 : i32
      %dma_wait3A_283 = tpu.memref_slice %arg6[%add3A_275, %dma_wait3A_282] : memref<80x128xi32, #tpu.memory_space<vmem>> -> memref<1x128xi32, #tpu.memory_space<vmem>>
      %dma_wait3A_284 = tpu.memref_squeeze %dma_wait3A_283 : memref<1x128xi32, #tpu.memory_space<vmem>> -> memref<128xi32, #tpu.memory_space<vmem>>
      %dma_wait3A_285 = arith.constant 0 : i32
      %dma_wait3A_286 = arith.constant 0 : i32
      %dma_wait3A_287 = tpu.memref_slice %arg10[%dma_wait3A_285, %dma_wait3A_286] : memref<10240x8xf32, #tpu.memory_space<vmem_shared>> -> memref<10240x8xf32, #tpu.memory_space<vmem_shared>>
      %dma_wait3A_288 = tpu.memref_slice %arg11[%dma_wait3A_277] : memref<8x!tpu.dma_semaphore, #tpu.memory_space<semaphore_mem>> -> memref<1x!tpu.dma_semaphore, #tpu.memory_space<semaphore_mem>>
      %dma_wait3A_289 = tpu.memref_squeeze %dma_wait3A_288 : memref<1x!tpu.dma_semaphore, #tpu.memory_space<semaphore_mem>> -> memref<!tpu.dma_semaphore, #tpu.memory_space<semaphore_mem>>
      tpu.wait_indirect_dma semaphore(%dma_wait3A_289 : memref<!tpu.dma_semaphore, #tpu.memory_space<semaphore_mem>>) src(%dma_wait3A_287 : memref<10240x8xf32, #tpu.memory_space<vmem_shared>>) dst(%dma_wait3A_281 : memref<128x8xf32, #tpu.memory_space<vmem>>)
      %run_scoped3A_290 = arith.constant 6 : i32
      "tpu.region"() ({
        %run_scoped3A_322 = tpu.sem_alloc : memref<!tpu.dma_semaphore, #tpu.memory_space<semaphore_mem>>
        %dma_start3A_323 = arith.constant 0 : i32
        %dma_start3A_324 = arith.constant 0 : i32
        %dma_start3A_325 = tpu.memref_slice %arg8[%run_scoped3A_290, %dma_start3A_323, %dma_start3A_324] : memref<8x128x8xf32, #tpu.memory_space<vmem>> -> memref<1x128x8xf32, #tpu.memory_space<vmem>>
        %dma_start3A_326 = tpu.memref_squeeze %dma_start3A_325 : memref<1x128x8xf32, #tpu.memory_space<vmem>> -> memref<128x8xf32, #tpu.memory_space<vmem>>
        %dma_start3A_327 = arith.constant 0 : i32
        %dma_start3A_328 = tpu.memref_slice %arg7[%add3A_275, %dma_start3A_327] : memref<80x128xi32, #tpu.memory_space<vmem>> -> memref<1x128xi32, #tpu.memory_space<vmem>>
        %dma_start3A_329 = tpu.memref_squeeze %dma_start3A_328 : memref<1x128xi32, #tpu.memory_space<vmem>> -> memref<128xi32, #tpu.memory_space<vmem>>
        %dma_start3A_330 = arith.constant 0 : i32
        %dma_start3A_331 = arith.constant 0 : i32
        %dma_start3A_332 = tpu.memref_slice %arg9[%dma_start3A_330, %dma_start3A_331] : memref<10240x8xf32, #tpu.memory_space<vmem_shared>> -> memref<10240x8xf32, #tpu.memory_space<vmem_shared>>
        tpu.enqueue_indirect_dma source(%dma_start3A_326 : memref<128x8xf32, #tpu.memory_space<vmem>>) target(%dma_start3A_332 : memref<10240x8xf32, #tpu.memory_space<vmem_shared>>) offsets(%dma_start3A_329 : memref<128xi32, #tpu.memory_space<vmem>>) semaphore(%run_scoped3A_322 : memref<!tpu.dma_semaphore, #tpu.memory_space<semaphore_mem>>) {add = true}
        %dma_wait3A_333 = arith.constant 0 : i32
        %dma_wait3A_334 = arith.constant 0 : i32
        %dma_wait3A_335 = tpu.memref_slice %arg8[%run_scoped3A_290, %dma_wait3A_333, %dma_wait3A_334] : memref<8x128x8xf32, #tpu.memory_space<vmem>> -> memref<1x128x8xf32, #tpu.memory_space<vmem>>
        %dma_wait3A_336 = tpu.memref_squeeze %dma_wait3A_335 : memref<1x128x8xf32, #tpu.memory_space<vmem>> -> memref<128x8xf32, #tpu.memory_space<vmem>>
        %dma_wait3A_337 = arith.constant 0 : i32
        %dma_wait3A_338 = tpu.memref_slice %arg7[%add3A_275, %dma_wait3A_337] : memref<80x128xi32, #tpu.memory_space<vmem>> -> memref<1x128xi32, #tpu.memory_space<vmem>>
        %dma_wait3A_339 = tpu.memref_squeeze %dma_wait3A_338 : memref<1x128xi32, #tpu.memory_space<vmem>> -> memref<128xi32, #tpu.memory_space<vmem>>
        %dma_wait3A_340 = arith.constant 0 : i32
        %dma_wait3A_341 = arith.constant 0 : i32
        %dma_wait3A_342 = tpu.memref_slice %arg9[%dma_wait3A_340, %dma_wait3A_341] : memref<10240x8xf32, #tpu.memory_space<vmem_shared>> -> memref<10240x8xf32, #tpu.memory_space<vmem_shared>>
        tpu.wait_indirect_dma semaphore(%run_scoped3A_322 : memref<!tpu.dma_semaphore, #tpu.memory_space<semaphore_mem>>) src(%dma_wait3A_336 : memref<128x8xf32, #tpu.memory_space<vmem>>) dst(%dma_wait3A_342 : memref<10240x8xf32, #tpu.memory_space<vmem_shared>>)
        tpu.yield
      }) : () -> ()
      %add3A_291 = arith.constant 8 : i32
      %add3A_292 = arith.addi %add3A_275, %add3A_291 : i32
      %lt3A_293 = arith.constant 80 : i32
      %lt3A_294 = arith.cmpi slt, %add3A_292, %lt3A_293 : i32
      %convert_element_type3A_295 = arith.extui %lt3A_294 : i1 to i32
      %cond3A_296 = arith.constant 0 : i32
      %cond3A_297 = arith.cmpi ne, %convert_element_type3A_295, %cond3A_296 : i32
      scf.if %cond3A_297 {
        %dma_start3A_322 = arith.constant 6 : i32
        %dma_start3A_323 = arith.constant 6 : i32
        %dma_start3A_324 = arith.constant 0 : i32
        %dma_start3A_325 = arith.constant 0 : i32
        %dma_start3A_326 = tpu.memref_slice %arg8[%dma_start3A_322, %dma_start3A_324, %dma_start3A_325] : memref<8x128x8xf32, #tpu.memory_space<vmem>> -> memref<1x128x8xf32, #tpu.memory_space<vmem>>
        %dma_start3A_327 = tpu.memref_squeeze %dma_start3A_326 : memref<1x128x8xf32, #tpu.memory_space<vmem>> -> memref<128x8xf32, #tpu.memory_space<vmem>>
        %dma_start3A_328 = arith.constant 0 : i32
        %dma_start3A_329 = tpu.memref_slice %arg6[%add3A_292, %dma_start3A_328] : memref<80x128xi32, #tpu.memory_space<vmem>> -> memref<1x128xi32, #tpu.memory_space<vmem>>
        %dma_start3A_330 = tpu.memref_squeeze %dma_start3A_329 : memref<1x128xi32, #tpu.memory_space<vmem>> -> memref<128xi32, #tpu.memory_space<vmem>>
        %dma_start3A_331 = arith.constant 0 : i32
        %dma_start3A_332 = arith.constant 0 : i32
        %dma_start3A_333 = tpu.memref_slice %arg10[%dma_start3A_331, %dma_start3A_332] : memref<10240x8xf32, #tpu.memory_space<vmem_shared>> -> memref<10240x8xf32, #tpu.memory_space<vmem_shared>>
        %dma_start3A_334 = tpu.memref_slice %arg11[%dma_start3A_323] : memref<8x!tpu.dma_semaphore, #tpu.memory_space<semaphore_mem>> -> memref<1x!tpu.dma_semaphore, #tpu.memory_space<semaphore_mem>>
        %dma_start3A_335 = tpu.memref_squeeze %dma_start3A_334 : memref<1x!tpu.dma_semaphore, #tpu.memory_space<semaphore_mem>> -> memref<!tpu.dma_semaphore, #tpu.memory_space<semaphore_mem>>
        tpu.enqueue_indirect_dma source(%dma_start3A_333 : memref<10240x8xf32, #tpu.memory_space<vmem_shared>>) target(%dma_start3A_327 : memref<128x8xf32, #tpu.memory_space<vmem>>) offsets(%dma_start3A_330 : memref<128xi32, #tpu.memory_space<vmem>>) semaphore(%dma_start3A_335 : memref<!tpu.dma_semaphore, #tpu.memory_space<semaphore_mem>>)
      } else {
      }
      %add3A_298 = arith.constant 7 : i32
      %add3A_299 = arith.addi %mul3A_133, %add3A_298 : i32
      %dma_wait3A_300 = arith.constant 7 : i32
      %dma_wait3A_301 = arith.constant 7 : i32
      %dma_wait3A_302 = arith.constant 0 : i32
      %dma_wait3A_303 = arith.constant 0 : i32
      %dma_wait3A_304 = tpu.memref_slice %arg8[%dma_wait3A_300, %dma_wait3A_302, %dma_wait3A_303] : memref<8x128x8xf32, #tpu.memory_space<vmem>> -> memref<1x128x8xf32, #tpu.memory_space<vmem>>
      %dma_wait3A_305 = tpu.memref_squeeze %dma_wait3A_304 : memref<1x128x8xf32, #tpu.memory_space<vmem>> -> memref<128x8xf32, #tpu.memory_space<vmem>>
      %dma_wait3A_306 = arith.constant 0 : i32
      %dma_wait3A_307 = tpu.memref_slice %arg6[%add3A_299, %dma_wait3A_306] : memref<80x128xi32, #tpu.memory_space<vmem>> -> memref<1x128xi32, #tpu.memory_space<vmem>>
      %dma_wait3A_308 = tpu.memref_squeeze %dma_wait3A_307 : memref<1x128xi32, #tpu.memory_space<vmem>> -> memref<128xi32, #tpu.memory_space<vmem>>
      %dma_wait3A_309 = arith.constant 0 : i32
      %dma_wait3A_310 = arith.constant 0 : i32
      %dma_wait3A_311 = tpu.memref_slice %arg10[%dma_wait3A_309, %dma_wait3A_310] : memref<10240x8xf32, #tpu.memory_space<vmem_shared>> -> memref<10240x8xf32, #tpu.memory_space<vmem_shared>>
      %dma_wait3A_312 = tpu.memref_slice %arg11[%dma_wait3A_301] : memref<8x!tpu.dma_semaphore, #tpu.memory_space<semaphore_mem>> -> memref<1x!tpu.dma_semaphore, #tpu.memory_space<semaphore_mem>>
      %dma_wait3A_313 = tpu.memref_squeeze %dma_wait3A_312 : memref<1x!tpu.dma_semaphore, #tpu.memory_space<semaphore_mem>> -> memref<!tpu.dma_semaphore, #tpu.memory_space<semaphore_mem>>
      tpu.wait_indirect_dma semaphore(%dma_wait3A_313 : memref<!tpu.dma_semaphore, #tpu.memory_space<semaphore_mem>>) src(%dma_wait3A_311 : memref<10240x8xf32, #tpu.memory_space<vmem_shared>>) dst(%dma_wait3A_305 : memref<128x8xf32, #tpu.memory_space<vmem>>)
      %run_scoped3A_314 = arith.constant 7 : i32
      "tpu.region"() ({
        %run_scoped3A_322 = tpu.sem_alloc : memref<!tpu.dma_semaphore, #tpu.memory_space<semaphore_mem>>
        %dma_start3A_323 = arith.constant 0 : i32
        %dma_start3A_324 = arith.constant 0 : i32
        %dma_start3A_325 = tpu.memref_slice %arg8[%run_scoped3A_314, %dma_start3A_323, %dma_start3A_324] : memref<8x128x8xf32, #tpu.memory_space<vmem>> -> memref<1x128x8xf32, #tpu.memory_space<vmem>>
        %dma_start3A_326 = tpu.memref_squeeze %dma_start3A_325 : memref<1x128x8xf32, #tpu.memory_space<vmem>> -> memref<128x8xf32, #tpu.memory_space<vmem>>
        %dma_start3A_327 = arith.constant 0 : i32
        %dma_start3A_328 = tpu.memref_slice %arg7[%add3A_299, %dma_start3A_327] : memref<80x128xi32, #tpu.memory_space<vmem>> -> memref<1x128xi32, #tpu.memory_space<vmem>>
        %dma_start3A_329 = tpu.memref_squeeze %dma_start3A_328 : memref<1x128xi32, #tpu.memory_space<vmem>> -> memref<128xi32, #tpu.memory_space<vmem>>
        %dma_start3A_330 = arith.constant 0 : i32
        %dma_start3A_331 = arith.constant 0 : i32
        %dma_start3A_332 = tpu.memref_slice %arg9[%dma_start3A_330, %dma_start3A_331] : memref<10240x8xf32, #tpu.memory_space<vmem_shared>> -> memref<10240x8xf32, #tpu.memory_space<vmem_shared>>
        tpu.enqueue_indirect_dma source(%dma_start3A_326 : memref<128x8xf32, #tpu.memory_space<vmem>>) target(%dma_start3A_332 : memref<10240x8xf32, #tpu.memory_space<vmem_shared>>) offsets(%dma_start3A_329 : memref<128xi32, #tpu.memory_space<vmem>>) semaphore(%run_scoped3A_322 : memref<!tpu.dma_semaphore, #tpu.memory_space<semaphore_mem>>) {add = true}
        %dma_wait3A_333 = arith.constant 0 : i32
        %dma_wait3A_334 = arith.constant 0 : i32
        %dma_wait3A_335 = tpu.memref_slice %arg8[%run_scoped3A_314, %dma_wait3A_333, %dma_wait3A_334] : memref<8x128x8xf32, #tpu.memory_space<vmem>> -> memref<1x128x8xf32, #tpu.memory_space<vmem>>
        %dma_wait3A_336 = tpu.memref_squeeze %dma_wait3A_335 : memref<1x128x8xf32, #tpu.memory_space<vmem>> -> memref<128x8xf32, #tpu.memory_space<vmem>>
        %dma_wait3A_337 = arith.constant 0 : i32
        %dma_wait3A_338 = tpu.memref_slice %arg7[%add3A_299, %dma_wait3A_337] : memref<80x128xi32, #tpu.memory_space<vmem>> -> memref<1x128xi32, #tpu.memory_space<vmem>>
        %dma_wait3A_339 = tpu.memref_squeeze %dma_wait3A_338 : memref<1x128xi32, #tpu.memory_space<vmem>> -> memref<128xi32, #tpu.memory_space<vmem>>
        %dma_wait3A_340 = arith.constant 0 : i32
        %dma_wait3A_341 = arith.constant 0 : i32
        %dma_wait3A_342 = tpu.memref_slice %arg9[%dma_wait3A_340, %dma_wait3A_341] : memref<10240x8xf32, #tpu.memory_space<vmem_shared>> -> memref<10240x8xf32, #tpu.memory_space<vmem_shared>>
        tpu.wait_indirect_dma semaphore(%run_scoped3A_322 : memref<!tpu.dma_semaphore, #tpu.memory_space<semaphore_mem>>) src(%dma_wait3A_336 : memref<128x8xf32, #tpu.memory_space<vmem>>) dst(%dma_wait3A_342 : memref<10240x8xf32, #tpu.memory_space<vmem_shared>>)
        tpu.yield
      }) : () -> ()
      %add3A_315 = arith.constant 8 : i32
      %add3A_316 = arith.addi %add3A_299, %add3A_315 : i32
      %lt3A_317 = arith.constant 80 : i32
      %lt3A_318 = arith.cmpi slt, %add3A_316, %lt3A_317 : i32
      %convert_element_type3A_319 = arith.extui %lt3A_318 : i1 to i32
      %cond3A_320 = arith.constant 0 : i32
      %cond3A_321 = arith.cmpi ne, %convert_element_type3A_319, %cond3A_320 : i32
      scf.if %cond3A_321 {
        %dma_start3A_322 = arith.constant 7 : i32
        %dma_start3A_323 = arith.constant 7 : i32
        %dma_start3A_324 = arith.constant 0 : i32
        %dma_start3A_325 = arith.constant 0 : i32
        %dma_start3A_326 = tpu.memref_slice %arg8[%dma_start3A_322, %dma_start3A_324, %dma_start3A_325] : memref<8x128x8xf32, #tpu.memory_space<vmem>> -> memref<1x128x8xf32, #tpu.memory_space<vmem>>
        %dma_start3A_327 = tpu.memref_squeeze %dma_start3A_326 : memref<1x128x8xf32, #tpu.memory_space<vmem>> -> memref<128x8xf32, #tpu.memory_space<vmem>>
        %dma_start3A_328 = arith.constant 0 : i32
        %dma_start3A_329 = tpu.memref_slice %arg6[%add3A_316, %dma_start3A_328] : memref<80x128xi32, #tpu.memory_space<vmem>> -> memref<1x128xi32, #tpu.memory_space<vmem>>
        %dma_start3A_330 = tpu.memref_squeeze %dma_start3A_329 : memref<1x128xi32, #tpu.memory_space<vmem>> -> memref<128xi32, #tpu.memory_space<vmem>>
        %dma_start3A_331 = arith.constant 0 : i32
        %dma_start3A_332 = arith.constant 0 : i32
        %dma_start3A_333 = tpu.memref_slice %arg10[%dma_start3A_331, %dma_start3A_332] : memref<10240x8xf32, #tpu.memory_space<vmem_shared>> -> memref<10240x8xf32, #tpu.memory_space<vmem_shared>>
        %dma_start3A_334 = tpu.memref_slice %arg11[%dma_start3A_323] : memref<8x!tpu.dma_semaphore, #tpu.memory_space<semaphore_mem>> -> memref<1x!tpu.dma_semaphore, #tpu.memory_space<semaphore_mem>>
        %dma_start3A_335 = tpu.memref_squeeze %dma_start3A_334 : memref<1x!tpu.dma_semaphore, #tpu.memory_space<semaphore_mem>> -> memref<!tpu.dma_semaphore, #tpu.memory_space<semaphore_mem>>
        tpu.enqueue_indirect_dma source(%dma_start3A_333 : memref<10240x8xf32, #tpu.memory_space<vmem_shared>>) target(%dma_start3A_327 : memref<128x8xf32, #tpu.memory_space<vmem>>) offsets(%dma_start3A_330 : memref<128xi32, #tpu.memory_space<vmem>>) semaphore(%dma_start3A_335 : memref<!tpu.dma_semaphore, #tpu.memory_space<semaphore_mem>>)
      } else {
      }
    }
    %scan3A_127 = arith.constant 10 : i32
    %barrier3A_128 = arith.constant 0 : index
    tpu.barrier barrier_id(%barrier3A_128)
    %mul3A_129 = arith.constant 8 : i32
    %mul3A_130 = arith.muli %arg0, %mul3A_129 : i32
    "tpu.region"() ({
      %run_scoped3A_131 = tpu.sem_alloc : memref<!tpu.dma_semaphore, #tpu.memory_space<semaphore_mem>>
      %dma_start3A_132 = tpu.memref_slice %arg5[%mul3A_3, %mul3A_130] : memref<10240x128xf32, #tpu.memory_space<hbm>> -> memref<640x8xf32, #tpu.memory_space<hbm>>
      %dma_start3A_133 = arith.constant 0 : i32
      %dma_start3A_134 = tpu.memref_slice %arg9[%mul3A_3, %dma_start3A_133] : memref<10240x8xf32, #tpu.memory_space<vmem_shared>> -> memref<640x8xf32, #tpu.memory_space<vmem_shared>>
      tpu.enqueue_dma source(%dma_start3A_134 : memref<640x8xf32, #tpu.memory_space<vmem_shared>>) target(%dma_start3A_132 : memref<640x8xf32, #tpu.memory_space<hbm>>) target_semaphore(%run_scoped3A_131 : memref<!tpu.dma_semaphore, #tpu.memory_space<semaphore_mem>>)
      %dma_wait3A = tpu.memref_slice %arg5[%mul3A_3, %mul3A_130] : memref<10240x128xf32, #tpu.memory_space<hbm>> -> memref<640x8xf32, #tpu.memory_space<hbm>>
      %dma_wait3A_135 = arith.constant 0 : i32
      %dma_wait3A_136 = tpu.memref_slice %arg9[%mul3A_3, %dma_wait3A_135] : memref<10240x8xf32, #tpu.memory_space<vmem_shared>> -> memref<640x8xf32, #tpu.memory_space<vmem_shared>>
      tpu.wait_dma2 semaphore(%run_scoped3A_131 : memref<!tpu.dma_semaphore, #tpu.memory_space<semaphore_mem>>) src(%dma_wait3A_136 : memref<640x8xf32, #tpu.memory_space<vmem_shared>>) dst(%dma_wait3A : memref<640x8xf32, #tpu.memory_space<hbm>>)
      tpu.yield
    }) : () -> ()
    return
  }
}

#map = affine_map<(d0, d1) -> (0, 0, 0, 0)>
#map1 = affine_map<(d0, d1) -> (0)>
#map2 = affine_map<(d0, d1) -> (0, 0)>
module attributes {stable_mosaic.version = 14 : i64} {
  func.func @_deg_kernel(%arg0: i32, %arg1: i32, %arg2: memref<2x32x80x128xi32, #tpu.memory_space<hbm>>, %arg3: memref<10240xf32, #tpu.memory_space<hbm>>, %arg4: memref<128xf32, #tpu.memory_space<hbm>>, %arg5: memref<2x10240xf32, #tpu.memory_space<hbm>>, %arg6: memref<80x128xi32, #tpu.memory_space<vmem>>, %arg7: memref<128xf32, #tpu.memory_space<vmem>>, %arg8: memref<10240xf32, #tpu.memory_space<vmem_shared>>, %arg9: memref<!tpu.dma_semaphore, #tpu.memory_space<semaphore_mem>>) attributes {dimension_semantics = [#tpu.dimension_semantics<core_parallel>, #tpu.dimension_semantics<subcore_parallel>], iteration_bounds = array<i64: 2, 16>, scalar_prefetch = 0 : i64, scratch_operands = 4 : i64, tpu.core_type = #tpu.core_type<sc_vector_subcore>, window_params = [{transform_indices = #map}, {transform_indices = #map1}, {transform_indices = #map1}, {transform_indices = #map2}]} {
    %mul3A = arith.constant 16 : i32
    %mul3A_0 = arith.muli %arg0, %mul3A : i32
    %add3A = arith.addi %mul3A_0, %arg1 : i32
    %run_scoped3A = arith.constant 1 : i32
    "tpu.region"() ({
      %run_scoped3A_15 = tpu.sem_alloc : memref<!tpu.dma_semaphore, #tpu.memory_space<semaphore_mem>>
      %dma_start3A = arith.constant 0 : i32
      %dma_start3A_16 = arith.constant 0 : i32
      %dma_start3A_17 = tpu.memref_slice %arg2[%run_scoped3A, %add3A, %dma_start3A, %dma_start3A_16] : memref<2x32x80x128xi32, #tpu.memory_space<hbm>> -> memref<1x1x80x128xi32, #tpu.memory_space<hbm>>
      %dma_start3A_18 = tpu.memref_squeeze %dma_start3A_17 : memref<1x1x80x128xi32, #tpu.memory_space<hbm>> -> memref<80x128xi32, #tpu.memory_space<hbm>>
      %dma_start3A_19 = arith.constant 0 : i32
      %dma_start3A_20 = arith.constant 0 : i32
      %dma_start3A_21 = tpu.memref_slice %arg2[%run_scoped3A, %add3A, %dma_start3A_19, %dma_start3A_20] : memref<2x32x80x128xi32, #tpu.memory_space<hbm>> -> memref<1x1x80x128xi32, #tpu.memory_space<hbm>>
      %dma_start3A_22 = tpu.memref_squeeze %dma_start3A_21 : memref<1x1x80x128xi32, #tpu.memory_space<hbm>> -> memref<80x128xi32, #tpu.memory_space<hbm>>
      tpu.enqueue_dma source(%dma_start3A_22 : memref<80x128xi32, #tpu.memory_space<hbm>>) target(%arg6 : memref<80x128xi32, #tpu.memory_space<vmem>>) target_semaphore(%run_scoped3A_15 : memref<!tpu.dma_semaphore, #tpu.memory_space<semaphore_mem>>)
      %dma_wait3A = arith.constant 0 : i32
      %dma_wait3A_23 = arith.constant 0 : i32
      %dma_wait3A_24 = tpu.memref_slice %arg2[%run_scoped3A, %add3A, %dma_wait3A, %dma_wait3A_23] : memref<2x32x80x128xi32, #tpu.memory_space<hbm>> -> memref<1x1x80x128xi32, #tpu.memory_space<hbm>>
      %dma_wait3A_25 = tpu.memref_squeeze %dma_wait3A_24 : memref<1x1x80x128xi32, #tpu.memory_space<hbm>> -> memref<80x128xi32, #tpu.memory_space<hbm>>
      %dma_wait3A_26 = arith.constant 0 : i32
      %dma_wait3A_27 = arith.constant 0 : i32
      %dma_wait3A_28 = tpu.memref_slice %arg2[%run_scoped3A, %add3A, %dma_wait3A_26, %dma_wait3A_27] : memref<2x32x80x128xi32, #tpu.memory_space<hbm>> -> memref<1x1x80x128xi32, #tpu.memory_space<hbm>>
      %dma_wait3A_29 = tpu.memref_squeeze %dma_wait3A_28 : memref<1x1x80x128xi32, #tpu.memory_space<hbm>> -> memref<80x128xi32, #tpu.memory_space<hbm>>
      tpu.wait_dma2 semaphore(%run_scoped3A_15 : memref<!tpu.dma_semaphore, #tpu.memory_space<semaphore_mem>>) src(%dma_wait3A_29 : memref<80x128xi32, #tpu.memory_space<hbm>>) dst(%arg6 : memref<80x128xi32, #tpu.memory_space<vmem>>)
      tpu.yield
    }) : () -> ()
    "tpu.region"() ({
      %run_scoped3A_15 = tpu.sem_alloc : memref<!tpu.dma_semaphore, #tpu.memory_space<semaphore_mem>>
      tpu.enqueue_dma source(%arg4 : memref<128xf32, #tpu.memory_space<hbm>>) target(%arg7 : memref<128xf32, #tpu.memory_space<vmem>>) target_semaphore(%run_scoped3A_15 : memref<!tpu.dma_semaphore, #tpu.memory_space<semaphore_mem>>)
      tpu.wait_dma2 semaphore(%run_scoped3A_15 : memref<!tpu.dma_semaphore, #tpu.memory_space<semaphore_mem>>) src(%arg4 : memref<128xf32, #tpu.memory_space<hbm>>) dst(%arg7 : memref<128xf32, #tpu.memory_space<vmem>>)
      tpu.yield
    }) : () -> ()
    %mul3A_1 = arith.constant 640 : i32
    %mul3A_2 = arith.muli %arg1, %mul3A_1 : i32
    "tpu.region"() ({
      %run_scoped3A_15 = tpu.sem_alloc : memref<!tpu.dma_semaphore, #tpu.memory_space<semaphore_mem>>
      %dma_start3A = tpu.memref_slice %arg8[%mul3A_2] : memref<10240xf32, #tpu.memory_space<vmem_shared>> -> memref<640xf32, #tpu.memory_space<vmem_shared>>
      %dma_start3A_16 = tpu.memref_slice %arg3[%mul3A_2] : memref<10240xf32, #tpu.memory_space<hbm>> -> memref<640xf32, #tpu.memory_space<hbm>>
      tpu.enqueue_dma source(%dma_start3A_16 : memref<640xf32, #tpu.memory_space<hbm>>) target(%dma_start3A : memref<640xf32, #tpu.memory_space<vmem_shared>>) target_semaphore(%run_scoped3A_15 : memref<!tpu.dma_semaphore, #tpu.memory_space<semaphore_mem>>)
      %dma_wait3A = tpu.memref_slice %arg8[%mul3A_2] : memref<10240xf32, #tpu.memory_space<vmem_shared>> -> memref<640xf32, #tpu.memory_space<vmem_shared>>
      %dma_wait3A_17 = tpu.memref_slice %arg3[%mul3A_2] : memref<10240xf32, #tpu.memory_space<hbm>> -> memref<640xf32, #tpu.memory_space<hbm>>
      tpu.wait_dma2 semaphore(%run_scoped3A_15 : memref<!tpu.dma_semaphore, #tpu.memory_space<semaphore_mem>>) src(%dma_wait3A_17 : memref<640xf32, #tpu.memory_space<hbm>>) dst(%dma_wait3A : memref<640xf32, #tpu.memory_space<vmem_shared>>)
      tpu.yield
    }) : () -> ()
    %barrier3A = arith.constant 0 : index
    tpu.barrier barrier_id(%barrier3A)
    %scan3A = arith.constant 0 : i32
    %scan3A_3 = arith.constant 0 : i32
    %scan3A_4 = arith.constant 80 : i32
    %scan3A_5 = arith.addi %scan3A_3, %scan3A_4 : i32
    %scan3A_6 = arith.constant 1 : i32
    scf.for %scan3A_15 = %scan3A_3 to %scan3A_5 step %scan3A_6  : i32 {
      %dma_start3A = arith.constant 0 : i32
      %dma_start3A_16 = tpu.memref_slice %arg6[%scan3A_15, %dma_start3A] : memref<80x128xi32, #tpu.memory_space<vmem>> -> memref<1x128xi32, #tpu.memory_space<vmem>>
      %dma_start3A_17 = tpu.memref_squeeze %dma_start3A_16 : memref<1x128xi32, #tpu.memory_space<vmem>> -> memref<128xi32, #tpu.memory_space<vmem>>
      %dma_start3A_18 = arith.constant 0 : i32
      %dma_start3A_19 = tpu.memref_slice %arg8[%dma_start3A_18] : memref<10240xf32, #tpu.memory_space<vmem_shared>> -> memref<10240xf32, #tpu.memory_space<vmem_shared>>
      tpu.enqueue_indirect_dma source(%arg7 : memref<128xf32, #tpu.memory_space<vmem>>) target(%dma_start3A_19 : memref<10240xf32, #tpu.memory_space<vmem_shared>>) offsets(%dma_start3A_17 : memref<128xi32, #tpu.memory_space<vmem>>) semaphore(%arg9 : memref<!tpu.dma_semaphore, #tpu.memory_space<semaphore_mem>>) {add = true}
    }
    %scan3A_7 = arith.constant 80 : i32
    %scan3A_8 = arith.constant 0 : i32
    %scan3A_9 = arith.constant 0 : i32
    %scan3A_10 = arith.constant 80 : i32
    %scan3A_11 = arith.addi %scan3A_9, %scan3A_10 : i32
    %scan3A_12 = arith.constant 1 : i32
    scf.for %scan3A_15 = %scan3A_9 to %scan3A_11 step %scan3A_12  : i32 {
      %dma_wait3A = arith.constant 0 : i32
      %dma_wait3A_16 = tpu.memref_slice %arg6[%scan3A_15, %dma_wait3A] : memref<80x128xi32, #tpu.memory_space<vmem>> -> memref<1x128xi32, #tpu.memory_space<vmem>>
      %dma_wait3A_17 = tpu.memref_squeeze %dma_wait3A_16 : memref<1x128xi32, #tpu.memory_space<vmem>> -> memref<128xi32, #tpu.memory_space<vmem>>
      %dma_wait3A_18 = arith.constant 0 : i32
      %dma_wait3A_19 = tpu.memref_slice %arg8[%dma_wait3A_18] : memref<10240xf32, #tpu.memory_space<vmem_shared>> -> memref<10240xf32, #tpu.memory_space<vmem_shared>>
      tpu.wait_indirect_dma semaphore(%arg9 : memref<!tpu.dma_semaphore, #tpu.memory_space<semaphore_mem>>) src(%arg7 : memref<128xf32, #tpu.memory_space<vmem>>) dst(%dma_wait3A_19 : memref<10240xf32, #tpu.memory_space<vmem_shared>>)
    }
    %scan3A_13 = arith.constant 80 : i32
    %barrier3A_14 = arith.constant 0 : index
    tpu.barrier barrier_id(%barrier3A_14)
    "tpu.region"() ({
      %run_scoped3A_15 = tpu.sem_alloc : memref<!tpu.dma_semaphore, #tpu.memory_space<semaphore_mem>>
      %dma_start3A = tpu.memref_slice %arg5[%arg0, %mul3A_2] : memref<2x10240xf32, #tpu.memory_space<hbm>> -> memref<1x640xf32, #tpu.memory_space<hbm>>
      %dma_start3A_16 = tpu.memref_squeeze %dma_start3A : memref<1x640xf32, #tpu.memory_space<hbm>> -> memref<640xf32, #tpu.memory_space<hbm>>
      %dma_start3A_17 = tpu.memref_slice %arg8[%mul3A_2] : memref<10240xf32, #tpu.memory_space<vmem_shared>> -> memref<640xf32, #tpu.memory_space<vmem_shared>>
      tpu.enqueue_dma source(%dma_start3A_17 : memref<640xf32, #tpu.memory_space<vmem_shared>>) target(%dma_start3A_16 : memref<640xf32, #tpu.memory_space<hbm>>) target_semaphore(%run_scoped3A_15 : memref<!tpu.dma_semaphore, #tpu.memory_space<semaphore_mem>>)
      %dma_wait3A = tpu.memref_slice %arg5[%arg0, %mul3A_2] : memref<2x10240xf32, #tpu.memory_space<hbm>> -> memref<1x640xf32, #tpu.memory_space<hbm>>
      %dma_wait3A_18 = tpu.memref_squeeze %dma_wait3A : memref<1x640xf32, #tpu.memory_space<hbm>> -> memref<640xf32, #tpu.memory_space<hbm>>
      %dma_wait3A_19 = tpu.memref_slice %arg8[%mul3A_2] : memref<10240xf32, #tpu.memory_space<vmem_shared>> -> memref<640xf32, #tpu.memory_space<vmem_shared>>
      tpu.wait_dma2 semaphore(%run_scoped3A_15 : memref<!tpu.dma_semaphore, #tpu.memory_space<semaphore_mem>>) src(%dma_wait3A_19 : memref<640xf32, #tpu.memory_space<vmem_shared>>) dst(%dma_wait3A_18 : memref<640xf32, #tpu.memory_space<hbm>>)
      tpu.yield
    }) : () -> ()
    return
  }
}

#map = affine_map<(d0, d1) -> (0, 0, 0, 0)>
#map1 = affine_map<(d0, d1) -> (0, 0)>
module attributes {stable_mosaic.version = 14 : i64} {
  func.func @spmm(%arg0: i32, %arg1: i32, %arg2: memref<2x32x80x128xi32, #tpu.memory_space<hbm>>, %arg3: memref<10240x128xf32, #tpu.memory_space<hbm>>, %arg4: memref<10240x40xf32, #tpu.memory_space<hbm>>, %arg5: memref<10240x128xf32, #tpu.memory_space<hbm>>, %arg6: memref<80x128xi32, #tpu.memory_space<vmem>>, %arg7: memref<80x128xi32, #tpu.memory_space<vmem>>, %arg8: memref<4x128x40xf32, #tpu.memory_space<vmem>>, %arg9: memref<10240x40xf32, #tpu.memory_space<vmem_shared>>, %arg10: memref<10240x40xf32, #tpu.memory_space<vmem_shared>>, %arg11: memref<4x!tpu.dma_semaphore, #tpu.memory_space<semaphore_mem>>) attributes {dimension_semantics = [#tpu.dimension_semantics<core_parallel>, #tpu.dimension_semantics<subcore_parallel>], iteration_bounds = array<i64: 2, 16>, scalar_prefetch = 0 : i64, scratch_operands = 6 : i64, tpu.core_type = #tpu.core_type<sc_vector_subcore>, window_params = [{transform_indices = #map}, {transform_indices = #map1}, {transform_indices = #map1}, {transform_indices = #map1}]} {
    %mul3A = arith.constant 16 : i32
    %mul3A_0 = arith.muli %arg0, %mul3A : i32
    %add3A = arith.addi %mul3A_0, %arg1 : i32
    %run_scoped3A = arith.constant 0 : i32
    "tpu.region"() ({
      %run_scoped3A_71 = tpu.sem_alloc : memref<!tpu.dma_semaphore, #tpu.memory_space<semaphore_mem>>
      %dma_start3A_72 = arith.constant 0 : i32
      %dma_start3A_73 = arith.constant 0 : i32
      %dma_start3A_74 = tpu.memref_slice %arg2[%run_scoped3A, %add3A, %dma_start3A_72, %dma_start3A_73] : memref<2x32x80x128xi32, #tpu.memory_space<hbm>> -> memref<1x1x80x128xi32, #tpu.memory_space<hbm>>
      %dma_start3A_75 = tpu.memref_squeeze %dma_start3A_74 : memref<1x1x80x128xi32, #tpu.memory_space<hbm>> -> memref<80x128xi32, #tpu.memory_space<hbm>>
      %dma_start3A_76 = arith.constant 0 : i32
      %dma_start3A_77 = arith.constant 0 : i32
      %dma_start3A_78 = tpu.memref_slice %arg2[%run_scoped3A, %add3A, %dma_start3A_76, %dma_start3A_77] : memref<2x32x80x128xi32, #tpu.memory_space<hbm>> -> memref<1x1x80x128xi32, #tpu.memory_space<hbm>>
      %dma_start3A_79 = tpu.memref_squeeze %dma_start3A_78 : memref<1x1x80x128xi32, #tpu.memory_space<hbm>> -> memref<80x128xi32, #tpu.memory_space<hbm>>
      tpu.enqueue_dma source(%dma_start3A_79 : memref<80x128xi32, #tpu.memory_space<hbm>>) target(%arg6 : memref<80x128xi32, #tpu.memory_space<vmem>>) target_semaphore(%run_scoped3A_71 : memref<!tpu.dma_semaphore, #tpu.memory_space<semaphore_mem>>)
      %dma_wait3A = arith.constant 0 : i32
      %dma_wait3A_80 = arith.constant 0 : i32
      %dma_wait3A_81 = tpu.memref_slice %arg2[%run_scoped3A, %add3A, %dma_wait3A, %dma_wait3A_80] : memref<2x32x80x128xi32, #tpu.memory_space<hbm>> -> memref<1x1x80x128xi32, #tpu.memory_space<hbm>>
      %dma_wait3A_82 = tpu.memref_squeeze %dma_wait3A_81 : memref<1x1x80x128xi32, #tpu.memory_space<hbm>> -> memref<80x128xi32, #tpu.memory_space<hbm>>
      %dma_wait3A_83 = arith.constant 0 : i32
      %dma_wait3A_84 = arith.constant 0 : i32
      %dma_wait3A_85 = tpu.memref_slice %arg2[%run_scoped3A, %add3A, %dma_wait3A_83, %dma_wait3A_84] : memref<2x32x80x128xi32, #tpu.memory_space<hbm>> -> memref<1x1x80x128xi32, #tpu.memory_space<hbm>>
      %dma_wait3A_86 = tpu.memref_squeeze %dma_wait3A_85 : memref<1x1x80x128xi32, #tpu.memory_space<hbm>> -> memref<80x128xi32, #tpu.memory_space<hbm>>
      tpu.wait_dma2 semaphore(%run_scoped3A_71 : memref<!tpu.dma_semaphore, #tpu.memory_space<semaphore_mem>>) src(%dma_wait3A_86 : memref<80x128xi32, #tpu.memory_space<hbm>>) dst(%arg6 : memref<80x128xi32, #tpu.memory_space<vmem>>)
      tpu.yield
    }) : () -> ()
    %run_scoped3A_1 = arith.constant 1 : i32
    "tpu.region"() ({
      %run_scoped3A_71 = tpu.sem_alloc : memref<!tpu.dma_semaphore, #tpu.memory_space<semaphore_mem>>
      %dma_start3A_72 = arith.constant 0 : i32
      %dma_start3A_73 = arith.constant 0 : i32
      %dma_start3A_74 = tpu.memref_slice %arg2[%run_scoped3A_1, %add3A, %dma_start3A_72, %dma_start3A_73] : memref<2x32x80x128xi32, #tpu.memory_space<hbm>> -> memref<1x1x80x128xi32, #tpu.memory_space<hbm>>
      %dma_start3A_75 = tpu.memref_squeeze %dma_start3A_74 : memref<1x1x80x128xi32, #tpu.memory_space<hbm>> -> memref<80x128xi32, #tpu.memory_space<hbm>>
      %dma_start3A_76 = arith.constant 0 : i32
      %dma_start3A_77 = arith.constant 0 : i32
      %dma_start3A_78 = tpu.memref_slice %arg2[%run_scoped3A_1, %add3A, %dma_start3A_76, %dma_start3A_77] : memref<2x32x80x128xi32, #tpu.memory_space<hbm>> -> memref<1x1x80x128xi32, #tpu.memory_space<hbm>>
      %dma_start3A_79 = tpu.memref_squeeze %dma_start3A_78 : memref<1x1x80x128xi32, #tpu.memory_space<hbm>> -> memref<80x128xi32, #tpu.memory_space<hbm>>
      tpu.enqueue_dma source(%dma_start3A_79 : memref<80x128xi32, #tpu.memory_space<hbm>>) target(%arg7 : memref<80x128xi32, #tpu.memory_space<vmem>>) target_semaphore(%run_scoped3A_71 : memref<!tpu.dma_semaphore, #tpu.memory_space<semaphore_mem>>)
      %dma_wait3A = arith.constant 0 : i32
      %dma_wait3A_80 = arith.constant 0 : i32
      %dma_wait3A_81 = tpu.memref_slice %arg2[%run_scoped3A_1, %add3A, %dma_wait3A, %dma_wait3A_80] : memref<2x32x80x128xi32, #tpu.memory_space<hbm>> -> memref<1x1x80x128xi32, #tpu.memory_space<hbm>>
      %dma_wait3A_82 = tpu.memref_squeeze %dma_wait3A_81 : memref<1x1x80x128xi32, #tpu.memory_space<hbm>> -> memref<80x128xi32, #tpu.memory_space<hbm>>
      %dma_wait3A_83 = arith.constant 0 : i32
      %dma_wait3A_84 = arith.constant 0 : i32
      %dma_wait3A_85 = tpu.memref_slice %arg2[%run_scoped3A_1, %add3A, %dma_wait3A_83, %dma_wait3A_84] : memref<2x32x80x128xi32, #tpu.memory_space<hbm>> -> memref<1x1x80x128xi32, #tpu.memory_space<hbm>>
      %dma_wait3A_86 = tpu.memref_squeeze %dma_wait3A_85 : memref<1x1x80x128xi32, #tpu.memory_space<hbm>> -> memref<80x128xi32, #tpu.memory_space<hbm>>
      tpu.wait_dma2 semaphore(%run_scoped3A_71 : memref<!tpu.dma_semaphore, #tpu.memory_space<semaphore_mem>>) src(%dma_wait3A_86 : memref<80x128xi32, #tpu.memory_space<hbm>>) dst(%arg7 : memref<80x128xi32, #tpu.memory_space<vmem>>)
      tpu.yield
    }) : () -> ()
    %mul3A_2 = arith.constant 640 : i32
    %mul3A_3 = arith.muli %arg1, %mul3A_2 : i32
    "tpu.region"() ({
      %run_scoped3A_71 = tpu.sem_alloc : memref<!tpu.dma_semaphore, #tpu.memory_space<semaphore_mem>>
      %dma_start3A_72 = arith.constant 0 : i32
      %dma_start3A_73 = tpu.memref_slice %arg9[%mul3A_3, %dma_start3A_72] : memref<10240x40xf32, #tpu.memory_space<vmem_shared>> -> memref<640x40xf32, #tpu.memory_space<vmem_shared>>
      %dma_start3A_74 = arith.constant 0 : i32
      %dma_start3A_75 = tpu.memref_slice %arg4[%mul3A_3, %dma_start3A_74] : memref<10240x40xf32, #tpu.memory_space<hbm>> -> memref<640x40xf32, #tpu.memory_space<hbm>>
      tpu.enqueue_dma source(%dma_start3A_75 : memref<640x40xf32, #tpu.memory_space<hbm>>) target(%dma_start3A_73 : memref<640x40xf32, #tpu.memory_space<vmem_shared>>) target_semaphore(%run_scoped3A_71 : memref<!tpu.dma_semaphore, #tpu.memory_space<semaphore_mem>>)
      %dma_wait3A = arith.constant 0 : i32
      %dma_wait3A_76 = tpu.memref_slice %arg9[%mul3A_3, %dma_wait3A] : memref<10240x40xf32, #tpu.memory_space<vmem_shared>> -> memref<640x40xf32, #tpu.memory_space<vmem_shared>>
      %dma_wait3A_77 = arith.constant 0 : i32
      %dma_wait3A_78 = tpu.memref_slice %arg4[%mul3A_3, %dma_wait3A_77] : memref<10240x40xf32, #tpu.memory_space<hbm>> -> memref<640x40xf32, #tpu.memory_space<hbm>>
      tpu.wait_dma2 semaphore(%run_scoped3A_71 : memref<!tpu.dma_semaphore, #tpu.memory_space<semaphore_mem>>) src(%dma_wait3A_78 : memref<640x40xf32, #tpu.memory_space<hbm>>) dst(%dma_wait3A_76 : memref<640x40xf32, #tpu.memory_space<vmem_shared>>)
      tpu.yield
    }) : () -> ()
    "tpu.region"() ({
      %run_scoped3A_71 = tpu.sem_alloc : memref<!tpu.dma_semaphore, #tpu.memory_space<semaphore_mem>>
      %dma_start3A_72 = arith.constant 0 : i32
      %dma_start3A_73 = tpu.memref_slice %arg10[%mul3A_3, %dma_start3A_72] : memref<10240x40xf32, #tpu.memory_space<vmem_shared>> -> memref<640x40xf32, #tpu.memory_space<vmem_shared>>
      %dma_start3A_74 = arith.constant 0 : i32
      %dma_start3A_75 = tpu.memref_slice %arg3[%mul3A_3, %dma_start3A_74] : memref<10240x128xf32, #tpu.memory_space<hbm>> -> memref<640x40xf32, #tpu.memory_space<hbm>>
      tpu.enqueue_dma source(%dma_start3A_75 : memref<640x40xf32, #tpu.memory_space<hbm>>) target(%dma_start3A_73 : memref<640x40xf32, #tpu.memory_space<vmem_shared>>) target_semaphore(%run_scoped3A_71 : memref<!tpu.dma_semaphore, #tpu.memory_space<semaphore_mem>>)
      %dma_wait3A = arith.constant 0 : i32
      %dma_wait3A_76 = tpu.memref_slice %arg10[%mul3A_3, %dma_wait3A] : memref<10240x40xf32, #tpu.memory_space<vmem_shared>> -> memref<640x40xf32, #tpu.memory_space<vmem_shared>>
      %dma_wait3A_77 = arith.constant 0 : i32
      %dma_wait3A_78 = tpu.memref_slice %arg3[%mul3A_3, %dma_wait3A_77] : memref<10240x128xf32, #tpu.memory_space<hbm>> -> memref<640x40xf32, #tpu.memory_space<hbm>>
      tpu.wait_dma2 semaphore(%run_scoped3A_71 : memref<!tpu.dma_semaphore, #tpu.memory_space<semaphore_mem>>) src(%dma_wait3A_78 : memref<640x40xf32, #tpu.memory_space<hbm>>) dst(%dma_wait3A_76 : memref<640x40xf32, #tpu.memory_space<vmem_shared>>)
      tpu.yield
    }) : () -> ()
    %barrier3A = arith.constant 0 : index
    tpu.barrier barrier_id(%barrier3A)
    %dma_start3A = arith.constant 0 : i32
    %dma_start3A_4 = arith.constant 0 : i32
    %dma_start3A_5 = arith.constant 0 : i32
    %dma_start3A_6 = arith.constant 0 : i32
    %dma_start3A_7 = arith.constant 0 : i32
    %dma_start3A_8 = tpu.memref_slice %arg8[%dma_start3A_4, %dma_start3A_6, %dma_start3A_7] : memref<4x128x40xf32, #tpu.memory_space<vmem>> -> memref<1x128x40xf32, #tpu.memory_space<vmem>>
    %dma_start3A_9 = tpu.memref_squeeze %dma_start3A_8 : memref<1x128x40xf32, #tpu.memory_space<vmem>> -> memref<128x40xf32, #tpu.memory_space<vmem>>
    %dma_start3A_10 = arith.constant 0 : i32
    %dma_start3A_11 = tpu.memref_slice %arg6[%dma_start3A, %dma_start3A_10] : memref<80x128xi32, #tpu.memory_space<vmem>> -> memref<1x128xi32, #tpu.memory_space<vmem>>
    %dma_start3A_12 = tpu.memref_squeeze %dma_start3A_11 : memref<1x128xi32, #tpu.memory_space<vmem>> -> memref<128xi32, #tpu.memory_space<vmem>>
    %dma_start3A_13 = arith.constant 0 : i32
    %dma_start3A_14 = arith.constant 0 : i32
    %dma_start3A_15 = tpu.memref_slice %arg10[%dma_start3A_13, %dma_start3A_14] : memref<10240x40xf32, #tpu.memory_space<vmem_shared>> -> memref<10240x40xf32, #tpu.memory_space<vmem_shared>>
    %dma_start3A_16 = tpu.memref_slice %arg11[%dma_start3A_5] : memref<4x!tpu.dma_semaphore, #tpu.memory_space<semaphore_mem>> -> memref<1x!tpu.dma_semaphore, #tpu.memory_space<semaphore_mem>>
    %dma_start3A_17 = tpu.memref_squeeze %dma_start3A_16 : memref<1x!tpu.dma_semaphore, #tpu.memory_space<semaphore_mem>> -> memref<!tpu.dma_semaphore, #tpu.memory_space<semaphore_mem>>
    tpu.enqueue_indirect_dma source(%dma_start3A_15 : memref<10240x40xf32, #tpu.memory_space<vmem_shared>>) target(%dma_start3A_9 : memref<128x40xf32, #tpu.memory_space<vmem>>) offsets(%dma_start3A_12 : memref<128xi32, #tpu.memory_space<vmem>>) semaphore(%dma_start3A_17 : memref<!tpu.dma_semaphore, #tpu.memory_space<semaphore_mem>>)
    %dma_start3A_18 = arith.constant 1 : i32
    %dma_start3A_19 = arith.constant 1 : i32
    %dma_start3A_20 = arith.constant 1 : i32
    %dma_start3A_21 = arith.constant 0 : i32
    %dma_start3A_22 = arith.constant 0 : i32
    %dma_start3A_23 = tpu.memref_slice %arg8[%dma_start3A_19, %dma_start3A_21, %dma_start3A_22] : memref<4x128x40xf32, #tpu.memory_space<vmem>> -> memref<1x128x40xf32, #tpu.memory_space<vmem>>
    %dma_start3A_24 = tpu.memref_squeeze %dma_start3A_23 : memref<1x128x40xf32, #tpu.memory_space<vmem>> -> memref<128x40xf32, #tpu.memory_space<vmem>>
    %dma_start3A_25 = arith.constant 0 : i32
    %dma_start3A_26 = tpu.memref_slice %arg6[%dma_start3A_18, %dma_start3A_25] : memref<80x128xi32, #tpu.memory_space<vmem>> -> memref<1x128xi32, #tpu.memory_space<vmem>>
    %dma_start3A_27 = tpu.memref_squeeze %dma_start3A_26 : memref<1x128xi32, #tpu.memory_space<vmem>> -> memref<128xi32, #tpu.memory_space<vmem>>
    %dma_start3A_28 = arith.constant 0 : i32
    %dma_start3A_29 = arith.constant 0 : i32
    %dma_start3A_30 = tpu.memref_slice %arg10[%dma_start3A_28, %dma_start3A_29] : memref<10240x40xf32, #tpu.memory_space<vmem_shared>> -> memref<10240x40xf32, #tpu.memory_space<vmem_shared>>
    %dma_start3A_31 = tpu.memref_slice %arg11[%dma_start3A_20] : memref<4x!tpu.dma_semaphore, #tpu.memory_space<semaphore_mem>> -> memref<1x!tpu.dma_semaphore, #tpu.memory_space<semaphore_mem>>
    %dma_start3A_32 = tpu.memref_squeeze %dma_start3A_31 : memref<1x!tpu.dma_semaphore, #tpu.memory_space<semaphore_mem>> -> memref<!tpu.dma_semaphore, #tpu.memory_space<semaphore_mem>>
    tpu.enqueue_indirect_dma source(%dma_start3A_30 : memref<10240x40xf32, #tpu.memory_space<vmem_shared>>) target(%dma_start3A_24 : memref<128x40xf32, #tpu.memory_space<vmem>>) offsets(%dma_start3A_27 : memref<128xi32, #tpu.memory_space<vmem>>) semaphore(%dma_start3A_32 : memref<!tpu.dma_semaphore, #tpu.memory_space<semaphore_mem>>)
    %dma_start3A_33 = arith.constant 2 : i32
    %dma_start3A_34 = arith.constant 2 : i32
    %dma_start3A_35 = arith.constant 2 : i32
    %dma_start3A_36 = arith.constant 0 : i32
    %dma_start3A_37 = arith.constant 0 : i32
    %dma_start3A_38 = tpu.memref_slice %arg8[%dma_start3A_34, %dma_start3A_36, %dma_start3A_37] : memref<4x128x40xf32, #tpu.memory_space<vmem>> -> memref<1x128x40xf32, #tpu.memory_space<vmem>>
    %dma_start3A_39 = tpu.memref_squeeze %dma_start3A_38 : memref<1x128x40xf32, #tpu.memory_space<vmem>> -> memref<128x40xf32, #tpu.memory_space<vmem>>
    %dma_start3A_40 = arith.constant 0 : i32
    %dma_start3A_41 = tpu.memref_slice %arg6[%dma_start3A_33, %dma_start3A_40] : memref<80x128xi32, #tpu.memory_space<vmem>> -> memref<1x128xi32, #tpu.memory_space<vmem>>
    %dma_start3A_42 = tpu.memref_squeeze %dma_start3A_41 : memref<1x128xi32, #tpu.memory_space<vmem>> -> memref<128xi32, #tpu.memory_space<vmem>>
    %dma_start3A_43 = arith.constant 0 : i32
    %dma_start3A_44 = arith.constant 0 : i32
    %dma_start3A_45 = tpu.memref_slice %arg10[%dma_start3A_43, %dma_start3A_44] : memref<10240x40xf32, #tpu.memory_space<vmem_shared>> -> memref<10240x40xf32, #tpu.memory_space<vmem_shared>>
    %dma_start3A_46 = tpu.memref_slice %arg11[%dma_start3A_35] : memref<4x!tpu.dma_semaphore, #tpu.memory_space<semaphore_mem>> -> memref<1x!tpu.dma_semaphore, #tpu.memory_space<semaphore_mem>>
    %dma_start3A_47 = tpu.memref_squeeze %dma_start3A_46 : memref<1x!tpu.dma_semaphore, #tpu.memory_space<semaphore_mem>> -> memref<!tpu.dma_semaphore, #tpu.memory_space<semaphore_mem>>
    tpu.enqueue_indirect_dma source(%dma_start3A_45 : memref<10240x40xf32, #tpu.memory_space<vmem_shared>>) target(%dma_start3A_39 : memref<128x40xf32, #tpu.memory_space<vmem>>) offsets(%dma_start3A_42 : memref<128xi32, #tpu.memory_space<vmem>>) semaphore(%dma_start3A_47 : memref<!tpu.dma_semaphore, #tpu.memory_space<semaphore_mem>>)
    %dma_start3A_48 = arith.constant 3 : i32
    %dma_start3A_49 = arith.constant 3 : i32
    %dma_start3A_50 = arith.constant 3 : i32
    %dma_start3A_51 = arith.constant 0 : i32
    %dma_start3A_52 = arith.constant 0 : i32
    %dma_start3A_53 = tpu.memref_slice %arg8[%dma_start3A_49, %dma_start3A_51, %dma_start3A_52] : memref<4x128x40xf32, #tpu.memory_space<vmem>> -> memref<1x128x40xf32, #tpu.memory_space<vmem>>
    %dma_start3A_54 = tpu.memref_squeeze %dma_start3A_53 : memref<1x128x40xf32, #tpu.memory_space<vmem>> -> memref<128x40xf32, #tpu.memory_space<vmem>>
    %dma_start3A_55 = arith.constant 0 : i32
    %dma_start3A_56 = tpu.memref_slice %arg6[%dma_start3A_48, %dma_start3A_55] : memref<80x128xi32, #tpu.memory_space<vmem>> -> memref<1x128xi32, #tpu.memory_space<vmem>>
    %dma_start3A_57 = tpu.memref_squeeze %dma_start3A_56 : memref<1x128xi32, #tpu.memory_space<vmem>> -> memref<128xi32, #tpu.memory_space<vmem>>
    %dma_start3A_58 = arith.constant 0 : i32
    %dma_start3A_59 = arith.constant 0 : i32
    %dma_start3A_60 = tpu.memref_slice %arg10[%dma_start3A_58, %dma_start3A_59] : memref<10240x40xf32, #tpu.memory_space<vmem_shared>> -> memref<10240x40xf32, #tpu.memory_space<vmem_shared>>
    %dma_start3A_61 = tpu.memref_slice %arg11[%dma_start3A_50] : memref<4x!tpu.dma_semaphore, #tpu.memory_space<semaphore_mem>> -> memref<1x!tpu.dma_semaphore, #tpu.memory_space<semaphore_mem>>
    %dma_start3A_62 = tpu.memref_squeeze %dma_start3A_61 : memref<1x!tpu.dma_semaphore, #tpu.memory_space<semaphore_mem>> -> memref<!tpu.dma_semaphore, #tpu.memory_space<semaphore_mem>>
    tpu.enqueue_indirect_dma source(%dma_start3A_60 : memref<10240x40xf32, #tpu.memory_space<vmem_shared>>) target(%dma_start3A_54 : memref<128x40xf32, #tpu.memory_space<vmem>>) offsets(%dma_start3A_57 : memref<128xi32, #tpu.memory_space<vmem>>) semaphore(%dma_start3A_62 : memref<!tpu.dma_semaphore, #tpu.memory_space<semaphore_mem>>)
    %scan3A = arith.constant 0 : i32
    %scan3A_63 = arith.constant 0 : i32
    %scan3A_64 = arith.constant 20 : i32
    %scan3A_65 = arith.addi %scan3A_63, %scan3A_64 : i32
    %scan3A_66 = arith.constant 1 : i32
    scf.for %scan3A_71 = %scan3A_63 to %scan3A_65 step %scan3A_66  : i32 {
      %mul3A_72 = arith.constant 4 : i32
      %mul3A_73 = arith.muli %scan3A_71, %mul3A_72 : i32
      %add3A_74 = arith.constant 0 : i32
      %add3A_75 = arith.addi %mul3A_73, %add3A_74 : i32
      %dma_wait3A = arith.constant 0 : i32
      %dma_wait3A_76 = arith.constant 0 : i32
      %dma_wait3A_77 = arith.constant 0 : i32
      %dma_wait3A_78 = arith.constant 0 : i32
      %dma_wait3A_79 = tpu.memref_slice %arg8[%dma_wait3A, %dma_wait3A_77, %dma_wait3A_78] : memref<4x128x40xf32, #tpu.memory_space<vmem>> -> memref<1x128x40xf32, #tpu.memory_space<vmem>>
      %dma_wait3A_80 = tpu.memref_squeeze %dma_wait3A_79 : memref<1x128x40xf32, #tpu.memory_space<vmem>> -> memref<128x40xf32, #tpu.memory_space<vmem>>
      %dma_wait3A_81 = arith.constant 0 : i32
      %dma_wait3A_82 = tpu.memref_slice %arg6[%add3A_75, %dma_wait3A_81] : memref<80x128xi32, #tpu.memory_space<vmem>> -> memref<1x128xi32, #tpu.memory_space<vmem>>
      %dma_wait3A_83 = tpu.memref_squeeze %dma_wait3A_82 : memref<1x128xi32, #tpu.memory_space<vmem>> -> memref<128xi32, #tpu.memory_space<vmem>>
      %dma_wait3A_84 = arith.constant 0 : i32
      %dma_wait3A_85 = arith.constant 0 : i32
      %dma_wait3A_86 = tpu.memref_slice %arg10[%dma_wait3A_84, %dma_wait3A_85] : memref<10240x40xf32, #tpu.memory_space<vmem_shared>> -> memref<10240x40xf32, #tpu.memory_space<vmem_shared>>
      %dma_wait3A_87 = tpu.memref_slice %arg11[%dma_wait3A_76] : memref<4x!tpu.dma_semaphore, #tpu.memory_space<semaphore_mem>> -> memref<1x!tpu.dma_semaphore, #tpu.memory_space<semaphore_mem>>
      %dma_wait3A_88 = tpu.memref_squeeze %dma_wait3A_87 : memref<1x!tpu.dma_semaphore, #tpu.memory_space<semaphore_mem>> -> memref<!tpu.dma_semaphore, #tpu.memory_space<semaphore_mem>>
      tpu.wait_indirect_dma semaphore(%dma_wait3A_88 : memref<!tpu.dma_semaphore, #tpu.memory_space<semaphore_mem>>) src(%dma_wait3A_86 : memref<10240x40xf32, #tpu.memory_space<vmem_shared>>) dst(%dma_wait3A_80 : memref<128x40xf32, #tpu.memory_space<vmem>>)
      %run_scoped3A_89 = arith.constant 0 : i32
      "tpu.region"() ({
        %run_scoped3A_166 = tpu.sem_alloc : memref<!tpu.dma_semaphore, #tpu.memory_space<semaphore_mem>>
        %dma_start3A_167 = arith.constant 0 : i32
        %dma_start3A_168 = arith.constant 0 : i32
        %dma_start3A_169 = tpu.memref_slice %arg8[%run_scoped3A_89, %dma_start3A_167, %dma_start3A_168] : memref<4x128x40xf32, #tpu.memory_space<vmem>> -> memref<1x128x40xf32, #tpu.memory_space<vmem>>
        %dma_start3A_170 = tpu.memref_squeeze %dma_start3A_169 : memref<1x128x40xf32, #tpu.memory_space<vmem>> -> memref<128x40xf32, #tpu.memory_space<vmem>>
        %dma_start3A_171 = arith.constant 0 : i32
        %dma_start3A_172 = tpu.memref_slice %arg7[%add3A_75, %dma_start3A_171] : memref<80x128xi32, #tpu.memory_space<vmem>> -> memref<1x128xi32, #tpu.memory_space<vmem>>
        %dma_start3A_173 = tpu.memref_squeeze %dma_start3A_172 : memref<1x128xi32, #tpu.memory_space<vmem>> -> memref<128xi32, #tpu.memory_space<vmem>>
        %dma_start3A_174 = arith.constant 0 : i32
        %dma_start3A_175 = arith.constant 0 : i32
        %dma_start3A_176 = tpu.memref_slice %arg9[%dma_start3A_174, %dma_start3A_175] : memref<10240x40xf32, #tpu.memory_space<vmem_shared>> -> memref<10240x40xf32, #tpu.memory_space<vmem_shared>>
        tpu.enqueue_indirect_dma source(%dma_start3A_170 : memref<128x40xf32, #tpu.memory_space<vmem>>) target(%dma_start3A_176 : memref<10240x40xf32, #tpu.memory_space<vmem_shared>>) offsets(%dma_start3A_173 : memref<128xi32, #tpu.memory_space<vmem>>) semaphore(%run_scoped3A_166 : memref<!tpu.dma_semaphore, #tpu.memory_space<semaphore_mem>>) {add = true}
        %dma_wait3A_177 = arith.constant 0 : i32
        %dma_wait3A_178 = arith.constant 0 : i32
        %dma_wait3A_179 = tpu.memref_slice %arg8[%run_scoped3A_89, %dma_wait3A_177, %dma_wait3A_178] : memref<4x128x40xf32, #tpu.memory_space<vmem>> -> memref<1x128x40xf32, #tpu.memory_space<vmem>>
        %dma_wait3A_180 = tpu.memref_squeeze %dma_wait3A_179 : memref<1x128x40xf32, #tpu.memory_space<vmem>> -> memref<128x40xf32, #tpu.memory_space<vmem>>
        %dma_wait3A_181 = arith.constant 0 : i32
        %dma_wait3A_182 = tpu.memref_slice %arg7[%add3A_75, %dma_wait3A_181] : memref<80x128xi32, #tpu.memory_space<vmem>> -> memref<1x128xi32, #tpu.memory_space<vmem>>
        %dma_wait3A_183 = tpu.memref_squeeze %dma_wait3A_182 : memref<1x128xi32, #tpu.memory_space<vmem>> -> memref<128xi32, #tpu.memory_space<vmem>>
        %dma_wait3A_184 = arith.constant 0 : i32
        %dma_wait3A_185 = arith.constant 0 : i32
        %dma_wait3A_186 = tpu.memref_slice %arg9[%dma_wait3A_184, %dma_wait3A_185] : memref<10240x40xf32, #tpu.memory_space<vmem_shared>> -> memref<10240x40xf32, #tpu.memory_space<vmem_shared>>
        tpu.wait_indirect_dma semaphore(%run_scoped3A_166 : memref<!tpu.dma_semaphore, #tpu.memory_space<semaphore_mem>>) src(%dma_wait3A_180 : memref<128x40xf32, #tpu.memory_space<vmem>>) dst(%dma_wait3A_186 : memref<10240x40xf32, #tpu.memory_space<vmem_shared>>)
        tpu.yield
      }) : () -> ()
      %add3A_90 = arith.constant 4 : i32
      %add3A_91 = arith.addi %add3A_75, %add3A_90 : i32
      %lt3A = arith.constant 80 : i32
      %lt3A_92 = arith.cmpi slt, %add3A_91, %lt3A : i32
      %convert_element_type3A = arith.extui %lt3A_92 : i1 to i32
      %cond3A = arith.constant 0 : i32
      %cond3A_93 = arith.cmpi ne, %convert_element_type3A, %cond3A : i32
      scf.if %cond3A_93 {
        %dma_start3A_166 = arith.constant 0 : i32
        %dma_start3A_167 = arith.constant 0 : i32
        %dma_start3A_168 = arith.constant 0 : i32
        %dma_start3A_169 = arith.constant 0 : i32
        %dma_start3A_170 = tpu.memref_slice %arg8[%dma_start3A_166, %dma_start3A_168, %dma_start3A_169] : memref<4x128x40xf32, #tpu.memory_space<vmem>> -> memref<1x128x40xf32, #tpu.memory_space<vmem>>
        %dma_start3A_171 = tpu.memref_squeeze %dma_start3A_170 : memref<1x128x40xf32, #tpu.memory_space<vmem>> -> memref<128x40xf32, #tpu.memory_space<vmem>>
        %dma_start3A_172 = arith.constant 0 : i32
        %dma_start3A_173 = tpu.memref_slice %arg6[%add3A_91, %dma_start3A_172] : memref<80x128xi32, #tpu.memory_space<vmem>> -> memref<1x128xi32, #tpu.memory_space<vmem>>
        %dma_start3A_174 = tpu.memref_squeeze %dma_start3A_173 : memref<1x128xi32, #tpu.memory_space<vmem>> -> memref<128xi32, #tpu.memory_space<vmem>>
        %dma_start3A_175 = arith.constant 0 : i32
        %dma_start3A_176 = arith.constant 0 : i32
        %dma_start3A_177 = tpu.memref_slice %arg10[%dma_start3A_175, %dma_start3A_176] : memref<10240x40xf32, #tpu.memory_space<vmem_shared>> -> memref<10240x40xf32, #tpu.memory_space<vmem_shared>>
        %dma_start3A_178 = tpu.memref_slice %arg11[%dma_start3A_167] : memref<4x!tpu.dma_semaphore, #tpu.memory_space<semaphore_mem>> -> memref<1x!tpu.dma_semaphore, #tpu.memory_space<semaphore_mem>>
        %dma_start3A_179 = tpu.memref_squeeze %dma_start3A_178 : memref<1x!tpu.dma_semaphore, #tpu.memory_space<semaphore_mem>> -> memref<!tpu.dma_semaphore, #tpu.memory_space<semaphore_mem>>
        tpu.enqueue_indirect_dma source(%dma_start3A_177 : memref<10240x40xf32, #tpu.memory_space<vmem_shared>>) target(%dma_start3A_171 : memref<128x40xf32, #tpu.memory_space<vmem>>) offsets(%dma_start3A_174 : memref<128xi32, #tpu.memory_space<vmem>>) semaphore(%dma_start3A_179 : memref<!tpu.dma_semaphore, #tpu.memory_space<semaphore_mem>>)
      } else {
      }
      %add3A_94 = arith.constant 1 : i32
      %add3A_95 = arith.addi %mul3A_73, %add3A_94 : i32
      %dma_wait3A_96 = arith.constant 1 : i32
      %dma_wait3A_97 = arith.constant 1 : i32
      %dma_wait3A_98 = arith.constant 0 : i32
      %dma_wait3A_99 = arith.constant 0 : i32
      %dma_wait3A_100 = tpu.memref_slice %arg8[%dma_wait3A_96, %dma_wait3A_98, %dma_wait3A_99] : memref<4x128x40xf32, #tpu.memory_space<vmem>> -> memref<1x128x40xf32, #tpu.memory_space<vmem>>
      %dma_wait3A_101 = tpu.memref_squeeze %dma_wait3A_100 : memref<1x128x40xf32, #tpu.memory_space<vmem>> -> memref<128x40xf32, #tpu.memory_space<vmem>>
      %dma_wait3A_102 = arith.constant 0 : i32
      %dma_wait3A_103 = tpu.memref_slice %arg6[%add3A_95, %dma_wait3A_102] : memref<80x128xi32, #tpu.memory_space<vmem>> -> memref<1x128xi32, #tpu.memory_space<vmem>>
      %dma_wait3A_104 = tpu.memref_squeeze %dma_wait3A_103 : memref<1x128xi32, #tpu.memory_space<vmem>> -> memref<128xi32, #tpu.memory_space<vmem>>
      %dma_wait3A_105 = arith.constant 0 : i32
      %dma_wait3A_106 = arith.constant 0 : i32
      %dma_wait3A_107 = tpu.memref_slice %arg10[%dma_wait3A_105, %dma_wait3A_106] : memref<10240x40xf32, #tpu.memory_space<vmem_shared>> -> memref<10240x40xf32, #tpu.memory_space<vmem_shared>>
      %dma_wait3A_108 = tpu.memref_slice %arg11[%dma_wait3A_97] : memref<4x!tpu.dma_semaphore, #tpu.memory_space<semaphore_mem>> -> memref<1x!tpu.dma_semaphore, #tpu.memory_space<semaphore_mem>>
      %dma_wait3A_109 = tpu.memref_squeeze %dma_wait3A_108 : memref<1x!tpu.dma_semaphore, #tpu.memory_space<semaphore_mem>> -> memref<!tpu.dma_semaphore, #tpu.memory_space<semaphore_mem>>
      tpu.wait_indirect_dma semaphore(%dma_wait3A_109 : memref<!tpu.dma_semaphore, #tpu.memory_space<semaphore_mem>>) src(%dma_wait3A_107 : memref<10240x40xf32, #tpu.memory_space<vmem_shared>>) dst(%dma_wait3A_101 : memref<128x40xf32, #tpu.memory_space<vmem>>)
      %run_scoped3A_110 = arith.constant 1 : i32
      "tpu.region"() ({
        %run_scoped3A_166 = tpu.sem_alloc : memref<!tpu.dma_semaphore, #tpu.memory_space<semaphore_mem>>
        %dma_start3A_167 = arith.constant 0 : i32
        %dma_start3A_168 = arith.constant 0 : i32
        %dma_start3A_169 = tpu.memref_slice %arg8[%run_scoped3A_110, %dma_start3A_167, %dma_start3A_168] : memref<4x128x40xf32, #tpu.memory_space<vmem>> -> memref<1x128x40xf32, #tpu.memory_space<vmem>>
        %dma_start3A_170 = tpu.memref_squeeze %dma_start3A_169 : memref<1x128x40xf32, #tpu.memory_space<vmem>> -> memref<128x40xf32, #tpu.memory_space<vmem>>
        %dma_start3A_171 = arith.constant 0 : i32
        %dma_start3A_172 = tpu.memref_slice %arg7[%add3A_95, %dma_start3A_171] : memref<80x128xi32, #tpu.memory_space<vmem>> -> memref<1x128xi32, #tpu.memory_space<vmem>>
        %dma_start3A_173 = tpu.memref_squeeze %dma_start3A_172 : memref<1x128xi32, #tpu.memory_space<vmem>> -> memref<128xi32, #tpu.memory_space<vmem>>
        %dma_start3A_174 = arith.constant 0 : i32
        %dma_start3A_175 = arith.constant 0 : i32
        %dma_start3A_176 = tpu.memref_slice %arg9[%dma_start3A_174, %dma_start3A_175] : memref<10240x40xf32, #tpu.memory_space<vmem_shared>> -> memref<10240x40xf32, #tpu.memory_space<vmem_shared>>
        tpu.enqueue_indirect_dma source(%dma_start3A_170 : memref<128x40xf32, #tpu.memory_space<vmem>>) target(%dma_start3A_176 : memref<10240x40xf32, #tpu.memory_space<vmem_shared>>) offsets(%dma_start3A_173 : memref<128xi32, #tpu.memory_space<vmem>>) semaphore(%run_scoped3A_166 : memref<!tpu.dma_semaphore, #tpu.memory_space<semaphore_mem>>) {add = true}
        %dma_wait3A_177 = arith.constant 0 : i32
        %dma_wait3A_178 = arith.constant 0 : i32
        %dma_wait3A_179 = tpu.memref_slice %arg8[%run_scoped3A_110, %dma_wait3A_177, %dma_wait3A_178] : memref<4x128x40xf32, #tpu.memory_space<vmem>> -> memref<1x128x40xf32, #tpu.memory_space<vmem>>
        %dma_wait3A_180 = tpu.memref_squeeze %dma_wait3A_179 : memref<1x128x40xf32, #tpu.memory_space<vmem>> -> memref<128x40xf32, #tpu.memory_space<vmem>>
        %dma_wait3A_181 = arith.constant 0 : i32
        %dma_wait3A_182 = tpu.memref_slice %arg7[%add3A_95, %dma_wait3A_181] : memref<80x128xi32, #tpu.memory_space<vmem>> -> memref<1x128xi32, #tpu.memory_space<vmem>>
        %dma_wait3A_183 = tpu.memref_squeeze %dma_wait3A_182 : memref<1x128xi32, #tpu.memory_space<vmem>> -> memref<128xi32, #tpu.memory_space<vmem>>
        %dma_wait3A_184 = arith.constant 0 : i32
        %dma_wait3A_185 = arith.constant 0 : i32
        %dma_wait3A_186 = tpu.memref_slice %arg9[%dma_wait3A_184, %dma_wait3A_185] : memref<10240x40xf32, #tpu.memory_space<vmem_shared>> -> memref<10240x40xf32, #tpu.memory_space<vmem_shared>>
        tpu.wait_indirect_dma semaphore(%run_scoped3A_166 : memref<!tpu.dma_semaphore, #tpu.memory_space<semaphore_mem>>) src(%dma_wait3A_180 : memref<128x40xf32, #tpu.memory_space<vmem>>) dst(%dma_wait3A_186 : memref<10240x40xf32, #tpu.memory_space<vmem_shared>>)
        tpu.yield
      }) : () -> ()
      %add3A_111 = arith.constant 4 : i32
      %add3A_112 = arith.addi %add3A_95, %add3A_111 : i32
      %lt3A_113 = arith.constant 80 : i32
      %lt3A_114 = arith.cmpi slt, %add3A_112, %lt3A_113 : i32
      %convert_element_type3A_115 = arith.extui %lt3A_114 : i1 to i32
      %cond3A_116 = arith.constant 0 : i32
      %cond3A_117 = arith.cmpi ne, %convert_element_type3A_115, %cond3A_116 : i32
      scf.if %cond3A_117 {
        %dma_start3A_166 = arith.constant 1 : i32
        %dma_start3A_167 = arith.constant 1 : i32
        %dma_start3A_168 = arith.constant 0 : i32
        %dma_start3A_169 = arith.constant 0 : i32
        %dma_start3A_170 = tpu.memref_slice %arg8[%dma_start3A_166, %dma_start3A_168, %dma_start3A_169] : memref<4x128x40xf32, #tpu.memory_space<vmem>> -> memref<1x128x40xf32, #tpu.memory_space<vmem>>
        %dma_start3A_171 = tpu.memref_squeeze %dma_start3A_170 : memref<1x128x40xf32, #tpu.memory_space<vmem>> -> memref<128x40xf32, #tpu.memory_space<vmem>>
        %dma_start3A_172 = arith.constant 0 : i32
        %dma_start3A_173 = tpu.memref_slice %arg6[%add3A_112, %dma_start3A_172] : memref<80x128xi32, #tpu.memory_space<vmem>> -> memref<1x128xi32, #tpu.memory_space<vmem>>
        %dma_start3A_174 = tpu.memref_squeeze %dma_start3A_173 : memref<1x128xi32, #tpu.memory_space<vmem>> -> memref<128xi32, #tpu.memory_space<vmem>>
        %dma_start3A_175 = arith.constant 0 : i32
        %dma_start3A_176 = arith.constant 0 : i32
        %dma_start3A_177 = tpu.memref_slice %arg10[%dma_start3A_175, %dma_start3A_176] : memref<10240x40xf32, #tpu.memory_space<vmem_shared>> -> memref<10240x40xf32, #tpu.memory_space<vmem_shared>>
        %dma_start3A_178 = tpu.memref_slice %arg11[%dma_start3A_167] : memref<4x!tpu.dma_semaphore, #tpu.memory_space<semaphore_mem>> -> memref<1x!tpu.dma_semaphore, #tpu.memory_space<semaphore_mem>>
        %dma_start3A_179 = tpu.memref_squeeze %dma_start3A_178 : memref<1x!tpu.dma_semaphore, #tpu.memory_space<semaphore_mem>> -> memref<!tpu.dma_semaphore, #tpu.memory_space<semaphore_mem>>
        tpu.enqueue_indirect_dma source(%dma_start3A_177 : memref<10240x40xf32, #tpu.memory_space<vmem_shared>>) target(%dma_start3A_171 : memref<128x40xf32, #tpu.memory_space<vmem>>) offsets(%dma_start3A_174 : memref<128xi32, #tpu.memory_space<vmem>>) semaphore(%dma_start3A_179 : memref<!tpu.dma_semaphore, #tpu.memory_space<semaphore_mem>>)
      } else {
      }
      %add3A_118 = arith.constant 2 : i32
      %add3A_119 = arith.addi %mul3A_73, %add3A_118 : i32
      %dma_wait3A_120 = arith.constant 2 : i32
      %dma_wait3A_121 = arith.constant 2 : i32
      %dma_wait3A_122 = arith.constant 0 : i32
      %dma_wait3A_123 = arith.constant 0 : i32
      %dma_wait3A_124 = tpu.memref_slice %arg8[%dma_wait3A_120, %dma_wait3A_122, %dma_wait3A_123] : memref<4x128x40xf32, #tpu.memory_space<vmem>> -> memref<1x128x40xf32, #tpu.memory_space<vmem>>
      %dma_wait3A_125 = tpu.memref_squeeze %dma_wait3A_124 : memref<1x128x40xf32, #tpu.memory_space<vmem>> -> memref<128x40xf32, #tpu.memory_space<vmem>>
      %dma_wait3A_126 = arith.constant 0 : i32
      %dma_wait3A_127 = tpu.memref_slice %arg6[%add3A_119, %dma_wait3A_126] : memref<80x128xi32, #tpu.memory_space<vmem>> -> memref<1x128xi32, #tpu.memory_space<vmem>>
      %dma_wait3A_128 = tpu.memref_squeeze %dma_wait3A_127 : memref<1x128xi32, #tpu.memory_space<vmem>> -> memref<128xi32, #tpu.memory_space<vmem>>
      %dma_wait3A_129 = arith.constant 0 : i32
      %dma_wait3A_130 = arith.constant 0 : i32
      %dma_wait3A_131 = tpu.memref_slice %arg10[%dma_wait3A_129, %dma_wait3A_130] : memref<10240x40xf32, #tpu.memory_space<vmem_shared>> -> memref<10240x40xf32, #tpu.memory_space<vmem_shared>>
      %dma_wait3A_132 = tpu.memref_slice %arg11[%dma_wait3A_121] : memref<4x!tpu.dma_semaphore, #tpu.memory_space<semaphore_mem>> -> memref<1x!tpu.dma_semaphore, #tpu.memory_space<semaphore_mem>>
      %dma_wait3A_133 = tpu.memref_squeeze %dma_wait3A_132 : memref<1x!tpu.dma_semaphore, #tpu.memory_space<semaphore_mem>> -> memref<!tpu.dma_semaphore, #tpu.memory_space<semaphore_mem>>
      tpu.wait_indirect_dma semaphore(%dma_wait3A_133 : memref<!tpu.dma_semaphore, #tpu.memory_space<semaphore_mem>>) src(%dma_wait3A_131 : memref<10240x40xf32, #tpu.memory_space<vmem_shared>>) dst(%dma_wait3A_125 : memref<128x40xf32, #tpu.memory_space<vmem>>)
      %run_scoped3A_134 = arith.constant 2 : i32
      "tpu.region"() ({
        %run_scoped3A_166 = tpu.sem_alloc : memref<!tpu.dma_semaphore, #tpu.memory_space<semaphore_mem>>
        %dma_start3A_167 = arith.constant 0 : i32
        %dma_start3A_168 = arith.constant 0 : i32
        %dma_start3A_169 = tpu.memref_slice %arg8[%run_scoped3A_134, %dma_start3A_167, %dma_start3A_168] : memref<4x128x40xf32, #tpu.memory_space<vmem>> -> memref<1x128x40xf32, #tpu.memory_space<vmem>>
        %dma_start3A_170 = tpu.memref_squeeze %dma_start3A_169 : memref<1x128x40xf32, #tpu.memory_space<vmem>> -> memref<128x40xf32, #tpu.memory_space<vmem>>
        %dma_start3A_171 = arith.constant 0 : i32
        %dma_start3A_172 = tpu.memref_slice %arg7[%add3A_119, %dma_start3A_171] : memref<80x128xi32, #tpu.memory_space<vmem>> -> memref<1x128xi32, #tpu.memory_space<vmem>>
        %dma_start3A_173 = tpu.memref_squeeze %dma_start3A_172 : memref<1x128xi32, #tpu.memory_space<vmem>> -> memref<128xi32, #tpu.memory_space<vmem>>
        %dma_start3A_174 = arith.constant 0 : i32
        %dma_start3A_175 = arith.constant 0 : i32
        %dma_start3A_176 = tpu.memref_slice %arg9[%dma_start3A_174, %dma_start3A_175] : memref<10240x40xf32, #tpu.memory_space<vmem_shared>> -> memref<10240x40xf32, #tpu.memory_space<vmem_shared>>
        tpu.enqueue_indirect_dma source(%dma_start3A_170 : memref<128x40xf32, #tpu.memory_space<vmem>>) target(%dma_start3A_176 : memref<10240x40xf32, #tpu.memory_space<vmem_shared>>) offsets(%dma_start3A_173 : memref<128xi32, #tpu.memory_space<vmem>>) semaphore(%run_scoped3A_166 : memref<!tpu.dma_semaphore, #tpu.memory_space<semaphore_mem>>) {add = true}
        %dma_wait3A_177 = arith.constant 0 : i32
        %dma_wait3A_178 = arith.constant 0 : i32
        %dma_wait3A_179 = tpu.memref_slice %arg8[%run_scoped3A_134, %dma_wait3A_177, %dma_wait3A_178] : memref<4x128x40xf32, #tpu.memory_space<vmem>> -> memref<1x128x40xf32, #tpu.memory_space<vmem>>
        %dma_wait3A_180 = tpu.memref_squeeze %dma_wait3A_179 : memref<1x128x40xf32, #tpu.memory_space<vmem>> -> memref<128x40xf32, #tpu.memory_space<vmem>>
        %dma_wait3A_181 = arith.constant 0 : i32
        %dma_wait3A_182 = tpu.memref_slice %arg7[%add3A_119, %dma_wait3A_181] : memref<80x128xi32, #tpu.memory_space<vmem>> -> memref<1x128xi32, #tpu.memory_space<vmem>>
        %dma_wait3A_183 = tpu.memref_squeeze %dma_wait3A_182 : memref<1x128xi32, #tpu.memory_space<vmem>> -> memref<128xi32, #tpu.memory_space<vmem>>
        %dma_wait3A_184 = arith.constant 0 : i32
        %dma_wait3A_185 = arith.constant 0 : i32
        %dma_wait3A_186 = tpu.memref_slice %arg9[%dma_wait3A_184, %dma_wait3A_185] : memref<10240x40xf32, #tpu.memory_space<vmem_shared>> -> memref<10240x40xf32, #tpu.memory_space<vmem_shared>>
        tpu.wait_indirect_dma semaphore(%run_scoped3A_166 : memref<!tpu.dma_semaphore, #tpu.memory_space<semaphore_mem>>) src(%dma_wait3A_180 : memref<128x40xf32, #tpu.memory_space<vmem>>) dst(%dma_wait3A_186 : memref<10240x40xf32, #tpu.memory_space<vmem_shared>>)
        tpu.yield
      }) : () -> ()
      %add3A_135 = arith.constant 4 : i32
      %add3A_136 = arith.addi %add3A_119, %add3A_135 : i32
      %lt3A_137 = arith.constant 80 : i32
      %lt3A_138 = arith.cmpi slt, %add3A_136, %lt3A_137 : i32
      %convert_element_type3A_139 = arith.extui %lt3A_138 : i1 to i32
      %cond3A_140 = arith.constant 0 : i32
      %cond3A_141 = arith.cmpi ne, %convert_element_type3A_139, %cond3A_140 : i32
      scf.if %cond3A_141 {
        %dma_start3A_166 = arith.constant 2 : i32
        %dma_start3A_167 = arith.constant 2 : i32
        %dma_start3A_168 = arith.constant 0 : i32
        %dma_start3A_169 = arith.constant 0 : i32
        %dma_start3A_170 = tpu.memref_slice %arg8[%dma_start3A_166, %dma_start3A_168, %dma_start3A_169] : memref<4x128x40xf32, #tpu.memory_space<vmem>> -> memref<1x128x40xf32, #tpu.memory_space<vmem>>
        %dma_start3A_171 = tpu.memref_squeeze %dma_start3A_170 : memref<1x128x40xf32, #tpu.memory_space<vmem>> -> memref<128x40xf32, #tpu.memory_space<vmem>>
        %dma_start3A_172 = arith.constant 0 : i32
        %dma_start3A_173 = tpu.memref_slice %arg6[%add3A_136, %dma_start3A_172] : memref<80x128xi32, #tpu.memory_space<vmem>> -> memref<1x128xi32, #tpu.memory_space<vmem>>
        %dma_start3A_174 = tpu.memref_squeeze %dma_start3A_173 : memref<1x128xi32, #tpu.memory_space<vmem>> -> memref<128xi32, #tpu.memory_space<vmem>>
        %dma_start3A_175 = arith.constant 0 : i32
        %dma_start3A_176 = arith.constant 0 : i32
        %dma_start3A_177 = tpu.memref_slice %arg10[%dma_start3A_175, %dma_start3A_176] : memref<10240x40xf32, #tpu.memory_space<vmem_shared>> -> memref<10240x40xf32, #tpu.memory_space<vmem_shared>>
        %dma_start3A_178 = tpu.memref_slice %arg11[%dma_start3A_167] : memref<4x!tpu.dma_semaphore, #tpu.memory_space<semaphore_mem>> -> memref<1x!tpu.dma_semaphore, #tpu.memory_space<semaphore_mem>>
        %dma_start3A_179 = tpu.memref_squeeze %dma_start3A_178 : memref<1x!tpu.dma_semaphore, #tpu.memory_space<semaphore_mem>> -> memref<!tpu.dma_semaphore, #tpu.memory_space<semaphore_mem>>
        tpu.enqueue_indirect_dma source(%dma_start3A_177 : memref<10240x40xf32, #tpu.memory_space<vmem_shared>>) target(%dma_start3A_171 : memref<128x40xf32, #tpu.memory_space<vmem>>) offsets(%dma_start3A_174 : memref<128xi32, #tpu.memory_space<vmem>>) semaphore(%dma_start3A_179 : memref<!tpu.dma_semaphore, #tpu.memory_space<semaphore_mem>>)
      } else {
      }
      %add3A_142 = arith.constant 3 : i32
      %add3A_143 = arith.addi %mul3A_73, %add3A_142 : i32
      %dma_wait3A_144 = arith.constant 3 : i32
      %dma_wait3A_145 = arith.constant 3 : i32
      %dma_wait3A_146 = arith.constant 0 : i32
      %dma_wait3A_147 = arith.constant 0 : i32
      %dma_wait3A_148 = tpu.memref_slice %arg8[%dma_wait3A_144, %dma_wait3A_146, %dma_wait3A_147] : memref<4x128x40xf32, #tpu.memory_space<vmem>> -> memref<1x128x40xf32, #tpu.memory_space<vmem>>
      %dma_wait3A_149 = tpu.memref_squeeze %dma_wait3A_148 : memref<1x128x40xf32, #tpu.memory_space<vmem>> -> memref<128x40xf32, #tpu.memory_space<vmem>>
      %dma_wait3A_150 = arith.constant 0 : i32
      %dma_wait3A_151 = tpu.memref_slice %arg6[%add3A_143, %dma_wait3A_150] : memref<80x128xi32, #tpu.memory_space<vmem>> -> memref<1x128xi32, #tpu.memory_space<vmem>>
      %dma_wait3A_152 = tpu.memref_squeeze %dma_wait3A_151 : memref<1x128xi32, #tpu.memory_space<vmem>> -> memref<128xi32, #tpu.memory_space<vmem>>
      %dma_wait3A_153 = arith.constant 0 : i32
      %dma_wait3A_154 = arith.constant 0 : i32
      %dma_wait3A_155 = tpu.memref_slice %arg10[%dma_wait3A_153, %dma_wait3A_154] : memref<10240x40xf32, #tpu.memory_space<vmem_shared>> -> memref<10240x40xf32, #tpu.memory_space<vmem_shared>>
      %dma_wait3A_156 = tpu.memref_slice %arg11[%dma_wait3A_145] : memref<4x!tpu.dma_semaphore, #tpu.memory_space<semaphore_mem>> -> memref<1x!tpu.dma_semaphore, #tpu.memory_space<semaphore_mem>>
      %dma_wait3A_157 = tpu.memref_squeeze %dma_wait3A_156 : memref<1x!tpu.dma_semaphore, #tpu.memory_space<semaphore_mem>> -> memref<!tpu.dma_semaphore, #tpu.memory_space<semaphore_mem>>
      tpu.wait_indirect_dma semaphore(%dma_wait3A_157 : memref<!tpu.dma_semaphore, #tpu.memory_space<semaphore_mem>>) src(%dma_wait3A_155 : memref<10240x40xf32, #tpu.memory_space<vmem_shared>>) dst(%dma_wait3A_149 : memref<128x40xf32, #tpu.memory_space<vmem>>)
      %run_scoped3A_158 = arith.constant 3 : i32
      "tpu.region"() ({
        %run_scoped3A_166 = tpu.sem_alloc : memref<!tpu.dma_semaphore, #tpu.memory_space<semaphore_mem>>
        %dma_start3A_167 = arith.constant 0 : i32
        %dma_start3A_168 = arith.constant 0 : i32
        %dma_start3A_169 = tpu.memref_slice %arg8[%run_scoped3A_158, %dma_start3A_167, %dma_start3A_168] : memref<4x128x40xf32, #tpu.memory_space<vmem>> -> memref<1x128x40xf32, #tpu.memory_space<vmem>>
        %dma_start3A_170 = tpu.memref_squeeze %dma_start3A_169 : memref<1x128x40xf32, #tpu.memory_space<vmem>> -> memref<128x40xf32, #tpu.memory_space<vmem>>
        %dma_start3A_171 = arith.constant 0 : i32
        %dma_start3A_172 = tpu.memref_slice %arg7[%add3A_143, %dma_start3A_171] : memref<80x128xi32, #tpu.memory_space<vmem>> -> memref<1x128xi32, #tpu.memory_space<vmem>>
        %dma_start3A_173 = tpu.memref_squeeze %dma_start3A_172 : memref<1x128xi32, #tpu.memory_space<vmem>> -> memref<128xi32, #tpu.memory_space<vmem>>
        %dma_start3A_174 = arith.constant 0 : i32
        %dma_start3A_175 = arith.constant 0 : i32
        %dma_start3A_176 = tpu.memref_slice %arg9[%dma_start3A_174, %dma_start3A_175] : memref<10240x40xf32, #tpu.memory_space<vmem_shared>> -> memref<10240x40xf32, #tpu.memory_space<vmem_shared>>
        tpu.enqueue_indirect_dma source(%dma_start3A_170 : memref<128x40xf32, #tpu.memory_space<vmem>>) target(%dma_start3A_176 : memref<10240x40xf32, #tpu.memory_space<vmem_shared>>) offsets(%dma_start3A_173 : memref<128xi32, #tpu.memory_space<vmem>>) semaphore(%run_scoped3A_166 : memref<!tpu.dma_semaphore, #tpu.memory_space<semaphore_mem>>) {add = true}
        %dma_wait3A_177 = arith.constant 0 : i32
        %dma_wait3A_178 = arith.constant 0 : i32
        %dma_wait3A_179 = tpu.memref_slice %arg8[%run_scoped3A_158, %dma_wait3A_177, %dma_wait3A_178] : memref<4x128x40xf32, #tpu.memory_space<vmem>> -> memref<1x128x40xf32, #tpu.memory_space<vmem>>
        %dma_wait3A_180 = tpu.memref_squeeze %dma_wait3A_179 : memref<1x128x40xf32, #tpu.memory_space<vmem>> -> memref<128x40xf32, #tpu.memory_space<vmem>>
        %dma_wait3A_181 = arith.constant 0 : i32
        %dma_wait3A_182 = tpu.memref_slice %arg7[%add3A_143, %dma_wait3A_181] : memref<80x128xi32, #tpu.memory_space<vmem>> -> memref<1x128xi32, #tpu.memory_space<vmem>>
        %dma_wait3A_183 = tpu.memref_squeeze %dma_wait3A_182 : memref<1x128xi32, #tpu.memory_space<vmem>> -> memref<128xi32, #tpu.memory_space<vmem>>
        %dma_wait3A_184 = arith.constant 0 : i32
        %dma_wait3A_185 = arith.constant 0 : i32
        %dma_wait3A_186 = tpu.memref_slice %arg9[%dma_wait3A_184, %dma_wait3A_185] : memref<10240x40xf32, #tpu.memory_space<vmem_shared>> -> memref<10240x40xf32, #tpu.memory_space<vmem_shared>>
        tpu.wait_indirect_dma semaphore(%run_scoped3A_166 : memref<!tpu.dma_semaphore, #tpu.memory_space<semaphore_mem>>) src(%dma_wait3A_180 : memref<128x40xf32, #tpu.memory_space<vmem>>) dst(%dma_wait3A_186 : memref<10240x40xf32, #tpu.memory_space<vmem_shared>>)
        tpu.yield
      }) : () -> ()
      %add3A_159 = arith.constant 4 : i32
      %add3A_160 = arith.addi %add3A_143, %add3A_159 : i32
      %lt3A_161 = arith.constant 80 : i32
      %lt3A_162 = arith.cmpi slt, %add3A_160, %lt3A_161 : i32
      %convert_element_type3A_163 = arith.extui %lt3A_162 : i1 to i32
      %cond3A_164 = arith.constant 0 : i32
      %cond3A_165 = arith.cmpi ne, %convert_element_type3A_163, %cond3A_164 : i32
      scf.if %cond3A_165 {
        %dma_start3A_166 = arith.constant 3 : i32
        %dma_start3A_167 = arith.constant 3 : i32
        %dma_start3A_168 = arith.constant 0 : i32
        %dma_start3A_169 = arith.constant 0 : i32
        %dma_start3A_170 = tpu.memref_slice %arg8[%dma_start3A_166, %dma_start3A_168, %dma_start3A_169] : memref<4x128x40xf32, #tpu.memory_space<vmem>> -> memref<1x128x40xf32, #tpu.memory_space<vmem>>
        %dma_start3A_171 = tpu.memref_squeeze %dma_start3A_170 : memref<1x128x40xf32, #tpu.memory_space<vmem>> -> memref<128x40xf32, #tpu.memory_space<vmem>>
        %dma_start3A_172 = arith.constant 0 : i32
        %dma_start3A_173 = tpu.memref_slice %arg6[%add3A_160, %dma_start3A_172] : memref<80x128xi32, #tpu.memory_space<vmem>> -> memref<1x128xi32, #tpu.memory_space<vmem>>
        %dma_start3A_174 = tpu.memref_squeeze %dma_start3A_173 : memref<1x128xi32, #tpu.memory_space<vmem>> -> memref<128xi32, #tpu.memory_space<vmem>>
        %dma_start3A_175 = arith.constant 0 : i32
        %dma_start3A_176 = arith.constant 0 : i32
        %dma_start3A_177 = tpu.memref_slice %arg10[%dma_start3A_175, %dma_start3A_176] : memref<10240x40xf32, #tpu.memory_space<vmem_shared>> -> memref<10240x40xf32, #tpu.memory_space<vmem_shared>>
        %dma_start3A_178 = tpu.memref_slice %arg11[%dma_start3A_167] : memref<4x!tpu.dma_semaphore, #tpu.memory_space<semaphore_mem>> -> memref<1x!tpu.dma_semaphore, #tpu.memory_space<semaphore_mem>>
        %dma_start3A_179 = tpu.memref_squeeze %dma_start3A_178 : memref<1x!tpu.dma_semaphore, #tpu.memory_space<semaphore_mem>> -> memref<!tpu.dma_semaphore, #tpu.memory_space<semaphore_mem>>
        tpu.enqueue_indirect_dma source(%dma_start3A_177 : memref<10240x40xf32, #tpu.memory_space<vmem_shared>>) target(%dma_start3A_171 : memref<128x40xf32, #tpu.memory_space<vmem>>) offsets(%dma_start3A_174 : memref<128xi32, #tpu.memory_space<vmem>>) semaphore(%dma_start3A_179 : memref<!tpu.dma_semaphore, #tpu.memory_space<semaphore_mem>>)
      } else {
      }
    }
    %scan3A_67 = arith.constant 20 : i32
    %barrier3A_68 = arith.constant 0 : index
    tpu.barrier barrier_id(%barrier3A_68)
    %mul3A_69 = arith.constant 40 : i32
    %mul3A_70 = arith.muli %arg0, %mul3A_69 : i32
    "tpu.region"() ({
      %run_scoped3A_71 = tpu.sem_alloc : memref<!tpu.dma_semaphore, #tpu.memory_space<semaphore_mem>>
      %dma_start3A_72 = tpu.memref_slice %arg5[%mul3A_3, %mul3A_70] : memref<10240x128xf32, #tpu.memory_space<hbm>> -> memref<640x40xf32, #tpu.memory_space<hbm>>
      %dma_start3A_73 = arith.constant 0 : i32
      %dma_start3A_74 = tpu.memref_slice %arg9[%mul3A_3, %dma_start3A_73] : memref<10240x40xf32, #tpu.memory_space<vmem_shared>> -> memref<640x40xf32, #tpu.memory_space<vmem_shared>>
      tpu.enqueue_dma source(%dma_start3A_74 : memref<640x40xf32, #tpu.memory_space<vmem_shared>>) target(%dma_start3A_72 : memref<640x40xf32, #tpu.memory_space<hbm>>) target_semaphore(%run_scoped3A_71 : memref<!tpu.dma_semaphore, #tpu.memory_space<semaphore_mem>>)
      %dma_wait3A = tpu.memref_slice %arg5[%mul3A_3, %mul3A_70] : memref<10240x128xf32, #tpu.memory_space<hbm>> -> memref<640x40xf32, #tpu.memory_space<hbm>>
      %dma_wait3A_75 = arith.constant 0 : i32
      %dma_wait3A_76 = tpu.memref_slice %arg9[%mul3A_3, %dma_wait3A_75] : memref<10240x40xf32, #tpu.memory_space<vmem_shared>> -> memref<640x40xf32, #tpu.memory_space<vmem_shared>>
      tpu.wait_dma2 semaphore(%run_scoped3A_71 : memref<!tpu.dma_semaphore, #tpu.memory_space<semaphore_mem>>) src(%dma_wait3A_76 : memref<640x40xf32, #tpu.memory_space<vmem_shared>>) dst(%dma_wait3A : memref<640x40xf32, #tpu.memory_space<hbm>>)
      tpu.yield
    }) : () -> ()
    return
  }
}

module attributes {stable_mosaic.version = 14 : i64} {
  func.func @_mm1_body(%arg0: i32, %arg1: memref<1280x128xf32, #tpu.memory_space<vmem>>, %arg2: memref<2x1280xf32, #tpu.memory_space<vmem>>, %arg3: memref<128x40xf32, #tpu.memory_space<vmem>>, %arg4: memref<1280x128xf32, #tpu.memory_space<vmem>>) attributes {dimension_semantics = [#tpu.dimension_semantics<arbitrary>], iteration_bounds = array<i64: 8>, scalar_prefetch = 0 : i64, scratch_operands = 0 : i64, tpu.core_type = #tpu.core_type<tc>, window_params = [{transform_indices = @transform_0, window_bounds = array<i64: 1280, 128>}, {transform_indices = @transform_1, window_bounds = array<i64: 2, 1280>}, {pipeline_mode = #tpu.pipeline_mode<synchronous>, transform_indices = @transform_2, window_bounds = array<i64: 128, 40>}, {transform_indices = @transform_3, window_bounds = array<i64: 1280, 128>}]} {
    %get3A = arith.constant 0 : index
    %get3A_0 = arith.constant 0 : index
    %get3A_1 = vector.load %arg1[%get3A, %get3A_0] : memref<1280x128xf32, #tpu.memory_space<vmem>>, vector<1280x128xf32>
    %get3A_2 = arith.constant 0 : index
    %get3A_3 = arith.constant 0 : index
    %get3A_4 = vector.load %arg2[%get3A_2, %get3A_3] : memref<2x1280xf32, #tpu.memory_space<vmem>>, vector<1x1280xf32>
    %get3A_5 = vector.shape_cast %get3A_4 : vector<1x1280xf32> to vector<1280xf32>
    %get3A_6 = arith.constant 1 : index
    %get3A_7 = arith.constant 0 : index
    %get3A_8 = vector.load %arg2[%get3A_6, %get3A_7] : memref<2x1280xf32, #tpu.memory_space<vmem>>, vector<1x1280xf32>
    %get3A_9 = vector.shape_cast %get3A_8 : vector<1x1280xf32> to vector<1280xf32>
    %add3A = arith.addf %get3A_5, %get3A_9 : vector<1280xf32>
    %add3A_10 = arith.constant 1.000000e+00 : f32
    %add3A_11 = vector.broadcast %add3A_10 : f32 to vector<1280xf32>
    %add3A_12 = arith.addf %add3A, %add3A_11 : vector<1280xf32>
    %rsqrt3A = math.rsqrt %add3A_12 : vector<1280xf32>
    %broadcast_in_dim3A = vector.shape_cast %rsqrt3A : vector<1280xf32> to vector<1280x1xf32>
    %mul3A = vector.broadcast %broadcast_in_dim3A : vector<1280x1xf32> to vector<1280x128xf32>
    %mul3A_13 = arith.mulf %get3A_1, %mul3A : vector<1280x128xf32>
    %get3A_14 = arith.constant 0 : index
    %get3A_15 = arith.constant 0 : index
    %get3A_16 = vector.load %arg3[%get3A_14, %get3A_15] : memref<128x40xf32, #tpu.memory_space<vmem>>, vector<128x40xf32>
    %dot_general3A = arith.constant dense<0.000000e+00> : vector<1280x40xf32>
    %dot_general3A_17 = tpu.matmul %mul3A_13, %get3A_16, %dot_general3A {dimension_numbers = #tpu.dot_dimension_numbers<[1], [0], [0], [1], [0, 0, 1, 1], [], []>, transpose_lhs_hint = false} : vector<1280x128xf32>, vector<128x40xf32>, vector<1280x40xf32> -> vector<1280x40xf32>
    %jit3A = arith.constant 0 : i32
    %convert_element_type3A = arith.sitofp %jit3A : i32 to f32
    %pad3A = vector.broadcast %convert_element_type3A : f32 to vector<1280x88xf32>
    %pad3A_18 = tpu.concatenate %dot_general3A_17, %pad3A in 1 : vector<1280x40xf32>, vector<1280x88xf32> -> vector<1280x128xf32>
    %swap3A = arith.constant 0 : index
    %swap3A_19 = arith.constant 0 : index
    %swap3A_20 = vector.load %arg4[%swap3A, %swap3A_19] : memref<1280x128xf32, #tpu.memory_space<vmem>>, vector<1280x128xf32>
    tpu.vector_store %arg4[%swap3A, %swap3A_19], %pad3A_18 {strides = array<i32>} : memref<1280x128xf32, #tpu.memory_space<vmem>>, vector<1280x128xf32>,
    return
  }
  func.func @transform_0(%arg0: i32) -> (i32, i32) {
    %c0_i32 = arith.constant 0 : i32
    %c0_i32_0 = arith.constant 0 : i32
    return %arg0, %c0_i32 : i32, i32
  }
  func.func @transform_1(%arg0: i32) -> (i32, i32) {
    %c0_i32 = arith.constant 0 : i32
    %c0_i32_0 = arith.constant 0 : i32
    return %c0_i32, %arg0 : i32, i32
  }
  func.func @transform_2(%arg0: i32) -> (i32, i32) {
    %c0_i32 = arith.constant 0 : i32
    %c0_i32_0 = arith.constant 0 : i32
    %c0_i32_1 = arith.constant 0 : i32
    return %c0_i32, %c0_i32_0 : i32, i32
  }
  func.func @transform_3(%arg0: i32) -> (i32, i32) {
    %c0_i32 = arith.constant 0 : i32
    %c0_i32_0 = arith.constant 0 : i32
    return %arg0, %c0_i32 : i32, i32
  }
}

module attributes {stable_mosaic.version = 14 : i64} {
  func.func @_dense2_body(%arg0: i32, %arg1: memref<1280x128xf32, #tpu.memory_space<vmem>>, %arg2: memref<1280x128xf32, #tpu.memory_space<vmem>>, %arg3: memref<2x1280xf32, #tpu.memory_space<vmem>>, %arg4: memref<40xf32, #tpu.memory_space<vmem>>, %arg5: memref<40x7xf32, #tpu.memory_space<vmem>>, %arg6: memref<1280x128xf32, #tpu.memory_space<vmem>>) attributes {dimension_semantics = [#tpu.dimension_semantics<arbitrary>], iteration_bounds = array<i64: 8>, scalar_prefetch = 0 : i64, scratch_operands = 0 : i64, tpu.core_type = #tpu.core_type<tc>, window_params = [{transform_indices = @transform_0, window_bounds = array<i64: 1280, 128>}, {transform_indices = @transform_1, window_bounds = array<i64: 1280, 128>}, {transform_indices = @transform_2, window_bounds = array<i64: 2, 1280>}, {pipeline_mode = #tpu.pipeline_mode<synchronous>, transform_indices = @transform_3, window_bounds = array<i64: 40>}, {pipeline_mode = #tpu.pipeline_mode<synchronous>, transform_indices = @transform_4, window_bounds = array<i64: 40, 7>}, {transform_indices = @transform_5, window_bounds = array<i64: 1280, 128>}]} {
    %get3A = arith.constant 0 : index
    %get3A_0 = arith.constant 0 : index
    %get3A_1 = vector.load %arg3[%get3A, %get3A_0] : memref<2x1280xf32, #tpu.memory_space<vmem>>, vector<1x1280xf32>
    %get3A_2 = vector.shape_cast %get3A_1 : vector<1x1280xf32> to vector<1280xf32>
    %get3A_3 = arith.constant 1 : index
    %get3A_4 = arith.constant 0 : index
    %get3A_5 = vector.load %arg3[%get3A_3, %get3A_4] : memref<2x1280xf32, #tpu.memory_space<vmem>>, vector<1x1280xf32>
    %get3A_6 = vector.shape_cast %get3A_5 : vector<1x1280xf32> to vector<1280xf32>
    %add3A = arith.addf %get3A_2, %get3A_6 : vector<1280xf32>
    %add3A_7 = arith.constant 1.000000e+00 : f32
    %add3A_8 = vector.broadcast %add3A_7 : f32 to vector<1280xf32>
    %add3A_9 = arith.addf %add3A, %add3A_8 : vector<1280xf32>
    %rsqrt3A = math.rsqrt %add3A_9 : vector<1280xf32>
    %broadcast_in_dim3A = vector.shape_cast %rsqrt3A : vector<1280xf32> to vector<1280x1xf32>
    %get3A_10 = arith.constant 0 : index
    %get3A_11 = arith.constant 0 : index
    %get3A_12 = vector.load %arg1[%get3A_10, %get3A_11] : memref<1280x128xf32, #tpu.memory_space<vmem>>, vector<1280x40xf32>
    %get3A_13 = arith.constant 0 : index
    %get3A_14 = arith.constant 40 : index
    %get3A_15 = vector.load %arg1[%get3A_13, %get3A_14] : memref<1280x128xf32, #tpu.memory_space<vmem>>, vector<1280x40xf32>
    %add3A_16 = arith.addf %get3A_12, %get3A_15 : vector<1280x40xf32>
    %get3A_17 = arith.constant 0 : index
    %get3A_18 = arith.constant 0 : index
    %get3A_19 = vector.load %arg2[%get3A_17, %get3A_18] : memref<1280x128xf32, #tpu.memory_space<vmem>>, vector<1280x40xf32>
    %add3A_20 = arith.addf %add3A_16, %get3A_19 : vector<1280x40xf32>
    %mul3A = vector.broadcast %broadcast_in_dim3A : vector<1280x1xf32> to vector<1280x40xf32>
    %mul3A_21 = arith.mulf %mul3A, %add3A_20 : vector<1280x40xf32>
    %get3A_22 = arith.constant 0 : index
    %get3A_23 = vector.load %arg4[%get3A_22] : memref<40xf32, #tpu.memory_space<vmem>>, vector<40xf32>
    %broadcast_in_dim3A_24 = vector.shape_cast %get3A_23 : vector<40xf32> to vector<1x40xf32>
    %add3A_25 = vector.broadcast %broadcast_in_dim3A_24 : vector<1x40xf32> to vector<1280x40xf32>
    %add3A_26 = arith.addf %mul3A_21, %add3A_25 : vector<1280x40xf32>
    %max3A = arith.constant 0.000000e+00 : f32
    %max3A_27 = vector.broadcast %max3A : f32 to vector<1280x40xf32>
    %max3A_28 = arith.maximumf %add3A_26, %max3A_27 : vector<1280x40xf32>
    %get3A_29 = arith.constant 0 : index
    %get3A_30 = arith.constant 0 : index
    %get3A_31 = vector.load %arg5[%get3A_29, %get3A_30] : memref<40x7xf32, #tpu.memory_space<vmem>>, vector<40x7xf32>
    %dot_general3A = arith.constant dense<0.000000e+00> : vector<1280x7xf32>
    %dot_general3A_32 = tpu.matmul %max3A_28, %get3A_31, %dot_general3A {dimension_numbers = #tpu.dot_dimension_numbers<[1], [0], [0], [1], [0, 0, 1, 1], [], []>, transpose_lhs_hint = false} : vector<1280x40xf32>, vector<40x7xf32>, vector<1280x7xf32> -> vector<1280x7xf32>
    %mul3A_33 = vector.broadcast %broadcast_in_dim3A : vector<1280x1xf32> to vector<1280x7xf32>
    %mul3A_34 = arith.mulf %dot_general3A_32, %mul3A_33 : vector<1280x7xf32>
    %jit3A = arith.constant 0 : i32
    %convert_element_type3A = arith.sitofp %jit3A : i32 to f32
    %pad3A = vector.broadcast %convert_element_type3A : f32 to vector<1280x121xf32>
    %pad3A_35 = tpu.concatenate %mul3A_34, %pad3A in 1 : vector<1280x7xf32>, vector<1280x121xf32> -> vector<1280x128xf32>
    %swap3A = arith.constant 0 : index
    %swap3A_36 = arith.constant 0 : index
    %swap3A_37 = vector.load %arg6[%swap3A, %swap3A_36] : memref<1280x128xf32, #tpu.memory_space<vmem>>, vector<1280x128xf32>
    tpu.vector_store %arg6[%swap3A, %swap3A_36], %pad3A_35 {strides = array<i32>} : memref<1280x128xf32, #tpu.memory_space<vmem>>, vector<1280x128xf32>,
    return
  }
  func.func @transform_0(%arg0: i32) -> (i32, i32) {
    %c0_i32 = arith.constant 0 : i32
    %c0_i32_0 = arith.constant 0 : i32
    return %arg0, %c0_i32 : i32, i32
  }
  func.func @transform_1(%arg0: i32) -> (i32, i32) {
    %c0_i32 = arith.constant 0 : i32
    %c0_i32_0 = arith.constant 0 : i32
    return %arg0, %c0_i32 : i32, i32
  }
  func.func @transform_2(%arg0: i32) -> (i32, i32) {
    %c0_i32 = arith.constant 0 : i32
    %c0_i32_0 = arith.constant 0 : i32
    return %c0_i32, %arg0 : i32, i32
  }
  func.func @transform_3(%arg0: i32) -> i32 {
    %c0_i32 = arith.constant 0 : i32
    %c0_i32_0 = arith.constant 0 : i32
    return %c0_i32 : i32
  }
  func.func @transform_4(%arg0: i32) -> (i32, i32) {
    %c0_i32 = arith.constant 0 : i32
    %c0_i32_0 = arith.constant 0 : i32
    %c0_i32_1 = arith.constant 0 : i32
    return %c0_i32, %c0_i32_0 : i32, i32
  }
  func.func @transform_5(%arg0: i32) -> (i32, i32) {
    %c0_i32 = arith.constant 0 : i32
    %c0_i32_0 = arith.constant 0 : i32
    return %arg0, %c0_i32 : i32, i32
  }
}

module attributes {stable_mosaic.version = 14 : i64} {
  func.func @_final_body(%arg0: i32, %arg1: memref<1280x128xf32, #tpu.memory_space<vmem>>, %arg2: memref<1280x128xf32, #tpu.memory_space<vmem>>, %arg3: memref<2x1280xf32, #tpu.memory_space<vmem>>, %arg4: memref<7xf32, #tpu.memory_space<vmem>>, %arg5: memref<1280x7xf32, #tpu.memory_space<vmem>>) attributes {dimension_semantics = [#tpu.dimension_semantics<arbitrary>], iteration_bounds = array<i64: 8>, scalar_prefetch = 0 : i64, scratch_operands = 0 : i64, tpu.core_type = #tpu.core_type<tc>, window_params = [{transform_indices = @transform_0, window_bounds = array<i64: 1280, 128>}, {transform_indices = @transform_1, window_bounds = array<i64: 1280, 128>}, {transform_indices = @transform_2, window_bounds = array<i64: 2, 1280>}, {pipeline_mode = #tpu.pipeline_mode<synchronous>, transform_indices = @transform_3, window_bounds = array<i64: 7>}, {transform_indices = @transform_4, window_bounds = array<i64: 1280, 7>}]} {
    %get3A = arith.constant 0 : index
    %get3A_0 = arith.constant 0 : index
    %get3A_1 = vector.load %arg1[%get3A, %get3A_0] : memref<1280x128xf32, #tpu.memory_space<vmem>>, vector<1280x8xf32>
    %get3A_2 = arith.constant 0 : index
    %get3A_3 = arith.constant 8 : index
    %get3A_4 = vector.load %arg1[%get3A_2, %get3A_3] : memref<1280x128xf32, #tpu.memory_space<vmem>>, vector<1280x8xf32>
    %add3A = arith.addf %get3A_1, %get3A_4 : vector<1280x8xf32>
    %get3A_5 = arith.constant 0 : index
    %get3A_6 = arith.constant 0 : index
    %get3A_7 = vector.load %arg3[%get3A_5, %get3A_6] : memref<2x1280xf32, #tpu.memory_space<vmem>>, vector<1x1280xf32>
    %get3A_8 = vector.shape_cast %get3A_7 : vector<1x1280xf32> to vector<1280xf32>
    %get3A_9 = arith.constant 1 : index
    %get3A_10 = arith.constant 0 : index
    %get3A_11 = vector.load %arg3[%get3A_9, %get3A_10] : memref<2x1280xf32, #tpu.memory_space<vmem>>, vector<1x1280xf32>
    %get3A_12 = vector.shape_cast %get3A_11 : vector<1x1280xf32> to vector<1280xf32>
    %add3A_13 = arith.addf %get3A_8, %get3A_12 : vector<1280xf32>
    %add3A_14 = arith.constant 1.000000e+00 : f32
    %add3A_15 = vector.broadcast %add3A_14 : f32 to vector<1280xf32>
    %add3A_16 = arith.addf %add3A_13, %add3A_15 : vector<1280xf32>
    %rsqrt3A = math.rsqrt %add3A_16 : vector<1280xf32>
    %broadcast_in_dim3A = vector.shape_cast %rsqrt3A : vector<1280xf32> to vector<1280x1xf32>
    %get3A_17 = arith.constant 0 : index
    %get3A_18 = arith.constant 0 : index
    %get3A_19 = vector.load %arg2[%get3A_17, %get3A_18] : memref<1280x128xf32, #tpu.memory_space<vmem>>, vector<1280x8xf32>
    %add3A_20 = arith.addf %add3A, %get3A_19 : vector<1280x8xf32>
    %mul3A = vector.broadcast %broadcast_in_dim3A : vector<1280x1xf32> to vector<1280x8xf32>
    %mul3A_21 = arith.mulf %mul3A, %add3A_20 : vector<1280x8xf32>
    %slice3A = vector.extract_strided_slice %mul3A_21 {offsets = [0, 0], sizes = [1280, 7], strides = [1, 1]} : vector<1280x8xf32> to vector<1280x7xf32>
    %get3A_22 = arith.constant 0 : index
    %get3A_23 = vector.load %arg4[%get3A_22] : memref<7xf32, #tpu.memory_space<vmem>>, vector<7xf32>
    %broadcast_in_dim3A_24 = vector.shape_cast %get3A_23 : vector<7xf32> to vector<1x7xf32>
    %add3A_25 = vector.broadcast %broadcast_in_dim3A_24 : vector<1x7xf32> to vector<1280x7xf32>
    %add3A_26 = arith.addf %slice3A, %add3A_25 : vector<1280x7xf32>
    %reduce_max3A = arith.constant dense<0xFF800000> : vector<1280xf32>
    %reduce_max3A_27 = vector.multi_reduction <maximumf>, %add3A_26, %reduce_max3A [1] : vector<1280x7xf32> to vector<1280xf32>
    %broadcast_in_dim3A_28 = vector.shape_cast %reduce_max3A_27 : vector<1280xf32> to vector<1280x1xf32>
    %sub3A = vector.broadcast %broadcast_in_dim3A_28 : vector<1280x1xf32> to vector<1280x7xf32>
    %sub3A_29 = arith.subf %add3A_26, %sub3A : vector<1280x7xf32>
    %exp3A = math.exp %sub3A_29 : vector<1280x7xf32>
    %reduce_sum3A = arith.constant dense<0.000000e+00> : vector<1280xf32>
    %reduce_sum3A_30 = vector.multi_reduction <add>, %exp3A, %reduce_sum3A [1] : vector<1280x7xf32> to vector<1280xf32>
    %broadcast_in_dim3A_31 = vector.shape_cast %reduce_sum3A_30 : vector<1280xf32> to vector<1280x1xf32>
    %log3A = math.log %broadcast_in_dim3A_31 : vector<1280x1xf32>
    %add3A_32 = arith.addf %log3A, %broadcast_in_dim3A_28 : vector<1280x1xf32>
    %sub3A_33 = vector.broadcast %add3A_32 : vector<1280x1xf32> to vector<1280x7xf32>
    %sub3A_34 = arith.subf %add3A_26, %sub3A_33 : vector<1280x7xf32>
    %swap3A = arith.constant 0 : index
    %swap3A_35 = arith.constant 0 : index
    %swap3A_36 = vector.load %arg5[%swap3A, %swap3A_35] : memref<1280x7xf32, #tpu.memory_space<vmem>>, vector<1280x7xf32>
    tpu.vector_store %arg5[%swap3A, %swap3A_35], %sub3A_34 {strides = array<i32>} : memref<1280x7xf32, #tpu.memory_space<vmem>>, vector<1280x7xf32>,
    return
  }
  func.func @transform_0(%arg0: i32) -> (i32, i32) {
    %c0_i32 = arith.constant 0 : i32
    %c0_i32_0 = arith.constant 0 : i32
    return %arg0, %c0_i32 : i32, i32
  }
  func.func @transform_1(%arg0: i32) -> (i32, i32) {
    %c0_i32 = arith.constant 0 : i32
    %c0_i32_0 = arith.constant 0 : i32
    return %arg0, %c0_i32 : i32, i32
  }
  func.func @transform_2(%arg0: i32) -> (i32, i32) {
    %c0_i32 = arith.constant 0 : i32
    %c0_i32_0 = arith.constant 0 : i32
    return %c0_i32, %arg0 : i32, i32
  }
  func.func @transform_3(%arg0: i32) -> i32 {
    %c0_i32 = arith.constant 0 : i32
    %c0_i32_0 = arith.constant 0 : i32
    return %c0_i32 : i32
  }
  func.func @transform_4(%arg0: i32) -> (i32, i32) {
    %c0_i32 = arith.constant 0 : i32
    %c0_i32_0 = arith.constant 0 : i32
    return %arg0, %c0_i32 : i32, i32
  }
}

</mosaic_0001>

<sc_bundles>
// kernel: kernel.11.cloned.1.call-start
scs
__scs_entry_jumppad:
0x0: {  	(pc) =	sbr.rel $0x88, $3  }
0x1: {  	(tag) =	ssettag $0x0;
	lr =	simm.s32 $0x1  }
0x2: {  	[smem:$0x3F9B] =	sst lr;
	_ =	strace $0xD0000000  }
0x3: {  	_ = 	snop  }
0x4: {  	_ = 	snop  }
0x5: {  	_ = 	snop  }
0x6: {  	_ = 	snop  }
0x7: {  	_ = 	snop  }
__scs_overlays_trampoline_lowered:
0x8: {  	[smem:$0x3FAA] =	sst s0  }
0x9: {  	[smem:$0x3FAB] =	sst s1  }
0xa: {  	[smem:$0x3FAC] =	sst s2  }
0xb: {  	[smem:$0x3FAD] =	sst s3  }
0xc: {  	[smem:$0x3FAE] =	sst s4  }
0xd: {  	[smem:$0x3FAF] =	sst s5  }
0xe: {  	[smem:$0x3FB0] =	sst s6  }
0xf: {  	[smem:$0x3FB1] =	sst s7  }
0x10: {  	[smem:$0x3FB2] =	sst s8  }
0x11: {  	[smem:$0x3FB3] =	sst s9;
	s0 =	simm.s32 @!p0 $0x0  }
0x12: {  	s1 =	sld [smem:$0x3F99];
	s0 =	simm.s32 @p0 $0x1  }
0x13: {  	[smem:$0x3FB4] =	sst s0;
	s0 =	simm.s32 @!p1 $0x0  }
0x14: {  	s2 =	sld [smem:$0x3F98];
	s0 =	simm.s32 @p1 $0x1  }
0x15: {  	[smem:$0x3FB5] =	sst s0;
	s0 =	simm.s32 @!p2 $0x0  }
0x16: {  	s3 =	sld [smem:$0x3FDB];
	s0 =	simm.s32 @p2 $0x1  }
0x17: {  	s4 =	simm.s32 $0x1BF5;
	[smem:$0x3FB7] =	sst s0  }
0x18: {  	s0 =	sld [smem:$0x3F9A];
	_ =	swait.ge [sflag:s4], $0x0  }
0x19: {  	s7 =	sld [smem:$0x3F9B]  }
0x1a: {  	s8 =	sadd.s32 $0xFFFFE003, lr  }
0x1b: {  	s9 =	sadd.s32 $0xFFFFFEF7, lr;
	s5 =	simm.s32 $0xFFFFFFFF;
	p2 =	slt.u32 s8, $0xFFFFF086  }
0x1c: {  	p1 =	slt.u32 s9, $0xF7A;
	s5 =	simm.s32 @!p2 $0x0  }
0x1d: {  	s5 =	simm.s32 @p1 $0x1;
	p0 =	seq.s32 s7, s2  }
0x1e: {  	s7 =	smul.u32 @!p0 $0xF7A, s2;
	p2 =	seq.s32 @!p0 s5, $0x0  }
0x1f: {  	s9 =	smul.u32 $0xF7A, s1;
	s8 =	simm.s32 @!p0 $0x1BF5;
	p2 =	por !p2, p0  }
0x20: {  	[sflag:s8] =	ssyncset.s32 @!p0 $0xFFFFF086;
	s6 =	sadd.s32 @!p0 s3, s7;
	s7 =	simm.s32 @!p0 $0x108  }
0x21: {  	s3 =	sadd.s32 s3, s9;
	s6 =	sadd.s32 @!p0 $0x88, s6;
	s7 =	simm.s32 @p2 $0x1082  }
0x22: {  	[simem:s7], [sflag:s8] =	dma.local @!p0 [hbm:s6], $0xF7A  }
0x23: {  	s9 =	sor.u32 $0xD0000000, s2;
	s6 =	simm.s32 $0x108;
	_ =	swait.ge @!p0 [sflag:s8], $0x0  }
0x24: {  	s3 =	sadd.s32 $0x88, s3;
	s6 =	simm.s32 @!p1 $0x1082;
	[sflag:s4] =	ssyncset.s32 $0xFFFFF086  }
0x25: {  	[simem:s6], [sflag:s4] =	dma.local [hbm:s3], $0xF7A  }
0x26: {  	[smem:$0x3F9B] =	sst s1;
	(tag) =	ssettag s2;
	_ =	strace s9  }
0x27: {  	s1 =	sld [smem:$0x3FAB]  }
0x28: {  	s2 =	sld [smem:$0x3FAC]  }
0x29: {  	s4 =	sld [smem:$0x3FAE]  }
0x2a: {  	p0 =	seq.s32 s5, $0x0;
	s5 =	sld [smem:$0x3FAF]  }
0x2b: {  	s6 =	sld [smem:$0x3FB0]  }
0x2c: {  	s7 =	sld [smem:$0x3FB1]  }
0x2d: {  	s3 =	simm.s32 $0x108;
	s8 =	sld [smem:$0x3FB2]  }
0x2e: {  	s3 =	simm.s32 @!p0 $0x1082;
	s9 =	sld [smem:$0x3FB3]  }
0x2f: {  	lr =	sadd.s32 s0, s3;
	s0 =	sld [smem:$0x3FAA]  }
0x30: {  	s3 =	sld [smem:$0x3FAD]  }
0x31: {  	[smem:$0x3FB6] =	sst s10  }
0x32: {  	s10 =	sld [smem:$0x3FB4];
	_ =	sdelay $0x3  }
0x33: {  	p0 =	seq.s32 s10, $0x1;
	s10 =	sld [smem:$0x3FB6];
	_ =	sdelay $0x3  }
0x34: {  	[smem:$0x3FB6] =	sst s10  }
0x35: {  	s10 =	sld [smem:$0x3FB5];
	_ =	sdelay $0x3  }
0x36: {  	p1 =	seq.s32 s10, $0x1;
	s10 =	sld [smem:$0x3FB6];
	_ =	sdelay $0x3  }
0x37: {  	[smem:$0x3FB6] =	sst s10  }
0x38: {  	s10 =	sld [smem:$0x3FB7]  }
0x39: {  	_ = 	snop;
	(pc) =	sbr.ind lr, $3  }
0x3a: {  	_ = 	snop  }
0x3b: {  	_ = 	snop  }
0x3c: {  	p2 =	seq.s32 s10, $0x1;
	s10 =	sld [smem:$0x3FB6]  }
0x3d: {  	_ =	shalt  }
0x3e: {  	_ =	shalt  }
0x3f: {  	_ =	shalt  }
0x40: {  	_ =	shalt  }
0x41: {  	_ =	shalt  }
0x42: {  	_ =	shalt  }
0x43: {  	_ =	shalt  }
0x44: {  	_ =	shalt  }
0x45: {  	_ =	shalt  }
0x46: {  	_ =	shalt  }
0x47: {  	_ =	shalt  }
0x48: {  	_ =	shalt  }
0x49: {  	_ =	shalt  }
0x4a: {  	_ =	shalt  }
0x4b: {  	_ =	shalt  }
0x4c: {  	_ =	shalt  }
0x4d: {  	_ =	shalt  }
0x4e: {  	_ =	shalt  }
0x4f: {  	_ =	shalt  }
0x50: {  	_ =	shalt  }
0x51: {  	_ =	shalt  }
0x52: {  	_ =	shalt  }
0x53: {  	_ =	shalt  }
0x54: {  	_ =	shalt  }
0x55: {  	_ =	shalt  }
0x56: {  	_ =	shalt  }
0x57: {  	_ =	shalt  }
0x58: {  	_ =	shalt  }
0x59: {  	_ =	shalt  }
0x5a: {  	_ =	shalt  }
0x5b: {  	_ =	shalt  }
0x5c: {  	_ =	shalt  }
0x5d: {  	_ =	shalt  }
0x5e: {  	_ =	shalt  }
0x5f: {  	_ =	shalt  }
0x60: {  	_ =	shalt  }
0x61: {  	_ =	shalt  }
0x62: {  	_ =	shalt  }
0x63: {  	_ =	shalt  }
0x64: {  	_ =	shalt  }
0x65: {  	_ =	shalt  }
0x66: {  	_ =	shalt  }
0x67: {  	_ =	shalt  }
0x68: {  	_ =	shalt  }
0x69: {  	_ =	shalt  }
0x6a: {  	_ =	shalt  }
0x6b: {  	_ =	shalt  }
0x6c: {  	_ =	shalt  }
0x6d: {  	_ =	shalt  }
0x6e: {  	_ =	shalt  }
0x6f: {  	_ =	shalt  }
0x70: {  	_ =	shalt  }
0x71: {  	_ =	shalt  }
0x72: {  	_ =	shalt  }
0x73: {  	_ =	shalt  }
0x74: {  	_ =	shalt  }
0x75: {  	_ =	shalt  }
0x76: {  	_ =	shalt  }
0x77: {  	_ =	shalt  }
0x78: {  	_ =	shalt  }
0x79: {  	_ =	shalt  }
0x7a: {  	_ =	shalt  }
0x7b: {  	_ =	shalt  }
0x7c: {  	_ =	shalt  }
0x7d: {  	_ =	shalt  }
0x7e: {  	_ =	shalt  }
0x7f: {  	_ =	shalt  }
0x80: {  	_ =	shalt  }
0x81: {  	_ =	shalt  }
0x82: {  	_ =	shalt  }
0x83: {  	_ =	shalt  }
0x84: {  	_ =	shalt  }
0x85: {  	_ =	shalt  }
0x86: {  	_ =	shalt  }
0x87: {  	_ =	shalt  }
.Lfunc_end0:
.L_simem_size_0:
called_computation.1_lowered:
.L_overlay_start_0:
0x88: {  	s2 =	sld [smem:$0x3FD9]  }
0x89: {  	s3 =	sld [smem:$0x3FFE];
	_ =	sdelay $0x1  }
0x8a: {  	s1 =	srdreg.scid  }
0x8b: {  	s0 =	sand.u32 $0x1, s1  }
0x8c: {  	s16 =	sshll.u32 s0, $0xA;
	s2 =	sadd.s32 s3, s2  }
0x8d: {  	s2 =	sadd.s32 s2, s16  }
0x8e: {  	[smem:$0x3FC2] =	sst s2  }
0x8f: {  	_ = 	snop  }
0x90: {  	(tm) =	ssettm $0x1  }
0x91: {  	s17 =	sld [smem:$0x3FFB];
	_ =	sdelay $0x3  }
0x92: {  	_ =	strace s17  }
0x93: {  	s2 =	sld [smem:$0x3FFC];
	_ =	sdelay $0x3  }
0x94: {  	_ =	strace s2  }
0x95: {  	s2 =	sld [smem:$0x3FFD];
	_ =	sdelay $0x3  }
0x96: {  	_ =	strace s2  }
0x97: {  	_ =	strace $0x8FFFFFFF  }
0x98: {  	s18 =	sld [smem:$0x3FDB];
	_ =	sdelay $0x1  }
0x99: {  	s19 =	simm.s32 $_scs_section_size  }
0x9a: {  	s4 =	simm.s32 $_size__tile_overlayer_lowered;
	s5 =	simm.s32 $_tile_overlayer_lowered  }
0x9b: {  	s22 =	simm.s32 $0x1BFF;
	s21 =	sshll.u32 s5, $0x1;
	s2 =	sadd.s32 s19, s18  }
0x9c: {  	s6 =	simm.s32 $0x0;
	s20 =	sshll.u32 s4, $0x1;
	s4 =	sadd.s32 s21, s2  }
0x9d: {  	[timem:s6], [sflag:s22] =	dma.local [hbm:s4], s20  }
0x9e: {  	_ =	swait.ge [sflag:s22], s20  }
0x9f: {  	s3 =	ssub.s32 $0x0, s20;
	[sflag:s22] =	ssyncset.done $0x0  }
0xa0: {  	[sflag:s22] =	ssyncadd.s32 s3;
	_ =	sdelay $0x1  }
0xa1: {  	s23 =	simm.s32 $0x1B8B  }
0xa2: {  	_ =	swait.ge [sflag:s23], $0x1  }
0xa3: {  	[sflag:s23] =	ssyncset.done $0x0  }
0xa4: {  	s25 =	simm.s32 $0x1B8E;
	s24 =	sld [smem:$0x3FFE];
	[sflag:s23] =	ssyncadd.s32 $0xFFFFFFFF  }
0xa5: {  	s26 =	simm.s32 $execute0_lowered;
	[smem:$0x3FD2] =	sst s25  }
0xa6: {  	s4 =	sshll.u32 s26, $0x1;
	_ =	strace $0x80000049;
	[dreg:$0x1] =	wrdreg $0xFFFFFFFF  }
0xa7: {  	s28 =	simm.s32 $_size_execute0_lowered;
	s2 =	sadd.s32 s2, s4;
	[dreg:$0x0] =	wrdreg $0x0  }
0xa8: {  	s4 =	sshll.u32 s28, $0x1;
	[dreg:$0x2] =	wrdreg s2  }
0xa9: {  	[dreg:$0x3] =	wrdreg s4  }
0xaa: {  	[dreg:$0x4] =	wrdreg $0xC0  }
0xab: {  	_ =	task [dreg:s6], $0x5FFFF  }
0xac: {  	[dreg:$0x1] =	wrdreg $0xFFFFFFFF  }
0xad: {  	[dreg:$0x0] =	wrdreg $0x60  }
0xae: {  	[dreg:$0x2] =	wrdreg s24  }
0xaf: {  	[dreg:$0x3] =	wrdreg $0xA0000  }
0xb0: {  	[dreg:$0x4] =	wrdreg $0x104000  }
0xb1: {  	[dreg:$0x5] =	wrdreg $0x9  }
0xb2: {  	_ =	task.clear_ibuf [dreg:s6], $0x6FFFF;
	_ =	strace $0x90000049  }
0xb3: {  	s29 =	simm.s32 $0x9;
	_ =	strace $0x8000004B  }
0xb4: {  	_ =	swait.ge [sflag:s29], $0x1  }
0xb5: {  	[sflag:s29] =	ssyncadd.s32 $0xFFFFFFFF  }
0xb6: {  	_ =	strace $0x9000004B  }
0xb7: {  	_ =	sfence  }
0xb8: {  	s30 =	sld [smem:$0x0];
	_ =	sdelay $0x2  }
0xb9: {  	s31 =	sshll.u32 s1, $0xD;
	s1 =	sshrl.u32 s1, $0x2  }
0xba: {  	s3 =	sand.u32 $0x4000, s31;
	s1 =	sadd.s32 s1, s30  }
0xbb: {  	s0 =	sor.u32 s3, s0;
	s1 =	sshll.u32 s1, $0x11  }
0xbc: {  	s0 =	sor.u32 s1, s0  }
0xbd: {  	s0 =	sadd.s32 $0x8F2B, s0  }
0xbe: {  	[sflag:s0] =	ssyncadd.remote.s32 $0x1  }
0xbf: {  	_ =	sfence.sel $0xFFFF  }
0xc0: {  	[dreg:$0x0] =	wrdreg $0xFFFFFFFF;
	(pc) =	sbr.abs _section_cstart, $3  }
0xc1: {  	[dreg:$0x1] =	wrdreg $0xFFFFFFFF  }
0xc2: {  	_ =	task.clear_ibuf [dreg:s6], $0x2FFFF;
	_ =	strace $0x9FFFFFFF  }
0xc3: {  	(tm) =	ssettm $0x7FFFFFFF  }
tec
execute0_lowered:
.L_overlay_start_1:
0x0: {  	(tag) =	ssettag $0x1  }
0x1: {  	s0 =	srdreg.scid;
	s1 =	rddreg [dreg:$0x0]  }
0x2: {  	s13 =	stileid.u32;
	s2 =	rddreg [dreg:$0x1]  }
0x3: {  	s16 =	simm.s32 $0x1;
	s17 =	simm.s32 $0x10;
	s18 =	simm.s32 $0x80  }
0x4: {  	s19 =	simm.s32 $0x5000;
	s20 =	simm.s32 $0x6400;
	s28 =	simm.s32 $0x4  }
0x5: {  	s29 =	simm.s32 $0x4E00;
	s30 =	simm.s32 $0x4E80;
	s6 =	smul.u32 $0x14000, s13  }
0x6: {  	s31 =	simm.s32 $0x4F00;
	s0 =	sand.u32 $0x1, s0;
	s8 =	smul.u32 $0x6400, s13  }
0x7: {  	s26 =	sshll.u32 s13, $0x6;
	s3 =	sshll.u32 s0, $0x4;
	s9 =	smul.u32 $0x28, s0  }
0x8: {  	s0 =	ssub.s32 $0x2, s0;
	s4 =	sor.u32 s13, s3;
	s3 =	rddreg [dreg:$0x2]  }
0x9: {  	s7 =	sshrl.u32 s6, $0x3;
	s22 =	sshrl.u32 s8, $0x3;
	s25 =	sshrl.u32 s0, $0x1  }
0xa: {  	s12 =	sadd.s32 s8, s2;
	s13 =	sor.u32 $0x1C05, s26;
	s26 =	simm.s32 $0x3  }
0xb: {  	s5 =	smul.u32 $0x2800, s4;
	s4 =	simm.s32 $0x0;
	s11 =	sadd.s32 s7, s1  }
0xc: {  	s6 =	sor.u32 s9, s6;
	s23 =	sadd.s32 s22, s1;
	s0 =	ssub.s32 s0, s25  }
0xd: {  	s15 =	sadd.s32 s8, s3;
	s14 =	sshrl.u32 s12, $0x3;
	s22 =	simm.s32 $0x7800  }
0xe: {  	s25 =	simm.s32 $0x2;
	[smem:$0x7FF] =	sst s4;
	s24 =	sshrl.u32 s6, $0x3  }
0xf: {  	s7 =	sadd.s32 $0x3EE00, s23;
	s8 =	sadd.s32 $0x16E00, s11;
	s11 =	simm.s32 $0x5  }
0x10: {  	s15 =	sshrl.u32 s15, $0x3;
	s5 =	sshrl.u32 s5, $0x3;
	_ =	strace $0x8000004A  }
0x11: {  	s10 =	sadd.s32 s5, s1;
	s1 =	sadd.s32 s24, s1;
	s24 =	simm.s32 $0x8C00  }
0x12: {  	s5 =	sadd.s32 $0x2E00, s10;
	s6 =	sadd.s32 $0xCE00, s10;
	s9 =	sadd.s32 $0x4B600, s1  }
0x13: {  	s10 =	smax.u32 s0, $0x1;
	s1 =	simm.s32 $0x4F80;
	s0 =	simm.s32 $0x0  }
.LBB2_1:
0x14: {  	[tilespmem:s4], [sflag:$0x5] =	stream.linear.gather [hbm4b:s5+s4], $0x2800, $0x38;
	[tilespmem:$0x16800] =	vst v63  }
0x15: {  	_ =	swait.ge [sflag:s11], $0x2800  }
0x16: {  	[sflag:s11] =	ssyncset.done $0x0  }
0x17: {  	s12 =	simm.s32 $0x2800;
	[sflag:s11] =	ssyncadd.s32 $0xFFFFD800  }
0x18: {  	[tilespmem:s12], [sflag:$0x5] =	stream.linear.gather [hbm4b:s6+s4], $0x2800, $0x38;
	[tilespmem:$0x16800] =	vst v63  }
0x19: {  	_ =	swait.ge [sflag:s11], $0x2800  }
0x1a: {  	[sflag:s11] =	ssyncset.done $0x0  }
0x1b: {  	[sflag:s11] =	ssyncadd.s32 $0xFFFFD800  }
0x1c: {  	[spmem:s14], [sflag:s13] =	dma.local [hbm:s7], $0xC80  }
0x1d: {  	_ =	swait.ge [sflag:s11], $0xC80  }
0x1e: {  	[sflag:s11] =	ssyncset.done $0x0  }
0x1f: {  	[sflag:s11] =	ssyncadd.s32 $0xFFFFF380  }
0x20: {  	[spmem:s15@s11], [sflag:s13] =	dma.strided [hbm:s8@s17], $0xC80, s16, $0x5   }
0x21: {  	_ =	swait.ge [sflag:s11], $0xC80  }
0x22: {  	[sflag:s11] =	ssyncset.done $0x0  }
0x23: {  	[sflag:s11] =	ssyncadd.s32 $0xFFFFF380  }
0x24: {  	[bflag:$0x0] =	sbarrier.arrive $0xFFFF  }
0x25: {  	[tilespmem:s19], [sflag:$0x1] =	stream.indirect.gather [spmem:s3], $0x28, s4, s18, $0xb8;
	[tilespmem:$0x16800] =	vst v63  }
0x26: {  	_ = 	snop  }
0x27: {  	[tilespmem:s20], [sflag:$0x2] =	stream.indirect.gather [spmem:s3], $0x28, s18, s18, $0xb8;
	[tilespmem:$0x16800] =	vst v63  }
0x28: {  	s23 =	simm.s32 $0x100  }
0x29: {  	[tilespmem:s22], [sflag:$0x3] =	stream.indirect.gather [spmem:s3], $0x28, s23, s18, $0xb8;
	[tilespmem:$0x16800] =	vst v63  }
0x2a: {  	s21 =	simm.s32 $0x180  }
0x2b: {  	[tilespmem:s24], [sflag:$0x4] =	stream.indirect.gather [spmem:s3], $0x28, s21, s18, $0xb8;
	[tilespmem:$0x16800] =	vst v63  }
0x2c: {  	_ =	swait.ge [sflag:s16], $0x1400  }
0x2d: {  	[sflag:s16] =	ssyncset.done $0x0  }
0x2e: {  	s23 =	simm.s32 $0x2800;
	[sflag:s16] =	ssyncadd.s32 $0xFFFFEC00  }
0x2f: {  	[spmem:s2] =	stream.indirect.scatter.add.f32 [tilespmem:s19], [sflag:$0x5], $0x28, s23, s18, $0xb8;
	[tilespmem:$0x16800] =	vst v63  }
0x30: {  	_ =	swait.ge [sflag:s11], $0x1400  }
0x31: {  	[sflag:s11] =	ssyncset.done $0x0  }
0x32: {  	s21 =	simm.s32 $0x200;
	[sflag:s11] =	ssyncadd.s32 $0xFFFFEC00  }
0x33: {  	[tilespmem:s19], [sflag:$0x1] =	stream.indirect.gather [spmem:s3], $0x28, s21, s18, $0xb8;
	[tilespmem:$0x16800] =	vst v63  }
0x34: {  	_ =	swait.ge [sflag:s25], $0x1400  }
0x35: {  	[sflag:s25] =	ssyncset.done $0x0  }
0x36: {  	s23 =	simm.s32 $0x2880;
	[sflag:s25] =	ssyncadd.s32 $0xFFFFEC00  }
0x37: {  	[spmem:s2] =	stream.indirect.scatter.add.f32 [tilespmem:s20], [sflag:$0x5], $0x28, s23, s18, $0xb8;
	[tilespmem:$0x16800] =	vst v63  }
0x38: {  	_ =	swait.ge [sflag:s11], $0x1400  }
0x39: {  	[sflag:s11] =	ssyncset.done $0x0  }
0x3a: {  	s21 =	simm.s32 $0x280;
	[sflag:s11] =	ssyncadd.s32 $0xFFFFEC00  }
0x3b: {  	[tilespmem:s20], [sflag:$0x2] =	stream.indirect.gather [spmem:s3], $0x28, s21, s18, $0xb8;
	[tilespmem:$0x16800] =	vst v63  }
0x3c: {  	_ =	swait.ge [sflag:s26], $0x1400  }
0x3d: {  	[sflag:s26] =	ssyncset.done $0x0  }
0x3e: {  	s23 =	simm.s32 $0x2900;
	[sflag:s26] =	ssyncadd.s32 $0xFFFFEC00  }
0x3f: {  	[spmem:s2] =	stream.indirect.scatter.add.f32 [tilespmem:s22], [sflag:$0x5], $0x28, s23, s18, $0xb8;
	[tilespmem:$0x16800] =	vst v63  }
0x40: {  	_ =	swait.ge [sflag:s11], $0x1400  }
0x41: {  	[sflag:s11] =	ssyncset.done $0x0  }
0x42: {  	s21 =	simm.s32 $0x300;
	[sflag:s11] =	ssyncadd.s32 $0xFFFFEC00  }
0x43: {  	[tilespmem:s22], [sflag:$0x3] =	stream.indirect.gather [spmem:s3], $0x28, s21, s18, $0xb8;
	[tilespmem:$0x16800] =	vst v63  }
0x44: {  	_ =	swait.ge [sflag:s28], $0x1400  }
0x45: {  	[sflag:s28] =	ssyncset.done $0x0  }
0x46: {  	s23 =	simm.s32 $0x2980;
	[sflag:s28] =	ssyncadd.s32 $0xFFFFEC00  }
0x47: {  	[spmem:s2] =	stream.indirect.scatter.add.f32 [tilespmem:s24], [sflag:$0x5], $0x28, s23, s18, $0xb8;
	[tilespmem:$0x16800] =	vst v63  }
0x48: {  	_ =	swait.ge [sflag:s11], $0x1400  }
0x49: {  	[sflag:s11] =	ssyncset.done $0x0  }
0x4a: {  	s12 =	simm.s32 $0x800;
	s21 =	simm.s32 $0x380;
	[sflag:s11] =	ssyncadd.s32 $0xFFFFEC00  }
.LBB2_2:
0x4b: {  	[tilespmem:s24], [sflag:$0x4] =	stream.indirect.gather [spmem:s3], $0x28, s21, s18, $0xb8;
	[tilespmem:$0x16800] =	vst v63  }
0x4c: {  	s21 =	smov.u32 s12  }
0x4d: {  	p0 =	sne.s32 s12, $0x9000;
	s12 =	sadd.s32 $0x800, s12;
	_ =	swait.ge [sflag:s16], $0x1400  }
0x4e: {  	s21 =	sshra.s32 s21, $0x2;
	[sflag:s16] =	ssyncset.done $0x0  }
0x4f: {  	s23 =	sadd.s32 $0x2800, s21;
	[sflag:s16] =	ssyncadd.s32 $0xFFFFEC00  }
0x50: {  	[spmem:s2] =	stream.indirect.scatter.add.f32 [tilespmem:s19], [sflag:$0x5], $0x28, s23, s18, $0xb8;
	[tilespmem:$0x16800] =	vst v63  }
0x51: {  	_ =	swait.ge [sflag:s11], $0x1400  }
0x52: {  	[sflag:s11] =	ssyncset.done $0x0  }
0x53: {  	s23 =	sadd.s32 $0x200, s21;
	[sflag:s11] =	ssyncadd.s32 $0xFFFFEC00  }
0x54: {  	[tilespmem:s19], [sflag:$0x1] =	stream.indirect.gather [spmem:s3], $0x28, s23, s18, $0xb8;
	[tilespmem:$0x16800] =	vst v63  }
0x55: {  	_ =	swait.ge [sflag:s25], $0x1400  }
0x56: {  	[sflag:s25] =	ssyncset.done $0x0  }
0x57: {  	s23 =	sadd.s32 $0x2880, s21;
	[sflag:s25] =	ssyncadd.s32 $0xFFFFEC00  }
0x58: {  	[spmem:s2] =	stream.indirect.scatter.add.f32 [tilespmem:s20], [sflag:$0x5], $0x28, s23, s18, $0xb8;
	[tilespmem:$0x16800] =	vst v63  }
0x59: {  	_ =	swait.ge [sflag:s11], $0x1400  }
0x5a: {  	[sflag:s11] =	ssyncset.done $0x0  }
0x5b: {  	s23 =	sadd.s32 $0x280, s21;
	[sflag:s11] =	ssyncadd.s32 $0xFFFFEC00  }
0x5c: {  	[tilespmem:s20], [sflag:$0x2] =	stream.indirect.gather [spmem:s3], $0x28, s23, s18, $0xb8;
	[tilespmem:$0x16800] =	vst v63  }
0x5d: {  	_ =	swait.ge [sflag:s26], $0x1400  }
0x5e: {  	[sflag:s26] =	ssyncset.done $0x0  }
0x5f: {  	s23 =	sadd.s32 $0x2900, s21;
	[sflag:s26] =	ssyncadd.s32 $0xFFFFEC00  }
0x60: {  	[spmem:s2] =	stream.indirect.scatter.add.f32 [tilespmem:s22], [sflag:$0x5], $0x28, s23, s18, $0xb8;
	[tilespmem:$0x16800] =	vst v63  }
0x61: {  	_ =	swait.ge [sflag:s11], $0x1400  }
0x62: {  	[sflag:s11] =	ssyncset.done $0x0  }
0x63: {  	s23 =	sadd.s32 $0x300, s21;
	[sflag:s11] =	ssyncadd.s32 $0xFFFFEC00  }
0x64: {  	[tilespmem:s22], [sflag:$0x3] =	stream.indirect.gather [spmem:s3], $0x28, s23, s18, $0xb8;
	[tilespmem:$0x16800] =	vst v63  }
0x65: {  	_ =	swait.ge [sflag:s28], $0x1400  }
0x66: {  	[sflag:s28] =	ssyncset.done $0x0  }
.Ltmp0:
0x67: {  	s23 =	sadd.s32 $0x2980, s21;
	[sflag:s28] =	ssyncadd.s32 $0xFFFFEC00;
	(pc) =	sbr.rel @p0 .LBB2_2-.Ltmp0, $4  }
0x68: {  	[spmem:s2] =	stream.indirect.scatter.add.f32 [tilespmem:s24], [sflag:$0x5], $0x28, s23, s18, $0xb8;
	[tilespmem:$0x16800] =	vst v63  }
0x69: {  	_ =	swait.ge [sflag:s11], $0x1400  }
0x6a: {  	[sflag:s11] =	ssyncset.done $0x0  }
0x6b: {  	s21 =	sadd.s32 $0x380, s21;
	[sflag:s11] =	ssyncadd.s32 $0xFFFFEC00  }
0x6c: {  	[tilespmem:s24], [sflag:$0x4] =	stream.indirect.gather [spmem:s3], $0x28, s21, s18, $0xb8;
	[tilespmem:$0x16800] =	vst v63  }
0x6d: {  	_ =	swait.ge [sflag:s16], $0x1400  }
0x6e: {  	[sflag:s16] =	ssyncset.done $0x0  }
0x6f: {  	[sflag:s16] =	ssyncadd.s32 $0xFFFFEC00  }
0x70: {  	[spmem:s2] =	stream.indirect.scatter.add.f32 [tilespmem:s19], [sflag:$0x5], $0x28, s29, s18, $0xb8;
	[tilespmem:$0x16800] =	vst v63  }
0x71: {  	_ =	swait.ge [sflag:s11], $0x1400  }
0x72: {  	[sflag:s11] =	ssyncset.done $0x0  }
0x73: {  	[sflag:s11] =	ssyncadd.s32 $0xFFFFEC00  }
0x74: {  	_ =	swait.ge [sflag:s25], $0x1400  }
0x75: {  	[sflag:s25] =	ssyncset.done $0x0  }
0x76: {  	[sflag:s25] =	ssyncadd.s32 $0xFFFFEC00  }
0x77: {  	[spmem:s2] =	stream.indirect.scatter.add.f32 [tilespmem:s20], [sflag:$0x5], $0x28, s30, s18, $0xb8;
	[tilespmem:$0x16800] =	vst v63  }
0x78: {  	_ =	swait.ge [sflag:s11], $0x1400  }
0x79: {  	[sflag:s11] =	ssyncset.done $0x0  }
0x7a: {  	[sflag:s11] =	ssyncadd.s32 $0xFFFFEC00  }
0x7b: {  	_ =	swait.ge [sflag:s26], $0x1400  }
0x7c: {  	[sflag:s26] =	ssyncset.done $0x0  }
0x7d: {  	[sflag:s26] =	ssyncadd.s32 $0xFFFFEC00  }
0x7e: {  	[spmem:s2] =	stream.indirect.scatter.add.f32 [tilespmem:s22], [sflag:$0x5], $0x28, s31, s18, $0xb8;
	[tilespmem:$0x16800] =	vst v63  }
0x7f: {  	_ =	swait.ge [sflag:s11], $0x1400  }
0x80: {  	[sflag:s11] =	ssyncset.done $0x0  }
0x81: {  	[sflag:s11] =	ssyncadd.s32 $0xFFFFEC00  }
0x82: {  	_ =	swait.ge [sflag:s28], $0x1400  }
0x83: {  	[sflag:s28] =	ssyncset.done $0x0  }
0x84: {  	[sflag:s28] =	ssyncadd.s32 $0xFFFFEC00  }
0x85: {  	[spmem:s2] =	stream.indirect.scatter.add.f32 [tilespmem:s24], [sflag:$0x5], $0x28, s1, s18, $0xb8;
	[tilespmem:$0x16800] =	vst v63  }
0x86: {  	_ =	swait.ge [sflag:s11], $0x1400  }
0x87: {  	s0 =	sadd.s32 $0x1, s0;
	[sflag:s11] =	ssyncset.done $0x0  }
0x88: {  	p0 =	sne.s32 s0, s10;
	[sflag:s11] =	ssyncadd.s32 $0xFFFFEC00  }
.Ltmp1:
0x89: {  	[bflag:$0x0] =	sbarrier.arrive $0xFFFF;
	(pc) =	sbr.rel @p0 .LBB2_1-.Ltmp1, $4  }
0x8a: {  	[hbm:s9@s17], [sflag:s13] =	dma.strided [spmem:s14@s11], $0xC80, s16, $0x5   }
0x8b: {  	_ =	swait.ge [sflag:s11], $0xC80  }
0x8c: {  	[sflag:s11] =	ssyncset.done $0x0  }
0x8d: {  	[sflag:s11] =	ssyncadd.s32 $0xFFFFF380  }
0x8e: {  	_ =	sfence.sel $0x180000  }
0x8f: {  	[bflag:$0x0] =	sbarrier.arrive $0xFFFF  }
0x90: {  	_ =	strace $0x9000004A  }
0x91: {  	s0 =	stileid.u32;
	[bflag:$0x2] =	sbarrier.arrive $0xFFFF  }
0x92: {  	p0 =	sne.s32 s0, $0x0;
	s0 =	rddreg [dreg:$0x3]  }
0x93: {  	s0 =	sadd.s32 @!p0 $0x100000, s0  }
0x94: {  	[sflag:s0] =	ssyncadd.tile.s32 @!p0 $0x1;
	_ =	shalt  }
.Lfunc_end2:
_tile_overlayer_lowered:
.L_overlay_start_2:
0x95: {  	(tag) =	ssettag $0x2  }
0x96: {  	s0 =	rddreg [dreg:$0x0];
	s2 =	stileid.u32  }
0x97: {  	s1 =	rddreg [dreg:$0x1];
	p0 =	sne.s32 s2, $0x0  }
0x98: {  	s3 =	rddreg [dreg:$0x2];
	[bflag:$0x3] =	sbarrier.arrive $0xFFFF;
	s2 =	simm.s32 @!p0 $0x1C05  }
0x99: {  	[timem:s3], [sflag:s2] =	dma.local @!p0 [hbm:s0], s1  }
0x9a: {  	s0 =	simm.s32 @!p0 $0x5  }
0x9b: {  	_ =	swait.ge @!p0 [sflag:s0], s1  }
0x9c: {  	s1 =	ssub.s32 @!p0 $0x0, s1;
	[sflag:s0] =	ssyncset.done @!p0 $0x0  }
0x9d: {  	[sflag:s0] =	ssyncadd.s32 @!p0 s1  }
0x9e: {  	[bflag:$0x3] =	sbarrier.arrive $0xFFFF  }
0x9f: {  	_ =	shalt  }

// kernel: kernel.14.cloned.1.call-start
scs
__scs_entry_jumppad:
0x0: {  	(pc) =	sbr.rel $0x88, $3  }
0x1: {  	(tag) =	ssettag $0x0;
	lr =	simm.s32 $0x1  }
0x2: {  	[smem:$0x3F9B] =	sst lr;
	_ =	strace $0xD0000000  }
0x3: {  	_ = 	snop  }
0x4: {  	_ = 	snop  }
0x5: {  	_ = 	snop  }
0x6: {  	_ = 	snop  }
0x7: {  	_ = 	snop  }
__scs_overlays_trampoline_lowered:
0x8: {  	[smem:$0x3FAA] =	sst s0  }
0x9: {  	[smem:$0x3FAB] =	sst s1  }
0xa: {  	[smem:$0x3FAC] =	sst s2  }
0xb: {  	[smem:$0x3FAD] =	sst s3  }
0xc: {  	[smem:$0x3FAE] =	sst s4  }
0xd: {  	[smem:$0x3FAF] =	sst s5  }
0xe: {  	[smem:$0x3FB0] =	sst s6  }
0xf: {  	[smem:$0x3FB1] =	sst s7  }
0x10: {  	[smem:$0x3FB2] =	sst s8  }
0x11: {  	[smem:$0x3FB3] =	sst s9;
	s0 =	simm.s32 @!p0 $0x0  }
0x12: {  	s1 =	sld [smem:$0x3F99];
	s0 =	simm.s32 @p0 $0x1  }
0x13: {  	[smem:$0x3FB4] =	sst s0;
	s0 =	simm.s32 @!p1 $0x0  }
0x14: {  	s2 =	sld [smem:$0x3F98];
	s0 =	simm.s32 @p1 $0x1  }
0x15: {  	[smem:$0x3FB5] =	sst s0;
	s0 =	simm.s32 @!p2 $0x0  }
0x16: {  	s3 =	sld [smem:$0x3FDB];
	s0 =	simm.s32 @p2 $0x1  }
0x17: {  	s4 =	simm.s32 $0x1BF5;
	[smem:$0x3FB7] =	sst s0  }
0x18: {  	s0 =	sld [smem:$0x3F9A];
	_ =	swait.ge [sflag:s4], $0x0  }
0x19: {  	s7 =	sld [smem:$0x3F9B]  }
0x1a: {  	s8 =	sadd.s32 $0xFFFFE003, lr  }
0x1b: {  	s9 =	sadd.s32 $0xFFFFFEF7, lr;
	s5 =	simm.s32 $0xFFFFFFFF;
	p2 =	slt.u32 s8, $0xFFFFF086  }
0x1c: {  	p1 =	slt.u32 s9, $0xF7A;
	s5 =	simm.s32 @!p2 $0x0  }
0x1d: {  	s5 =	simm.s32 @p1 $0x1;
	p0 =	seq.s32 s7, s2  }
0x1e: {  	s7 =	smul.u32 @!p0 $0xF7A, s2;
	p2 =	seq.s32 @!p0 s5, $0x0  }
0x1f: {  	s9 =	smul.u32 $0xF7A, s1;
	s8 =	simm.s32 @!p0 $0x1BF5;
	p2 =	por !p2, p0  }
0x20: {  	[sflag:s8] =	ssyncset.s32 @!p0 $0xFFFFF086;
	s6 =	sadd.s32 @!p0 s3, s7;
	s7 =	simm.s32 @!p0 $0x108  }
0x21: {  	s3 =	sadd.s32 s3, s9;
	s6 =	sadd.s32 @!p0 $0x88, s6;
	s7 =	simm.s32 @p2 $0x1082  }
0x22: {  	[simem:s7], [sflag:s8] =	dma.local @!p0 [hbm:s6], $0xF7A  }
0x23: {  	s9 =	sor.u32 $0xD0000000, s2;
	s6 =	simm.s32 $0x108;
	_ =	swait.ge @!p0 [sflag:s8], $0x0  }
0x24: {  	s3 =	sadd.s32 $0x88, s3;
	s6 =	simm.s32 @!p1 $0x1082;
	[sflag:s4] =	ssyncset.s32 $0xFFFFF086  }
0x25: {  	[simem:s6], [sflag:s4] =	dma.local [hbm:s3], $0xF7A  }
0x26: {  	[smem:$0x3F9B] =	sst s1;
	(tag) =	ssettag s2;
	_ =	strace s9  }
0x27: {  	s1 =	sld [smem:$0x3FAB]  }
0x28: {  	s2 =	sld [smem:$0x3FAC]  }
0x29: {  	s4 =	sld [smem:$0x3FAE]  }
0x2a: {  	p0 =	seq.s32 s5, $0x0;
	s5 =	sld [smem:$0x3FAF]  }
0x2b: {  	s6 =	sld [smem:$0x3FB0]  }
0x2c: {  	s7 =	sld [smem:$0x3FB1]  }
0x2d: {  	s3 =	simm.s32 $0x108;
	s8 =	sld [smem:$0x3FB2]  }
0x2e: {  	s3 =	simm.s32 @!p0 $0x1082;
	s9 =	sld [smem:$0x3FB3]  }
0x2f: {  	lr =	sadd.s32 s0, s3;
	s0 =	sld [smem:$0x3FAA]  }
0x30: {  	s3 =	sld [smem:$0x3FAD]  }
0x31: {  	[smem:$0x3FB6] =	sst s10  }
0x32: {  	s10 =	sld [smem:$0x3FB4];
	_ =	sdelay $0x3  }
0x33: {  	p0 =	seq.s32 s10, $0x1;
	s10 =	sld [smem:$0x3FB6];
	_ =	sdelay $0x3  }
0x34: {  	[smem:$0x3FB6] =	sst s10  }
0x35: {  	s10 =	sld [smem:$0x3FB5];
	_ =	sdelay $0x3  }
0x36: {  	p1 =	seq.s32 s10, $0x1;
	s10 =	sld [smem:$0x3FB6];
	_ =	sdelay $0x3  }
0x37: {  	[smem:$0x3FB6] =	sst s10  }
0x38: {  	s10 =	sld [smem:$0x3FB7]  }
0x39: {  	_ = 	snop;
	(pc) =	sbr.ind lr, $3  }
0x3a: {  	_ = 	snop  }
0x3b: {  	_ = 	snop  }
0x3c: {  	p2 =	seq.s32 s10, $0x1;
	s10 =	sld [smem:$0x3FB6]  }
0x3d: {  	_ =	shalt  }
0x3e: {  	_ =	shalt  }
0x3f: {  	_ =	shalt  }
0x40: {  	_ =	shalt  }
0x41: {  	_ =	shalt  }
0x42: {  	_ =	shalt  }
0x43: {  	_ =	shalt  }
0x44: {  	_ =	shalt  }
0x45: {  	_ =	shalt  }
0x46: {  	_ =	shalt  }
0x47: {  	_ =	shalt  }
0x48: {  	_ =	shalt  }
0x49: {  	_ =	shalt  }
0x4a: {  	_ =	shalt  }
0x4b: {  	_ =	shalt  }
0x4c: {  	_ =	shalt  }
0x4d: {  	_ =	shalt  }
0x4e: {  	_ =	shalt  }
0x4f: {  	_ =	shalt  }
0x50: {  	_ =	shalt  }
0x51: {  	_ =	shalt  }
0x52: {  	_ =	shalt  }
0x53: {  	_ =	shalt  }
0x54: {  	_ =	shalt  }
0x55: {  	_ =	shalt  }
0x56: {  	_ =	shalt  }
0x57: {  	_ =	shalt  }
0x58: {  	_ =	shalt  }
0x59: {  	_ =	shalt  }
0x5a: {  	_ =	shalt  }
0x5b: {  	_ =	shalt  }
0x5c: {  	_ =	shalt  }
0x5d: {  	_ =	shalt  }
0x5e: {  	_ =	shalt  }
0x5f: {  	_ =	shalt  }
0x60: {  	_ =	shalt  }
0x61: {  	_ =	shalt  }
0x62: {  	_ =	shalt  }
0x63: {  	_ =	shalt  }
0x64: {  	_ =	shalt  }
0x65: {  	_ =	shalt  }
0x66: {  	_ =	shalt  }
0x67: {  	_ =	shalt  }
0x68: {  	_ =	shalt  }
0x69: {  	_ =	shalt  }
0x6a: {  	_ =	shalt  }
0x6b: {  	_ =	shalt  }
0x6c: {  	_ =	shalt  }
0x6d: {  	_ =	shalt  }
0x6e: {  	_ =	shalt  }
0x6f: {  	_ =	shalt  }
0x70: {  	_ =	shalt  }
0x71: {  	_ =	shalt  }
0x72: {  	_ =	shalt  }
0x73: {  	_ =	shalt  }
0x74: {  	_ =	shalt  }
0x75: {  	_ =	shalt  }
0x76: {  	_ =	shalt  }
0x77: {  	_ =	shalt  }
0x78: {  	_ =	shalt  }
0x79: {  	_ =	shalt  }
0x7a: {  	_ =	shalt  }
0x7b: {  	_ =	shalt  }
0x7c: {  	_ =	shalt  }
0x7d: {  	_ =	shalt  }
0x7e: {  	_ =	shalt  }
0x7f: {  	_ =	shalt  }
0x80: {  	_ =	shalt  }
0x81: {  	_ =	shalt  }
0x82: {  	_ =	shalt  }
0x83: {  	_ =	shalt  }
0x84: {  	_ =	shalt  }
0x85: {  	_ =	shalt  }
0x86: {  	_ =	shalt  }
0x87: {  	_ =	shalt  }
.Lfunc_end0:
.L_simem_size_0:
called_computation.2_lowered:
.L_overlay_start_0:
0x88: {  	s2 =	sld [smem:$0x3FD9]  }
0x89: {  	s3 =	sld [smem:$0x3FFE];
	_ =	sdelay $0x1  }
0x8a: {  	s1 =	srdreg.scid  }
0x8b: {  	s0 =	sand.u32 $0x1, s1  }
0x8c: {  	s16 =	sshll.u32 s0, $0xA;
	s2 =	sadd.s32 s3, s2  }
0x8d: {  	s2 =	sadd.s32 s2, s16  }
0x8e: {  	[smem:$0x3FC2] =	sst s2  }
0x8f: {  	_ = 	snop  }
0x90: {  	(tm) =	ssettm $0x1  }
0x91: {  	s17 =	sld [smem:$0x3FFB];
	_ =	sdelay $0x3  }
0x92: {  	_ =	strace s17  }
0x93: {  	s2 =	sld [smem:$0x3FFC];
	_ =	sdelay $0x3  }
0x94: {  	_ =	strace s2  }
0x95: {  	s2 =	sld [smem:$0x3FFD];
	_ =	sdelay $0x3  }
0x96: {  	_ =	strace s2  }
0x97: {  	_ =	strace $0x8FFFFFFF  }
0x98: {  	s18 =	sld [smem:$0x3FDB];
	_ =	sdelay $0x1  }
0x99: {  	s19 =	simm.s32 $_scs_section_size  }
0x9a: {  	s4 =	simm.s32 $_size__tile_overlayer_lowered;
	s5 =	simm.s32 $_tile_overlayer_lowered  }
0x9b: {  	s22 =	simm.s32 $0x1BFF;
	s21 =	sshll.u32 s5, $0x1;
	s2 =	sadd.s32 s19, s18  }
0x9c: {  	s6 =	simm.s32 $0x0;
	s20 =	sshll.u32 s4, $0x1;
	s4 =	sadd.s32 s21, s2  }
0x9d: {  	[timem:s6], [sflag:s22] =	dma.local [hbm:s4], s20  }
0x9e: {  	_ =	swait.ge [sflag:s22], s20  }
0x9f: {  	s3 =	ssub.s32 $0x0, s20;
	[sflag:s22] =	ssyncset.done $0x0  }
0xa0: {  	[sflag:s22] =	ssyncadd.s32 s3;
	_ =	sdelay $0x1  }
0xa1: {  	s23 =	simm.s32 $0x1B8B  }
0xa2: {  	_ =	swait.ge [sflag:s23], $0x1  }
0xa3: {  	[sflag:s23] =	ssyncset.done $0x0  }
0xa4: {  	s25 =	simm.s32 $0x1B8E;
	s24 =	sld [smem:$0x3FFE];
	[sflag:s23] =	ssyncadd.s32 $0xFFFFFFFF  }
0xa5: {  	s26 =	simm.s32 $execute0_lowered;
	[smem:$0x3FD2] =	sst s25  }
0xa6: {  	s4 =	sshll.u32 s26, $0x1;
	_ =	strace $0x8000004C;
	[dreg:$0x1] =	wrdreg $0xFFFFFFFF  }
0xa7: {  	s28 =	simm.s32 $_size_execute0_lowered;
	s2 =	sadd.s32 s2, s4;
	[dreg:$0x0] =	wrdreg $0x0  }
0xa8: {  	s4 =	sshll.u32 s28, $0x1;
	[dreg:$0x2] =	wrdreg s2  }
0xa9: {  	[dreg:$0x3] =	wrdreg s4  }
0xaa: {  	[dreg:$0x4] =	wrdreg $0xC0  }
0xab: {  	_ =	task [dreg:s6], $0x5FFFF  }
0xac: {  	[dreg:$0x1] =	wrdreg $0xFFFFFFFF  }
0xad: {  	[dreg:$0x0] =	wrdreg $0x60  }
0xae: {  	[dreg:$0x2] =	wrdreg s24  }
0xaf: {  	[dreg:$0x3] =	wrdreg $0x70000  }
0xb0: {  	[dreg:$0x4] =	wrdreg $0x84000  }
0xb1: {  	[dreg:$0x5] =	wrdreg $0x9  }
0xb2: {  	_ =	task.clear_ibuf [dreg:s6], $0x6FFFF;
	_ =	strace $0x9000004C  }
0xb3: {  	s29 =	simm.s32 $0x9;
	_ =	strace $0x8000004E  }
0xb4: {  	_ =	swait.ge [sflag:s29], $0x1  }
0xb5: {  	[sflag:s29] =	ssyncadd.s32 $0xFFFFFFFF  }
0xb6: {  	_ =	strace $0x9000004E  }
0xb7: {  	_ =	sfence  }
0xb8: {  	s30 =	sld [smem:$0x0];
	_ =	sdelay $0x2  }
0xb9: {  	s31 =	sshll.u32 s1, $0xD;
	s1 =	sshrl.u32 s1, $0x2  }
0xba: {  	s3 =	sand.u32 $0x4000, s31;
	s1 =	sadd.s32 s1, s30  }
0xbb: {  	s0 =	sor.u32 s3, s0;
	s1 =	sshll.u32 s1, $0x11  }
0xbc: {  	s0 =	sor.u32 s1, s0  }
0xbd: {  	s0 =	sadd.s32 $0x8F2B, s0  }
0xbe: {  	[sflag:s0] =	ssyncadd.remote.s32 $0x1  }
0xbf: {  	_ =	sfence.sel $0xFFFF  }
0xc0: {  	[dreg:$0x0] =	wrdreg $0xFFFFFFFF;
	(pc) =	sbr.abs _section_cstart, $3  }
0xc1: {  	[dreg:$0x1] =	wrdreg $0xFFFFFFFF  }
0xc2: {  	_ =	task.clear_ibuf [dreg:s6], $0x2FFFF;
	_ =	strace $0x9FFFFFFF  }
0xc3: {  	(tm) =	ssettm $0x7FFFFFFF  }
tec
execute0_lowered:
.L_overlay_start_1:
0x0: {  	(tag) =	ssettag $0x1  }
0x1: {  	s0 =	srdreg.scid;
	s1 =	rddreg [dreg:$0x0]  }
0x2: {  	s11 =	stileid.u32;
	s2 =	rddreg [dreg:$0x1]  }
0x3: {  	s16 =	simm.s32 $0x1;
	s17 =	simm.s32 $0x10;
	s18 =	simm.s32 $0x80  }
0x4: {  	s19 =	simm.s32 $0x5000;
	s22 =	simm.s32 $0x5800;
	s31 =	simm.s32 $0x6800  }
0x5: {  	s12 =	simm.s32 $0x3;
	s20 =	simm.s32 $0x5;
	s21 =	simm.s32 $0x7  }
0x6: {  	s23 =	simm.s32 $0x8;
	s24 =	simm.s32 $0x0;
	s6 =	smul.u32 $0x2800, s11  }
0x7: {  	s0 =	sand.u32 $0x1, s0;
	s7 =	smul.u32 $0x1400, s11;
	s30 =	sshll.u32 s11, $0x6  }
0x8: {  	s3 =	sshll.u32 s0, $0x4;
	s8 =	ssub.s32 $0x2, s0;
	s13 =	sor.u32 $0x1C09, s30  }
0x9: {  	s4 =	sor.u32 s11, s3;
	s3 =	rddreg [dreg:$0x2];
	s6 =	sadd.s32 s6, s1  }
0xa: {  	s9 =	sshrl.u32 s7, $0x3;
	s10 =	sshrl.u32 s8, $0x1;
	s26 =	sadd.s32 s7, s2  }
0xb: {  	s11 =	simm.s32 $0x9;
	s5 =	smul.u32 $0x2800, s4;
	s4 =	simm.s32 $0x0  }
0xc: {  	s10 =	ssub.s32 s8, s10;
	s28 =	sadd.s32 s7, s3;
	s29 =	sadd.s32 $0x16E00, s6  }
0xd: {  	s0 =	sadd.s32 s0, s6;
	s14 =	sshrl.u32 s26, $0x3;
	[smem:$0x7FF] =	sst s4  }
0xe: {  	s0 =	sadd.s32 $0x41600, s0;
	s5 =	sshrl.u32 s5, $0x3;
	_ =	strace $0x8000004D  }
.Ltmp0:
0xf: {  	[dreg:$0x7] =	wrdreg s29;
	s5 =	sadd.s32 s5, s1;
	(pc) =	sbr.rel .LBB2_1-.Ltmp0, $4  }
0x10: {  	s26 =	simm.s32 $0x6000;
	[dreg:$0x8] =	wrdreg s0;
	s25 =	sadd.s32 $0x2E00, s5  }
0x11: {  	s1 =	sadd.s32 s9, s1;
	s5 =	sadd.s32 $0xCE00, s5;
	[dreg:$0x4] =	wrdreg s25  }
0x12: {  	s10 =	smax.u32 s10, $0x1;
	s1 =	sadd.s32 $0x3EE00, s1;
	[dreg:$0x5] =	wrdreg s5  }
0x13: {  	s15 =	sshrl.u32 s28, $0x3;
	s0 =	simm.s32 $0x6C00;
	[dreg:$0x6] =	wrdreg s1  }
.LBB2_4:
0x14: {  	_ =	swait.ge [sflag:s23], $0x400  }
0x15: {  	[sflag:s23] =	ssyncset.done $0x0  }
0x16: {  	[sflag:s23] =	ssyncadd.s32 $0xFFFFFC00  }
0x17: {  	[spmem:s2] =	stream.indirect.scatter.add.f32 [tilespmem:s0], [sflag:$0x9], $0x8, s1, s18, $0xb8;
	[tilespmem:$0x9800] =	vst v63  }
0x18: {  	_ =	swait.ge [sflag:s11], $0x400  }
0x19: {  	[sflag:s11] =	ssyncset.done $0x0  }
0x1a: {  	s24 =	sadd.s32 $0x1, s24;
	[sflag:s11] =	ssyncadd.s32 $0xFFFFFC00  }
0x1b: {  	p0 =	sne.s32 s24, s10;
	[bflag:$0x0] =	sbarrier.arrive $0xFFFF  }
.Ltmp1:
0x1c: {  	s30 =	rddreg [dreg:$0x8];
	(pc) =	sbr.rel @!p0 .LBB2_5-.Ltmp1, $4  }
0x1d: {  	[hbm:s30@s17], [sflag:s13] =	dma.strided [spmem:s14@s16], $0x280, s16, $0x1   }
0x1e: {  	_ =	swait.ge [sflag:s11], $0x280  }
0x1f: {  	[sflag:s11] =	ssyncset.done $0x0  }
0x20: {  	[sflag:s11] =	ssyncadd.s32 $0xFFFFFD80  }
.LBB2_1:
0x21: {  	s1 =	rddreg [dreg:$0x4]  }
0x22: {  	[tilespmem:s4], [sflag:$0x9] =	stream.linear.gather [hbm4b:s1+s4], $0x2800, $0x38;
	[tilespmem:$0x9800] =	vst v63  }
0x23: {  	_ =	swait.ge [sflag:s11], $0x2800  }
0x24: {  	[sflag:s11] =	ssyncset.done $0x0  }
0x25: {  	s5 =	simm.s32 $0x2800;
	s28 =	rddreg [dreg:$0x5];
	[sflag:s11] =	ssyncadd.s32 $0xFFFFD800  }
0x26: {  	[tilespmem:s5], [sflag:$0x9] =	stream.linear.gather [hbm4b:s28+s4], $0x2800, $0x38;
	[tilespmem:$0x9800] =	vst v63  }
0x27: {  	_ =	swait.ge [sflag:s11], $0x2800  }
0x28: {  	[sflag:s11] =	ssyncset.done $0x0  }
0x29: {  	s29 =	rddreg [dreg:$0x6];
	[sflag:s11] =	ssyncadd.s32 $0xFFFFD800  }
0x2a: {  	[spmem:s14], [sflag:s13] =	dma.local [hbm:s29], $0x280  }
0x2b: {  	_ =	swait.ge [sflag:s11], $0x280  }
0x2c: {  	[sflag:s11] =	ssyncset.done $0x0  }
0x2d: {  	s30 =	rddreg [dreg:$0x7];
	[sflag:s11] =	ssyncadd.s32 $0xFFFFFD80  }
0x2e: {  	[spmem:s15@s16], [sflag:s13] =	dma.strided [hbm:s30@s17], $0x280, s16, $0x1   }
0x2f: {  	_ =	swait.ge [sflag:s11], $0x280  }
0x30: {  	[sflag:s11] =	ssyncset.done $0x0  }
0x31: {  	[sflag:s11] =	ssyncadd.s32 $0xFFFFFD80  }
0x32: {  	[bflag:$0x0] =	sbarrier.arrive $0xFFFF  }
0x33: {  	[tilespmem:s19], [sflag:$0x1] =	stream.indirect.gather [spmem:s3], $0x8, s4, s18, $0xb8;
	[tilespmem:$0x9800] =	vst v63  }
0x34: {  	s5 =	simm.s32 $0x5400  }
0x35: {  	[tilespmem:s5], [sflag:$0x2] =	stream.indirect.gather [spmem:s3], $0x8, s18, s18, $0xb8;
	[tilespmem:$0x9800] =	vst v63  }
0x36: {  	s6 =	simm.s32 $0x100  }
0x37: {  	[tilespmem:s22], [sflag:$0x3] =	stream.indirect.gather [spmem:s3], $0x8, s6, s18, $0xb8;
	[tilespmem:$0x9800] =	vst v63  }
0x38: {  	s7 =	simm.s32 $0x180;
	s8 =	simm.s32 $0x5C00  }
0x39: {  	[tilespmem:s8], [sflag:$0x4] =	stream.indirect.gather [spmem:s3], $0x8, s7, s18, $0xb8;
	[tilespmem:$0x9800] =	vst v63  }
0x3a: {  	s9 =	simm.s32 $0x200  }
0x3b: {  	[tilespmem:s26], [sflag:$0x5] =	stream.indirect.gather [spmem:s3], $0x8, s9, s18, $0xb8;
	[tilespmem:$0x9800] =	vst v63  }
0x3c: {  	s25 =	simm.s32 $0x280;
	s28 =	simm.s32 $0x6400  }
0x3d: {  	[tilespmem:s28], [sflag:$0x6] =	stream.indirect.gather [spmem:s3], $0x8, s25, s18, $0xb8;
	[tilespmem:$0x9800] =	vst v63  }
0x3e: {  	s29 =	simm.s32 $0x300  }
0x3f: {  	[tilespmem:s31], [sflag:$0x7] =	stream.indirect.gather [spmem:s3], $0x8, s29, s18, $0xb8;
	[tilespmem:$0x9800] =	vst v63  }
0x40: {  	s30 =	simm.s32 $0x380;
	s25 =	simm.s32 $0x0  }
0x41: {  	[tilespmem:s0], [sflag:$0x8] =	stream.indirect.gather [spmem:s3], $0x8, s30, s18, $0xb8;
	[tilespmem:$0x9800] =	vst v63  }
.LBB2_2:
0x42: {  	_ =	swait.ge [sflag:s16], $0x400  }
0x43: {  	s28 =	sshra.s32 s25, $0x2;
	[sflag:s16] =	ssyncset.done $0x0  }
0x44: {  	s1 =	sadd.s32 $0x2800, s28;
	[sflag:s16] =	ssyncadd.s32 $0xFFFFFC00  }
0x45: {  	[spmem:s2] =	stream.indirect.scatter.add.f32 [tilespmem:s19], [sflag:$0x9], $0x8, s1, s18, $0xb8;
	[tilespmem:$0x9800] =	vst v63  }
0x46: {  	_ =	swait.ge [sflag:s11], $0x400  }
0x47: {  	p0 =	seq.s32 s25, $0x9000;
	[sflag:s11] =	ssyncset.done $0x0  }
0x48: {  	s1 =	simm.s32 @p0 $0x2;
	[sflag:s11] =	ssyncadd.s32 $0xFFFFFC00  }
0x49: {  	_ =	swait.ge @p0 [sflag:s1], $0x400  }
0x4a: {  	[sflag:s1] =	ssyncset.done @p0 $0x0  }
0x4b: {  	[sflag:s1] =	ssyncadd.s32 @p0 $0xFFFFFC00;
	s1 =	sshra.s32 @p0 s25, $0x2  }
0x4c: {  	s5 =	simm.s32 @p0 $0x80;
	s7 =	simm.s32 @p0 $0x5400;
	s6 =	sadd.s32 @p0 $0x2880, s1  }
0x4d: {  	[spmem:s2] =	stream.indirect.scatter.add.f32 @p0 [tilespmem:s7], [sflag:$0x9], $0x8, s6, s5, $0xb8;
	[tilespmem:$0x9800] =	vst v63  }
0x4e: {  	s6 =	simm.s32 @p0 $0x9  }
0x4f: {  	_ =	swait.ge @p0 [sflag:s6], $0x400  }
0x50: {  	s29 =	sshra.s32 @!p0 s25, $0x2;
	s30 =	simm.s32 @!p0 $0x80;
	[sflag:s6] =	ssyncset.done @p0 $0x0  }
0x51: {  	s8 =	simm.s32 @!p0 $0x5000;
	s7 =	sadd.s32 @!p0 $0x400, s29;
	[sflag:s6] =	ssyncadd.s32 @p0 $0xFFFFFC00  }
0x52: {  	[tilespmem:s8], [sflag:$0x1] =	stream.indirect.gather @!p0 [spmem:s3], $0x8, s7, s30, $0xb8;
	[tilespmem:$0x9800] =	vst v63  }
0x53: {  	s7 =	simm.s32 @!p0 $0x2  }
0x54: {  	_ =	swait.ge @!p0 [sflag:s7], $0x400  }
0x55: {  	[sflag:s7] =	ssyncset.done @!p0 $0x0  }
0x56: {  	s8 =	simm.s32 @!p0 $0x5400;
	[sflag:s7] =	ssyncadd.s32 @!p0 $0xFFFFFC00;
	s7 =	sadd.s32 @!p0 $0x2880, s29  }
0x57: {  	[spmem:s2] =	stream.indirect.scatter.add.f32 @!p0 [tilespmem:s8], [sflag:$0x9], $0x8, s7, s30, $0xb8;
	[tilespmem:$0x9800] =	vst v63  }
0x58: {  	s7 =	simm.s32 @!p0 $0x9  }
0x59: {  	_ =	swait.ge @!p0 [sflag:s7], $0x400  }
0x5a: {  	[sflag:s7] =	ssyncset.done @!p0 $0x0  }
0x5b: {  	s9 =	sadd.s32 @!p0 $0x480, s29;
	[sflag:s7] =	ssyncadd.s32 @!p0 $0xFFFFFC00  }
0x5c: {  	[tilespmem:s8], [sflag:$0x2] =	stream.indirect.gather @!p0 [spmem:s3], $0x8, s9, s30, $0xb8;
	[tilespmem:$0x9800] =	vst v63  }
0x5d: {  	_ =	swait.ge [sflag:s12], $0x400  }
0x5e: {  	[sflag:s12] =	ssyncset.done $0x0  }
0x5f: {  	s9 =	sadd.s32 $0x2900, s28;
	[sflag:s12] =	ssyncadd.s32 $0xFFFFFC00  }
0x60: {  	[spmem:s2] =	stream.indirect.scatter.add.f32 [tilespmem:s22], [sflag:$0x9], $0x8, s9, s18, $0xb8;
	[tilespmem:$0x9800] =	vst v63  }
0x61: {  	_ =	swait.ge [sflag:s11], $0x400  }
0x62: {  	[sflag:s11] =	ssyncset.done $0x0  }
0x63: {  	s8 =	simm.s32 @p0 $0x4;
	[sflag:s11] =	ssyncadd.s32 $0xFFFFFC00  }
0x64: {  	_ =	swait.ge @p0 [sflag:s8], $0x400  }
0x65: {  	[sflag:s8] =	ssyncset.done @p0 $0x0  }
0x66: {  	s9 =	simm.s32 @p0 $0x5C00;
	[sflag:s8] =	ssyncadd.s32 @p0 $0xFFFFFC00;
	s8 =	sadd.s32 @p0 $0x2980, s1  }
0x67: {  	[spmem:s2] =	stream.indirect.scatter.add.f32 @p0 [tilespmem:s9], [sflag:$0x9], $0x8, s8, s5, $0xb8;
	[tilespmem:$0x9800] =	vst v63  }
0x68: {  	_ =	swait.ge @p0 [sflag:s6], $0x400  }
0x69: {  	[sflag:s6] =	ssyncset.done @p0 $0x0  }
0x6a: {  	s8 =	sadd.s32 @!p0 $0x500, s29;
	s9 =	simm.s32 @!p0 $0x5800;
	[sflag:s6] =	ssyncadd.s32 @p0 $0xFFFFFC00  }
0x6b: {  	[tilespmem:s9], [sflag:$0x3] =	stream.indirect.gather @!p0 [spmem:s3], $0x8, s8, s30, $0xb8;
	[tilespmem:$0x9800] =	vst v63  }
0x6c: {  	s8 =	simm.s32 @!p0 $0x4  }
0x6d: {  	_ =	swait.ge @!p0 [sflag:s8], $0x400  }
0x6e: {  	[sflag:s8] =	ssyncset.done @!p0 $0x0  }
0x6f: {  	s9 =	simm.s32 @!p0 $0x5C00;
	[sflag:s8] =	ssyncadd.s32 @!p0 $0xFFFFFC00;
	s8 =	sadd.s32 @!p0 $0x2980, s29  }
0x70: {  	[spmem:s2] =	stream.indirect.scatter.add.f32 @!p0 [tilespmem:s9], [sflag:$0x9], $0x8, s8, s30, $0xb8;
	[tilespmem:$0x9800] =	vst v63  }
0x71: {  	_ =	swait.ge @!p0 [sflag:s7], $0x400  }
0x72: {  	[sflag:s7] =	ssyncset.done @!p0 $0x0  }
0x73: {  	s8 =	sadd.s32 @!p0 $0x580, s29;
	[sflag:s7] =	ssyncadd.s32 @!p0 $0xFFFFFC00  }
0x74: {  	[tilespmem:s9], [sflag:$0x4] =	stream.indirect.gather @!p0 [spmem:s3], $0x8, s8, s30, $0xb8;
	[tilespmem:$0x9800] =	vst v63  }
0x75: {  	_ =	swait.ge [sflag:s20], $0x400  }
0x76: {  	[sflag:s20] =	ssyncset.done $0x0  }
0x77: {  	s9 =	sadd.s32 $0x2A00, s28;
	[sflag:s20] =	ssyncadd.s32 $0xFFFFFC00  }
0x78: {  	[spmem:s2] =	stream.indirect.scatter.add.f32 [tilespmem:s26], [sflag:$0x9], $0x8, s9, s18, $0xb8;
	[tilespmem:$0x9800] =	vst v63  }
0x79: {  	_ =	swait.ge [sflag:s11], $0x400  }
0x7a: {  	[sflag:s11] =	ssyncset.done $0x0  }
0x7b: {  	s8 =	simm.s32 @p0 $0x6;
	[sflag:s11] =	ssyncadd.s32 $0xFFFFFC00  }
0x7c: {  	_ =	swait.ge @p0 [sflag:s8], $0x400  }
0x7d: {  	[sflag:s8] =	ssyncset.done @p0 $0x0  }
0x7e: {  	s1 =	sadd.s32 @p0 $0x2A80, s1;
	[sflag:s8] =	ssyncadd.s32 @p0 $0xFFFFFC00;
	s8 =	simm.s32 @p0 $0x6400  }
0x7f: {  	[spmem:s2] =	stream.indirect.scatter.add.f32 @p0 [tilespmem:s8], [sflag:$0x9], $0x8, s1, s5, $0xb8;
	[tilespmem:$0x9800] =	vst v63  }
0x80: {  	_ =	swait.ge @p0 [sflag:s6], $0x400  }
0x81: {  	[sflag:s6] =	ssyncset.done @p0 $0x0  }
0x82: {  	s1 =	sadd.s32 @!p0 $0x600, s29;
	s5 =	simm.s32 @!p0 $0x6000;
	[sflag:s6] =	ssyncadd.s32 @p0 $0xFFFFFC00  }
0x83: {  	[tilespmem:s5], [sflag:$0x5] =	stream.indirect.gather @!p0 [spmem:s3], $0x8, s1, s30, $0xb8;
	[tilespmem:$0x9800] =	vst v63  }
0x84: {  	s1 =	simm.s32 @!p0 $0x6  }
0x85: {  	_ =	swait.ge @!p0 [sflag:s1], $0x400  }
0x86: {  	[sflag:s1] =	ssyncset.done @!p0 $0x0  }
0x87: {  	s5 =	simm.s32 @!p0 $0x6400;
	[sflag:s1] =	ssyncadd.s32 @!p0 $0xFFFFFC00;
	s1 =	sadd.s32 @!p0 $0x2A80, s29  }
0x88: {  	[spmem:s2] =	stream.indirect.scatter.add.f32 @!p0 [tilespmem:s5], [sflag:$0x9], $0x8, s1, s30, $0xb8;
	[tilespmem:$0x9800] =	vst v63  }
0x89: {  	_ =	swait.ge @!p0 [sflag:s7], $0x400  }
0x8a: {  	[sflag:s7] =	ssyncset.done @!p0 $0x0  }
0x8b: {  	s1 =	sadd.s32 @!p0 $0x680, s29;
	[sflag:s7] =	ssyncadd.s32 @!p0 $0xFFFFFC00  }
0x8c: {  	[tilespmem:s5], [sflag:$0x6] =	stream.indirect.gather @!p0 [spmem:s3], $0x8, s1, s30, $0xb8;
	[tilespmem:$0x9800] =	vst v63  }
0x8d: {  	_ =	swait.ge [sflag:s21], $0x400  }
0x8e: {  	[sflag:s21] =	ssyncset.done $0x0  }
.Ltmp2:
0x8f: {  	s30 =	sadd.s32 $0x2B00, s28;
	[sflag:s21] =	ssyncadd.s32 $0xFFFFFC00;
	(pc) =	sbr.rel @p0 .LBB2_4-.Ltmp2, $4  }
0x90: {  	[spmem:s2] =	stream.indirect.scatter.add.f32 [tilespmem:s31], [sflag:$0x9], $0x8, s30, s18, $0xb8;
	[tilespmem:$0x9800] =	vst v63  }
0x91: {  	_ =	swait.ge [sflag:s11], $0x400  }
0x92: {  	[sflag:s11] =	ssyncset.done $0x0  }
0x93: {  	s1 =	sadd.s32 $0x2B80, s28;
	[sflag:s11] =	ssyncadd.s32 $0xFFFFFC00  }
0x94: {  	s5 =	sadd.s32 $0x700, s28  }
0x95: {  	[tilespmem:s31], [sflag:$0x7] =	stream.indirect.gather [spmem:s3], $0x8, s5, s18, $0xb8;
	[tilespmem:$0x9800] =	vst v63  }
0x96: {  	_ =	swait.ge [sflag:s23], $0x400  }
0x97: {  	[sflag:s23] =	ssyncset.done $0x0  }
0x98: {  	[sflag:s23] =	ssyncadd.s32 $0xFFFFFC00  }
0x99: {  	[spmem:s2] =	stream.indirect.scatter.add.f32 [tilespmem:s0], [sflag:$0x9], $0x8, s1, s18, $0xb8;
	[tilespmem:$0x9800] =	vst v63  }
.Ltmp3:
0x9a: {  	_ = 	snop;
	(pc) =	sbr.rel .LBB2_2-.Ltmp3, $4  }
0x9b: {  	_ =	swait.ge [sflag:s11], $0x400  }
0x9c: {  	[sflag:s11] =	ssyncset.done $0x0  }
0x9d: {  	s30 =	sadd.s32 $0x780, s28;
	s25 =	sadd.s32 $0x1000, s25;
	[sflag:s11] =	ssyncadd.s32 $0xFFFFFC00  }
0x9e: {  	[tilespmem:s0], [sflag:$0x8] =	stream.indirect.gather [spmem:s3], $0x8, s30, s18, $0xb8;
	[tilespmem:$0x9800] =	vst v63  }
.LBB2_5:
0x9f: {  	_ =	sfence.sel $0x180000  }
0xa0: {  	[bflag:$0x0] =	sbarrier.arrive $0xFFFF  }
0xa1: {  	_ =	strace $0x9000004D  }
0xa2: {  	s0 =	stileid.u32;
	[bflag:$0x2] =	sbarrier.arrive $0xFFFF  }
0xa3: {  	p0 =	sne.s32 s0, $0x0;
	s0 =	rddreg [dreg:$0x3]  }
0xa4: {  	s0 =	sadd.s32 @!p0 $0x100000, s0  }
0xa5: {  	[sflag:s0] =	ssyncadd.tile.s32 @!p0 $0x1;
	_ =	shalt  }
.Lfunc_end2:
_tile_overlayer_lowered:
.L_overlay_start_2:
0xa6: {  	(tag) =	ssettag $0x2  }
0xa7: {  	s0 =	rddreg [dreg:$0x0];
	s2 =	stileid.u32  }
0xa8: {  	s1 =	rddreg [dreg:$0x1];
	p0 =	sne.s32 s2, $0x0  }
0xa9: {  	s3 =	rddreg [dreg:$0x2];
	[bflag:$0x3] =	sbarrier.arrive $0xFFFF;
	s2 =	simm.s32 @!p0 $0x1C09  }
0xaa: {  	[timem:s3], [sflag:s2] =	dma.local @!p0 [hbm:s0], s1  }
0xab: {  	s0 =	simm.s32 @!p0 $0x9  }
0xac: {  	_ =	swait.ge @!p0 [sflag:s0], s1  }
0xad: {  	s1 =	ssub.s32 @!p0 $0x0, s1;
	[sflag:s0] =	ssyncset.done @!p0 $0x0  }
0xae: {  	[sflag:s0] =	ssyncadd.s32 @!p0 s1  }
0xaf: {  	[bflag:$0x3] =	sbarrier.arrive $0xFFFF  }
0xb0: {  	_ =	shalt  }

// kernel: kernel.8.cloned.1.call-start
scs
__scs_entry_jumppad:
0x0: {  	(pc) =	sbr.rel $0x88, $3  }
0x1: {  	(tag) =	ssettag $0x0;
	lr =	simm.s32 $0x1  }
0x2: {  	[smem:$0x3F9B] =	sst lr;
	_ =	strace $0xD0000000  }
0x3: {  	_ = 	snop  }
0x4: {  	_ = 	snop  }
0x5: {  	_ = 	snop  }
0x6: {  	_ = 	snop  }
0x7: {  	_ = 	snop  }
__scs_overlays_trampoline_lowered:
0x8: {  	[smem:$0x3FAA] =	sst s0  }
0x9: {  	[smem:$0x3FAB] =	sst s1  }
0xa: {  	[smem:$0x3FAC] =	sst s2  }
0xb: {  	[smem:$0x3FAD] =	sst s3  }
0xc: {  	[smem:$0x3FAE] =	sst s4  }
0xd: {  	[smem:$0x3FAF] =	sst s5  }
0xe: {  	[smem:$0x3FB0] =	sst s6  }
0xf: {  	[smem:$0x3FB1] =	sst s7  }
0x10: {  	[smem:$0x3FB2] =	sst s8  }
0x11: {  	[smem:$0x3FB3] =	sst s9;
	s0 =	simm.s32 @!p0 $0x0  }
0x12: {  	s1 =	sld [smem:$0x3F99];
	s0 =	simm.s32 @p0 $0x1  }
0x13: {  	[smem:$0x3FB4] =	sst s0;
	s0 =	simm.s32 @!p1 $0x0  }
0x14: {  	s2 =	sld [smem:$0x3F98];
	s0 =	simm.s32 @p1 $0x1  }
0x15: {  	[smem:$0x3FB5] =	sst s0;
	s0 =	simm.s32 @!p2 $0x0  }
0x16: {  	s3 =	sld [smem:$0x3FDB];
	s0 =	simm.s32 @p2 $0x1  }
0x17: {  	s4 =	simm.s32 $0x1BF5;
	[smem:$0x3FB7] =	sst s0  }
0x18: {  	s0 =	sld [smem:$0x3F9A];
	_ =	swait.ge [sflag:s4], $0x0  }
0x19: {  	s7 =	sld [smem:$0x3F9B]  }
0x1a: {  	s8 =	sadd.s32 $0xFFFFE003, lr  }
0x1b: {  	s9 =	sadd.s32 $0xFFFFFEF7, lr;
	s5 =	simm.s32 $0xFFFFFFFF;
	p2 =	slt.u32 s8, $0xFFFFF086  }
0x1c: {  	p1 =	slt.u32 s9, $0xF7A;
	s5 =	simm.s32 @!p2 $0x0  }
0x1d: {  	s5 =	simm.s32 @p1 $0x1;
	p0 =	seq.s32 s7, s2  }
0x1e: {  	s7 =	smul.u32 @!p0 $0xF7A, s2;
	p2 =	seq.s32 @!p0 s5, $0x0  }
0x1f: {  	s9 =	smul.u32 $0xF7A, s1;
	s8 =	simm.s32 @!p0 $0x1BF5;
	p2 =	por !p2, p0  }
0x20: {  	[sflag:s8] =	ssyncset.s32 @!p0 $0xFFFFF086;
	s6 =	sadd.s32 @!p0 s3, s7;
	s7 =	simm.s32 @!p0 $0x108  }
0x21: {  	s3 =	sadd.s32 s3, s9;
	s6 =	sadd.s32 @!p0 $0x88, s6;
	s7 =	simm.s32 @p2 $0x1082  }
0x22: {  	[simem:s7], [sflag:s8] =	dma.local @!p0 [hbm:s6], $0xF7A  }
0x23: {  	s9 =	sor.u32 $0xD0000000, s2;
	s6 =	simm.s32 $0x108;
	_ =	swait.ge @!p0 [sflag:s8], $0x0  }
0x24: {  	s3 =	sadd.s32 $0x88, s3;
	s6 =	simm.s32 @!p1 $0x1082;
	[sflag:s4] =	ssyncset.s32 $0xFFFFF086  }
0x25: {  	[simem:s6], [sflag:s4] =	dma.local [hbm:s3], $0xF7A  }
0x26: {  	[smem:$0x3F9B] =	sst s1;
	(tag) =	ssettag s2;
	_ =	strace s9  }
0x27: {  	s1 =	sld [smem:$0x3FAB]  }
0x28: {  	s2 =	sld [smem:$0x3FAC]  }
0x29: {  	s4 =	sld [smem:$0x3FAE]  }
0x2a: {  	p0 =	seq.s32 s5, $0x0;
	s5 =	sld [smem:$0x3FAF]  }
0x2b: {  	s6 =	sld [smem:$0x3FB0]  }
0x2c: {  	s7 =	sld [smem:$0x3FB1]  }
0x2d: {  	s3 =	simm.s32 $0x108;
	s8 =	sld [smem:$0x3FB2]  }
0x2e: {  	s3 =	simm.s32 @!p0 $0x1082;
	s9 =	sld [smem:$0x3FB3]  }
0x2f: {  	lr =	sadd.s32 s0, s3;
	s0 =	sld [smem:$0x3FAA]  }
0x30: {  	s3 =	sld [smem:$0x3FAD]  }
0x31: {  	[smem:$0x3FB6] =	sst s10  }
0x32: {  	s10 =	sld [smem:$0x3FB4];
	_ =	sdelay $0x3  }
0x33: {  	p0 =	seq.s32 s10, $0x1;
	s10 =	sld [smem:$0x3FB6];
	_ =	sdelay $0x3  }
0x34: {  	[smem:$0x3FB6] =	sst s10  }
0x35: {  	s10 =	sld [smem:$0x3FB5];
	_ =	sdelay $0x3  }
0x36: {  	p1 =	seq.s32 s10, $0x1;
	s10 =	sld [smem:$0x3FB6];
	_ =	sdelay $0x3  }
0x37: {  	[smem:$0x3FB6] =	sst s10  }
0x38: {  	s10 =	sld [smem:$0x3FB7]  }
0x39: {  	_ = 	snop;
	(pc) =	sbr.ind lr, $3  }
0x3a: {  	_ = 	snop  }
0x3b: {  	_ = 	snop  }
0x3c: {  	p2 =	seq.s32 s10, $0x1;
	s10 =	sld [smem:$0x3FB6]  }
0x3d: {  	_ =	shalt  }
0x3e: {  	_ =	shalt  }
0x3f: {  	_ =	shalt  }
0x40: {  	_ =	shalt  }
0x41: {  	_ =	shalt  }
0x42: {  	_ =	shalt  }
0x43: {  	_ =	shalt  }
0x44: {  	_ =	shalt  }
0x45: {  	_ =	shalt  }
0x46: {  	_ =	shalt  }
0x47: {  	_ =	shalt  }
0x48: {  	_ =	shalt  }
0x49: {  	_ =	shalt  }
0x4a: {  	_ =	shalt  }
0x4b: {  	_ =	shalt  }
0x4c: {  	_ =	shalt  }
0x4d: {  	_ =	shalt  }
0x4e: {  	_ =	shalt  }
0x4f: {  	_ =	shalt  }
0x50: {  	_ =	shalt  }
0x51: {  	_ =	shalt  }
0x52: {  	_ =	shalt  }
0x53: {  	_ =	shalt  }
0x54: {  	_ =	shalt  }
0x55: {  	_ =	shalt  }
0x56: {  	_ =	shalt  }
0x57: {  	_ =	shalt  }
0x58: {  	_ =	shalt  }
0x59: {  	_ =	shalt  }
0x5a: {  	_ =	shalt  }
0x5b: {  	_ =	shalt  }
0x5c: {  	_ =	shalt  }
0x5d: {  	_ =	shalt  }
0x5e: {  	_ =	shalt  }
0x5f: {  	_ =	shalt  }
0x60: {  	_ =	shalt  }
0x61: {  	_ =	shalt  }
0x62: {  	_ =	shalt  }
0x63: {  	_ =	shalt  }
0x64: {  	_ =	shalt  }
0x65: {  	_ =	shalt  }
0x66: {  	_ =	shalt  }
0x67: {  	_ =	shalt  }
0x68: {  	_ =	shalt  }
0x69: {  	_ =	shalt  }
0x6a: {  	_ =	shalt  }
0x6b: {  	_ =	shalt  }
0x6c: {  	_ =	shalt  }
0x6d: {  	_ =	shalt  }
0x6e: {  	_ =	shalt  }
0x6f: {  	_ =	shalt  }
0x70: {  	_ =	shalt  }
0x71: {  	_ =	shalt  }
0x72: {  	_ =	shalt  }
0x73: {  	_ =	shalt  }
0x74: {  	_ =	shalt  }
0x75: {  	_ =	shalt  }
0x76: {  	_ =	shalt  }
0x77: {  	_ =	shalt  }
0x78: {  	_ =	shalt  }
0x79: {  	_ =	shalt  }
0x7a: {  	_ =	shalt  }
0x7b: {  	_ =	shalt  }
0x7c: {  	_ =	shalt  }
0x7d: {  	_ =	shalt  }
0x7e: {  	_ =	shalt  }
0x7f: {  	_ =	shalt  }
0x80: {  	_ =	shalt  }
0x81: {  	_ =	shalt  }
0x82: {  	_ =	shalt  }
0x83: {  	_ =	shalt  }
0x84: {  	_ =	shalt  }
0x85: {  	_ =	shalt  }
0x86: {  	_ =	shalt  }
0x87: {  	_ =	shalt  }
.Lfunc_end0:
.L_simem_size_0:
called_computation_lowered:
.L_overlay_start_0:
0x88: {  	s2 =	sld [smem:$0x3FD9]  }
0x89: {  	s3 =	sld [smem:$0x3FFE];
	_ =	sdelay $0x1  }
0x8a: {  	s1 =	srdreg.scid  }
0x8b: {  	s0 =	sand.u32 $0x1, s1  }
0x8c: {  	s17 =	sshll.u32 s0, $0xA;
	s2 =	sadd.s32 s3, s2  }
0x8d: {  	s2 =	sadd.s32 s2, s17  }
0x8e: {  	[smem:$0x3FC2] =	sst s2  }
0x8f: {  	_ = 	snop  }
0x90: {  	s2 =	sld [smem:$0x3FD0];
	(tm) =	ssettm $0x1  }
0x91: {  	s18 =	sld [smem:$0x3FFB];
	_ =	sdelay $0x3  }
0x92: {  	_ =	strace s18  }
0x93: {  	s3 =	sld [smem:$0x3FFC];
	_ =	sdelay $0x3  }
0x94: {  	_ =	strace s3  }
0x95: {  	s3 =	sld [smem:$0x3FFD];
	_ =	sdelay $0x3  }
0x96: {  	_ =	strace s3  }
0x97: {  	_ =	strace $0x8FFFFFFF  }
0x98: {  	s19 =	sld [smem:$0x3FDB];
	_ =	sdelay $0x1  }
0x99: {  	s4 =	simm.s32 $_scs_section_size  }
0x9a: {  	s5 =	simm.s32 $_size__tile_overlayer_lowered;
	s6 =	simm.s32 $_tile_overlayer_lowered  }
0x9b: {  	s22 =	simm.s32 $0x1BFF;
	s21 =	sshll.u32 s6, $0x1;
	s3 =	sadd.s32 s4, s19  }
0x9c: {  	s7 =	simm.s32 $0x0;
	s20 =	sshll.u32 s5, $0x1;
	s5 =	sadd.s32 s21, s3  }
0x9d: {  	[timem:s7], [sflag:s22] =	dma.local [hbm:s5], s20  }
0x9e: {  	_ =	swait.ge [sflag:s22], s20  }
0x9f: {  	s4 =	ssub.s32 $0x0, s20;
	[sflag:s22] =	ssyncset.done $0x0  }
0xa0: {  	[sflag:s22] =	ssyncadd.s32 s4;
	_ =	sdelay $0x1  }
0xa1: {  	s23 =	simm.s32 $0x1B8B  }
0xa2: {  	_ =	swait.ge [sflag:s23], $0x1  }
0xa3: {  	[sflag:s23] =	ssyncset.done $0x0  }
0xa4: {  	s25 =	simm.s32 $0x1B8E;
	s24 =	sld [smem:$0x3FFE];
	[sflag:s23] =	ssyncadd.s32 $0xFFFFFFFF  }
0xa5: {  	s26 =	simm.s32 $execute0_lowered;
	[smem:$0x3FD2] =	sst s25  }
0xa6: {  	s5 =	sshll.u32 s26, $0x1;
	_ =	strace $0x80000046;
	[dreg:$0x1] =	wrdreg $0xFFFFFFFF  }
0xa7: {  	s28 =	simm.s32 $_size_execute0_lowered;
	s3 =	sadd.s32 s3, s5;
	[dreg:$0x0] =	wrdreg $0x0  }
0xa8: {  	s5 =	sshll.u32 s28, $0x1;
	[dreg:$0x2] =	wrdreg s3  }
0xa9: {  	[dreg:$0x3] =	wrdreg s5  }
0xaa: {  	[dreg:$0x4] =	wrdreg $0xC0  }
0xab: {  	_ =	task [dreg:s7], $0x5FFFF  }
0xac: {  	[dreg:$0x1] =	wrdreg $0xFFFFFFFF  }
0xad: {  	[dreg:$0x0] =	wrdreg $0x60  }
0xae: {  	[dreg:$0x2] =	wrdreg s24  }
0xaf: {  	[dreg:$0x3] =	wrdreg s2  }
0xb0: {  	[dreg:$0x4] =	wrdreg $0x28800  }
0xb1: {  	[dreg:$0x5] =	wrdreg $0x9  }
0xb2: {  	_ =	task.clear_ibuf [dreg:s7], $0x6FFFF;
	_ =	strace $0x90000046  }
0xb3: {  	s29 =	simm.s32 $0x9;
	_ =	strace $0x80000048  }
0xb4: {  	_ =	swait.ge [sflag:s29], $0x1  }
0xb5: {  	[sflag:s29] =	ssyncadd.s32 $0xFFFFFFFF  }
0xb6: {  	_ =	strace $0x90000048  }
0xb7: {  	_ =	sfence  }
0xb8: {  	s30 =	sld [smem:$0x0];
	_ =	sdelay $0x2  }
0xb9: {  	s31 =	sshll.u32 s1, $0xD;
	s1 =	sshrl.u32 s1, $0x2  }
0xba: {  	s3 =	sand.u32 $0x4000, s31;
	s1 =	sadd.s32 s1, s30  }
0xbb: {  	s0 =	sor.u32 s3, s0;
	s1 =	sshll.u32 s1, $0x11  }
0xbc: {  	s0 =	sor.u32 s1, s0  }
0xbd: {  	s0 =	sadd.s32 $0x8F2B, s0  }
0xbe: {  	[sflag:s0] =	ssyncadd.remote.s32 $0x1  }
0xbf: {  	_ =	sfence.sel $0xFFFF  }
0xc0: {  	[dreg:$0x0] =	wrdreg $0xFFFFFFFF;
	(pc) =	sbr.abs _section_cstart, $3  }
0xc1: {  	[dreg:$0x1] =	wrdreg $0xFFFFFFFF  }
0xc2: {  	_ =	task.clear_ibuf [dreg:s7], $0x2FFFF;
	_ =	strace $0x9FFFFFFF  }
0xc3: {  	(tm) =	ssettm $0x7FFFFFFF  }
tec
execute0_lowered:
.L_overlay_start_1:
0x0: {  	(tag) =	ssettag $0x1  }
0x1: {  	s5 =	rddreg [dreg:$0x0]  }
0x2: {  	s1 =	srdreg.scid;
	s7 =	rddreg [dreg:$0x1]  }
0x3: {  	s0 =	stileid.u32;
	s2 =	rddreg [dreg:$0x2]  }
0x4: {  	s3 =	simm.s32 $0x0;
	s13 =	simm.s32 $0x80;
	s14 =	simm.s32 $0x1  }
0x5: {  	s15 =	simm.s32 $0x0;
	s6 =	sand.u32 $0x1, s1;
	s1 =	rddreg [dreg:$0x3]  }
0x6: {  	s8 =	smul.u32 $0x280, s0;
	[smem:$0x7FF] =	sst s3;
	s31 =	sshll.u32 s0, $0x6  }
0x7: {  	s4 =	sshll.u32 s6, $0x4;
	_ =	strace $0x80000047;
	s11 =	smul.u32 $0x2800, s6  }
0x8: {  	s6 =	ssub.s32 $0x2, s6;
	s4 =	sor.u32 s0, s4;
	s9 =	sshrl.u32 s8, $0x3  }
0x9: {  	s12 =	sshrl.u32 s6, $0x1;
	s30 =	sadd.s32 s8, s2;
	s10 =	smul.u32 $0x2800, s4  }
0xa: {  	s9 =	sadd.s32 s9, s5;
	s4 =	sadd.s32 $0x17400, s5;
	s28 =	sadd.s32 s8, s11  }
0xb: {  	s29 =	ssub.s32 s6, s12;
	s11 =	sor.u32 $0x1C02, s31;
	s12 =	sshrl.u32 s30, $0x3  }
0xc: {  	s6 =	sadd.s32 $0x16E00, s9;
	s8 =	smax.u32 s29, $0x1;
	s10 =	sshrl.u32 s10, $0x3  }
0xd: {  	s9 =	simm.s32 $0x2;
	s5 =	sadd.s32 s5, s10;
	s10 =	sshrl.u32 s28, $0x3  }
0xe: {  	s5 =	sadd.s32 $0xCE00, s5;
	s7 =	sadd.s32 s7, s10;
	s10 =	simm.s32 $0x2800  }
.LBB2_1:
0xf: {  	[tilespmem:s3], [sflag:$0x2] =	stream.linear.gather [hbm4b:s5+s3], $0x2800, $0x38;
	[tilespmem:$0x2B00] =	vst v63  }
0x10: {  	_ =	swait.ge [sflag:s9], $0x2800  }
0x11: {  	[sflag:s9] =	ssyncset.done $0x0  }
0x12: {  	[sflag:s9] =	ssyncadd.s32 $0xFFFFD800  }
0x13: {  	[tilespmem:s10], [sflag:$0x2] =	stream.linear.gather [hbm4b:s4+s3], $0x80, $0x38;
	[tilespmem:$0x2B00] =	vst v63  }
0x14: {  	_ =	swait.ge [sflag:s9], $0x80  }
0x15: {  	[sflag:s9] =	ssyncset.done $0x0  }
0x16: {  	[sflag:s9] =	ssyncadd.s32 $0xFFFFFF80  }
0x17: {  	[spmem:s12], [sflag:s11] =	dma.local [hbm:s6], $0x50  }
0x18: {  	_ =	swait.ge [sflag:s9], $0x50  }
0x19: {  	[sflag:s9] =	ssyncset.done $0x0  }
0x1a: {  	[sflag:s9] =	ssyncadd.s32 $0xFFFFFFB0  }
0x1b: {  	s16 =	simm.s32 $0x0;
	[bflag:$0x0] =	sbarrier.arrive $0xFFFF  }
.LBB2_2:
0x1c: {  	p0 =	sne.s32 s16, $0x9E00  }
.Ltmp0:
0x1d: {  	_ = 	snop;
	(pc) =	sbr.rel @p0 .LBB2_2-.Ltmp0, $3  }
0x1e: {  	_ =	sdelay $0x1  }
0x1f: {  	s17 =	sshra.s32 s16, $0x2;
	s16 =	sadd.s32 $0x200, s16  }
0x20: {  	[spmem:s2] =	stream.indirect.scatter.add.f32 [tilespmem:s10], [sflag:$0x1], $0x1, s17, s13, $0xb8;
	[tilespmem:$0x2B00] =	vst v63  }
0x21: {  	_ =	swait.ge [sflag:s14], $0x80  }
0x22: {  	s16 =	simm.s32 $0x4F;
	[sflag:s14] =	ssyncset.done $0x0  }
.LBB2_4:
0x23: {  	p0 =	sne.s32 s16, $0x1;
	s16 =	sadd.s32 $0xFFFFFFFF, s16;
	[sflag:s14] =	ssyncadd.s32 $0xFFFFFF80  }
.Ltmp1:
0x24: {  	(pc) =	sbr.rel @p0 .LBB2_4-.Ltmp1, $3  }
0x25: {  	_ =	sdelay $0x1  }
0x26: {  	_ =	swait.ge [sflag:s14], $0x80  }
0x27: {  	[sflag:s14] =	ssyncset.done $0x0  }
0x28: {  	s15 =	sadd.s32 $0x1, s15  }
0x29: {  	[sflag:s14] =	ssyncadd.s32 $0xFFFFFF80;
	p0 =	sne.s32 s15, s8  }
.Ltmp2:
0x2a: {  	[bflag:$0x0] =	sbarrier.arrive $0xFFFF;
	(pc) =	sbr.rel @p0 .LBB2_1-.Ltmp2, $4  }
0x2b: {  	[hbm:s7], [sflag:s11] =	dma.local [spmem:s12], $0x50  }
0x2c: {  	_ =	swait.ge [sflag:s9], $0x50  }
0x2d: {  	[sflag:s9] =	ssyncset.done $0x0  }
0x2e: {  	[sflag:s9] =	ssyncadd.s32 $0xFFFFFFB0  }
0x2f: {  	_ =	sfence.sel $0x180000  }
0x30: {  	[bflag:$0x0] =	sbarrier.arrive $0xFFFF  }
0x31: {  	p0 =	sne.s32 s0, $0x0;
	_ =	strace $0x90000047  }
0x32: {  	s0 =	sadd.s32 @!p0 $0x100000, s1;
	[bflag:$0x2] =	sbarrier.arrive $0xFFFF  }
0x33: {  	[sflag:s0] =	ssyncadd.tile.s32 @!p0 $0x1;
	_ =	shalt  }
.Lfunc_end2:
_tile_overlayer_lowered:
.L_overlay_start_2:
0x34: {  	(tag) =	ssettag $0x2  }
0x35: {  	s0 =	rddreg [dreg:$0x0];
	s2 =	stileid.u32  }
0x36: {  	s1 =	rddreg [dreg:$0x1];
	p0 =	sne.s32 s2, $0x0  }
0x37: {  	s3 =	rddreg [dreg:$0x2];
	[bflag:$0x3] =	sbarrier.arrive $0xFFFF;
	s2 =	simm.s32 @!p0 $0x1C02  }
0x38: {  	[timem:s3], [sflag:s2] =	dma.local @!p0 [hbm:s0], s1  }
0x39: {  	s0 =	simm.s32 @!p0 $0x2  }
0x3a: {  	_ =	swait.ge @!p0 [sflag:s0], s1  }
0x3b: {  	s1 =	ssub.s32 @!p0 $0x0, s1;
	[sflag:s0] =	ssyncset.done @!p0 $0x0  }
0x3c: {  	[sflag:s0] =	ssyncadd.s32 @!p0 s1  }
0x3d: {  	[bflag:$0x3] =	sbarrier.arrive $0xFFFF  }
0x3e: {  	_ =	shalt  }

</sc_bundles>
